<compile_context>
chip_gen: v7x
topology: tpu7x:2x2x1
jax: 0.10.2.dev20260603
libtpu: 0.0.44.dev20260713+nightly
codegen_flags: <defaults>
</compile_context>

<pallas_src>
import functools

import jax
import jax.numpy as jnp
from jax import lax
from jax.experimental import pallas as pl
from jax.experimental.pallas import tpu as pltpu
from jax.experimental.pallas import tpu_sc as plsc

_BLOCKS = 12
_BS = 8
_N = 677
_NUM_POINTS = 100
_NUM_GT = 4
_SCALE = 4
_NUM_PATCHES = _N - 1 - _NUM_POINTS
_KK = int(_N * _N * 0.5)

_NBUCKET = 32768
_NWORKER = 32
_RCH = 48
_NFULL = _N // _RCH
_RTAIL = _N - _NFULL * _RCH
_CFULL = (_N // 16) * 16



def _sc_threshold_kernel(attns_hbm, thr_hbm, buf0, buf1, tbuf, hist, tvec,
                         sem0, sem1):
    cid = lax.axis_index("c")
    sid = lax.axis_index("s")
    wid = cid * 16 + sid
    blk = _BLOCKS - _SCALE + wid // 8
    b = wid % 8

    zeros = jnp.zeros((16,), jnp.float32)
    ones = jnp.ones((16,), jnp.float32)

    @plsc.parallel_loop(0, _NBUCKET, 16, unroll=4)
    def _zero(i):
        hist[pl.ds(i, 16)] = zeros

    iota = lax.broadcasted_iota(jnp.int32, (16,), 0)
    tailmask = iota >= (16 - (_N - _CFULL))

    def consume(buf2, nrows):
        def rbody(r, cc):
            @plsc.parallel_loop(0, _CFULL, 16, unroll=4)
            def _b(i):
                x = buf2[r, pl.ds(i, 16)]
                bidx = (x * float(_NBUCKET)).astype(jnp.int32)
                plsc.addupdate_scatter(hist, [bidx], ones)
            x = buf2[r, pl.ds(_N - 16, 16)]
            bidx = (x * float(_NBUCKET)).astype(jnp.int32)
            plsc.addupdate_scatter(hist, [bidx], ones, mask=tailmask)
            return cc
        lax.fori_loop(0, nrows, rbody, 0)

    bufs = (buf0, buf1)
    sems = (sem0, sem1)
    dma = pltpu.async_copy(attns_hbm.at[blk, pl.ds(0, _RCH), b, :], buf0, sem0)
    for c in range(_NFULL):
        dma.wait()
        if c + 1 < _NFULL:
            dma = pltpu.async_copy(
                attns_hbm.at[blk, pl.ds((c + 1) * _RCH, _RCH), b, :],
                bufs[(c + 1) % 2], sems[(c + 1) % 2])
        elif _RTAIL:
            dma = pltpu.async_copy(
                attns_hbm.at[blk, pl.ds(_NFULL * _RCH, _RTAIL), b, :],
                tbuf, sems[(c + 1) % 2])
        consume(bufs[c % 2], _RCH)
    if _RTAIL:
        dma.wait()
        consume(tbuf, _RTAIL)

    def sbody(i, carry):
        cum, bsel = carry
        h = hist[pl.ds(i * 16, 16)]
        cs = plsc.cumsum(h)
        cnt = jnp.sum((cum + cs <= float(_KK)).astype(jnp.float32))
        bsel = jnp.where(cnt > 0.0, i * 16 + cnt.astype(jnp.int32), bsel)
        return cum + jnp.sum(h), bsel

    _, bsel = lax.fori_loop(0, _NBUCKET // 16, sbody,
                            (jnp.float32(0.0), jnp.int32(0)))

    t = bsel.astype(jnp.float32) * (1.0 / float(_NBUCKET))
    tvec[...] = jnp.full((16,), 0.0, jnp.float32) + t
    pltpu.sync_copy(tvec, thr_hbm.at[wid])


def _sc_thresholds(attns_maps):
    mesh = plsc.VectorSubcoreMesh(core_axis_name="c", subcore_axis_name="s")
    k = functools.partial(
        pl.kernel,
        mesh=mesh,
        compiler_params=pltpu.CompilerParams(needs_layout_passes=False),
        out_type=jax.ShapeDtypeStruct((_NWORKER, 16), jnp.float32),
        scratch_types=[
            pltpu.VMEM((_RCH, _N), jnp.float32),
            pltpu.VMEM((_RCH, _N), jnp.float32),
            pltpu.VMEM((_RTAIL, _N), jnp.float32),
            pltpu.VMEM((_NBUCKET,), jnp.float32),
            pltpu.VMEM((16,), jnp.float32),
            pltpu.SemaphoreType.DMA,
            pltpu.SemaphoreType.DMA,
        ],
    )(_sc_threshold_kernel)
    return k(attns_maps)



def _rollout_kernel(pos_ref, thr_ref, attn_ref, rows_ref, out_ref, out3_ref,
                    w_ref):
    b = pl.program_id(0)
    j = pl.program_id(1)

    a = attn_ref[0, 0]
    tb = thr_ref[(_SCALE - 2 - j) * _BS + b]
    a_bits = jax.lax.bitcast_convert_type(a, jnp.int32)
    f = jnp.where(a_bits >= tb, a, 0.0)

    inv = 1.0 / (jnp.sum(f, axis=1) + 1.0)

    @pl.when(j == 0)
    def _start():
        t11 = thr_ref[(_SCALE - 1) * _BS + b]
        for g in range(_NUM_GT):
            r = _N - _NUM_POINTS + pos_ref[b, g]
            raw = rows_ref[0, g : g + 1, :]
            rbits = jax.lax.bitcast_convert_type(raw, jnp.int32)
            row = jnp.where(rbits >= t11, raw, 0.0)
            col = jax.lax.broadcasted_iota(jnp.int32, (1, _N), 1)
            row = row + jnp.where(col == r, 1.0, 0.0)
            row = row * (1.0 / jnp.sum(row))
            w_ref[g, :] = row[0, :]
            out3_ref[0, 0, g, :] = row[0, 1 : 1 + _NUM_PATCHES]

    w = w_ref[0:_NUM_GT, :]
    u = w * inv[None, :]
    w_new = jnp.dot(u, f, preferred_element_type=jnp.float32) + u
    w_ref[0:_NUM_GT, :] = w_new
    out_ref[0, 0, :, :] = w_new[:, 1 : 1 + _NUM_PATCHES]


def kernel(attns_maps, pos_inds):
    pos = pos_inds.astype(jnp.int32)
    xs = attns_maps[_BLOCKS - _SCALE : _BLOCKS - 1]

    rows = jnp.take_along_axis(
        attns_maps[_BLOCKS - 1],
        (_N - _NUM_POINTS + pos)[:, :, None], axis=1)

    xt = jnp.transpose(attns_maps, (0, 2, 1, 3))
    thr = _sc_thresholds(xt)
    thr_bits = jax.lax.bitcast_convert_type(thr[:, 0], jnp.int32)

    grid_spec = pltpu.PrefetchScalarGridSpec(
        num_scalar_prefetch=2,
        grid=(_BS, _SCALE - 1),
        in_specs=[
            pl.BlockSpec(
                (1, 1, _N, _N),
                lambda b, j, pos_ref, thr_ref: (_SCALE - 2 - j, b, 0, 0),
            ),
            pl.BlockSpec(
                (1, _NUM_GT, _N),
                lambda b, j, pos_ref, thr_ref: (b, 0, 0),
            ),
        ],
        out_specs=[
            pl.BlockSpec(
                (1, 1, _NUM_GT, _NUM_PATCHES),
                lambda b, j, pos_ref, thr_ref: (b, _SCALE - 2 - j, 0, 0),
            ),
            pl.BlockSpec(
                (1, 1, _NUM_GT, _NUM_PATCHES),
                lambda b, j, pos_ref, thr_ref: (b, 0, 0, 0),
            ),
        ],
        scratch_shapes=[pltpu.VMEM((8, _N), jnp.float32)],
    )

    out, out3 = pl.pallas_call(
        _rollout_kernel,
        grid_spec=grid_spec,
        out_shape=[
            jax.ShapeDtypeStruct(
                (_BS, _SCALE - 1, _NUM_GT, _NUM_PATCHES), jnp.float32),
            jax.ShapeDtypeStruct((_BS, 1, _NUM_GT, _NUM_PATCHES), jnp.float32),
        ],
    )(pos, thr_bits, xs, rows)

    full = jnp.concatenate([out, out3], axis=1)
    return jnp.transpose(full, (0, 2, 1, 3)).reshape(
        _BS * _NUM_GT, _SCALE, _NUM_PATCHES
    )

# --- scband reference (transcript-rebuilt; emitter-appended) ---
"""Pipeline reference for scband-attn-latent-scale-selection-head-28518582845718 (READ-ONLY COPY).

The authoritative reference and input builder live on the scoring server;
editing this copy changes nothing except your own understanding.
"""

import jax, jax.numpy as jnp
import numpy as np

BLOCKS = 12
BS = 8
N = 677  # 1 cls + 576 patches + 100 points
NUM_POINTS = 100
NUM_GT = 4
SCALE = 4
DISCARD = 0.5


def setup_inputs(seed: int = 0) -> dict:
    key = jax.random.key(seed)
    k1, k2 = jax.random.split(key)
    attns_maps = jax.random.uniform(k1, (BLOCKS, BS, N, N), dtype=jnp.float32)
    pos_inds = jax.random.randint(k2, (BS, NUM_GT), 0, NUM_POINTS).astype(jnp.int64)
    return {"attns_maps": attns_maps, "pos_inds": pos_inds}


def reference(attns_maps, pos_inds):
    blocks, bs, n, _ = attns_maps.shape
    # ---- filter: zero out the smallest `discard` fraction of each image's flattened attention map, per block ----
    kk = int(n * n * DISCARD)
    flat = attns_maps.reshape(blocks, bs, n * n)
    _, idx = jax.lax.top_k(-flat, kk)  # indices of the kk smallest entries
    b_idx = jnp.arange(blocks)[:, None, None]
    s_idx = jnp.arange(bs)[None, :, None]
    flat = flat.at[b_idx, s_idx, idx].set(0.0)
    attns = flat.reshape(blocks, bs, n, n)
    # ---- multiple: attention rollout with residual ----
    eye = jnp.eye(n, dtype=attns.dtype)
    aug = attns + eye
    aug = aug / jnp.sum(aug, axis=-1, keepdims=True)
    joint = [None] * blocks
    joint[blocks - 1] = aug[blocks - 1]
    for i in range(2, blocks + 1):
        joint[blocks - i] = jnp.matmul(joint[blocks - i + 1], aug[blocks - i])
    joint = jnp.stack(joint, axis=0)              # (blocks, bs, N, N)
    joint = jnp.transpose(joint, (1, 0, 2, 3))    # (bs, blocks, N, N)
    # ---- scale_method == 'auto': keep last `scale` blocks ----
    joint = joint[:, -SCALE:, :, :]               # (bs, scale, N, N)
    # ---- extract point-query attention over patch tokens ----
    point_attn = joint[:, :, -NUM_POINTS:, 1:-NUM_POINTS]  # (bs, scale, num_points, num_patches)
    # ---- gather matched (pos) point queries per image ----
    gathered = jnp.take_along_axis(
        point_attn, pos_inds[:, None, :, None].astype(jnp.int32), axis=2
    )                                              # (bs, scale, num_gt, num_patches)
    matched = jnp.transpose(gathered, (0, 2, 1, 3))
    num_patches = n - 1 - NUM_POINTS
    multiple_cams = matched.reshape(bs * NUM_GT, SCALE, num_patches)
    return multiple_cams

if __name__ == "__main__":
    import jax
    _d = setup_inputs()
    print(jax.jit(kernel)(*tuple(_d.values())))

</pallas_src>

<mosaic_0001>
#map = affine_map<(d0, d1) -> (0, 0, 0, 0)>
#map1 = affine_map<(d0, d1) -> (0, 0)>
module attributes {stable_mosaic.version = 14 : i64} {
  func.func @_sc_threshold_kernel(%arg0: i32, %arg1: i32, %arg2: memref<12x677x8x677xf32, #tpu.memory_space<hbm>>, %arg3: memref<32x16xf32, #tpu.memory_space<hbm>>, %arg4: memref<48x677xf32, #tpu.memory_space<vmem>>, %arg5: memref<48x677xf32, #tpu.memory_space<vmem>>, %arg6: memref<5x677xf32, #tpu.memory_space<vmem>>, %arg7: memref<32768xf32, #tpu.memory_space<vmem>>, %arg8: memref<16xf32, #tpu.memory_space<vmem>>, %arg9: memref<!tpu.dma_semaphore, #tpu.memory_space<semaphore_mem>>, %arg10: memref<!tpu.dma_semaphore, #tpu.memory_space<semaphore_mem>>) attributes {dimension_semantics = [#tpu.dimension_semantics<core_parallel>, #tpu.dimension_semantics<subcore_parallel>], iteration_bounds = array<i64: 2, 16>, scalar_prefetch = 0 : i64, scratch_operands = 7 : i64, tpu.core_type = #tpu.core_type<sc_vector_subcore>, window_params = [{transform_indices = #map}, {transform_indices = #map1}]} {
    %mul3A = arith.constant 16 : i32
    %mul3A_0 = arith.muli %arg0, %mul3A : i32
    %add3A = arith.addi %mul3A_0, %arg1 : i32
    %jit3A = arith.constant 8 : i32
    %div3A = arith.divsi %add3A, %jit3A : i32
    %sign3A = arith.constant 0 : i32
    %sign3A_1 = arith.cmpi sgt, %add3A, %sign3A : i32
    %sign3A_2 = arith.extui %sign3A_1 : i1 to i32
    %sign3A_3 = arith.constant 0 : i32
    %sign3A_4 = arith.cmpi slt, %add3A, %sign3A_3 : i32
    %sign3A_5 = arith.extui %sign3A_4 : i1 to i32
    %sign3A_6 = arith.subi %sign3A_2, %sign3A_5 : i32
    %sign3A_7 = arith.constant 0 : i32
    %sign3A_8 = arith.cmpi sgt, %jit3A, %sign3A_7 : i32
    %sign3A_9 = arith.extui %sign3A_8 : i1 to i32
    %sign3A_10 = arith.constant 0 : i32
    %sign3A_11 = arith.cmpi slt, %jit3A, %sign3A_10 : i32
    %sign3A_12 = arith.extui %sign3A_11 : i1 to i32
    %sign3A_13 = arith.subi %sign3A_9, %sign3A_12 : i32
    %ne3A = arith.cmpi ne, %sign3A_6, %sign3A_13 : i32
    %rem3A = arith.remsi %add3A, %jit3A : i32
    %ne3A_14 = arith.constant 0 : i32
    %ne3A_15 = arith.cmpi ne, %rem3A, %ne3A_14 : i32
    %and3A = arith.andi %ne3A, %ne3A_15 : i1
    %sub3A = arith.constant 1 : i32
    %sub3A_16 = arith.subi %div3A, %sub3A : i32
    %select_n3A = arith.select %and3A, %sub3A_16, %div3A : i32
    %add3A_17 = arith.constant 8 : i32
    %add3A_18 = arith.addi %add3A_17, %select_n3A : i32
    %jit3A_19 = arith.constant 8 : i32
    %eq3A = arith.constant 0 : i32
    %eq3A_20 = arith.cmpi eq, %jit3A_19, %eq3A : i32
    %jit3A_21 = arith.constant 1 : i32
    %select_n3A_22 = arith.select %eq3A_20, %jit3A_21, %jit3A_19 : i32
    %rem3A_23 = arith.remsi %add3A, %select_n3A_22 : i32
    %ne3A_24 = arith.constant 0 : i32
    %ne3A_25 = arith.cmpi ne, %rem3A_23, %ne3A_24 : i32
    %lt3A = arith.constant 0 : i32
    %lt3A_26 = arith.cmpi slt, %rem3A_23, %lt3A : i32
    %lt3A_27 = arith.constant 0 : i32
    %lt3A_28 = arith.cmpi slt, %select_n3A_22, %lt3A_27 : i32
    %ne3A_29 = arith.xori %lt3A_26, %lt3A_28 : i1
    %and3A_30 = arith.andi %ne3A_29, %ne3A_25 : i1
    %add3A_31 = arith.addi %rem3A_23, %select_n3A_22 : i32
    %select_n3A_32 = arith.select %and3A_30, %add3A_31, %rem3A_23 : i32
    %broadcast_in_dim3A = arith.constant 0.000000e+00 : f32
    %broadcast_in_dim3A_33 = vector.broadcast %broadcast_in_dim3A : f32 to vector<16xf32>
    %broadcast_in_dim3A_34 = arith.constant 1.000000e+00 : f32
    %broadcast_in_dim3A_35 = vector.broadcast %broadcast_in_dim3A_34 : f32 to vector<16xf32>
    %parallel_loop3A = arith.constant 0 : i32
    %parallel_loop3A_36 = arith.constant 32768 : i32
    %parallel_loop3A_37 = arith.constant 16 : i32
    scf.for %parallel_loop3A_382 = %parallel_loop3A to %parallel_loop3A_36 step %parallel_loop3A_37  : i32 {
      %parallel_loop3A_383 = arith.index_cast %parallel_loop3A_382 : i32 to index
      %parallel_loop3A_384 = tpu.vector_load %arg7[%parallel_loop3A_383] {strides = array<i32>} : memref<32768xf32, #tpu.memory_space<vmem>>, vector<16xf32>,
      tpu.vector_store %arg7[%parallel_loop3A_383], %broadcast_in_dim3A_33 {strides = array<i32>} : memref<32768xf32, #tpu.memory_space<vmem>>, vector<16xf32>,
    } {sc.loop_unroll_factor = 4 : i64, sc.parallel_access}
    %iota3A = tpu.iota {dimensions = array<i32: 0>} : vector<16xi32>
    %ge3A = arith.constant 11 : i32
    %ge3A_38 = vector.broadcast %ge3A : i32 to vector<16xi32>
    %ge3A_39 = arith.cmpi sge, %iota3A, %ge3A_38 : vector<16xi32>
    %dma_start3A = arith.constant 0 : i32
    %dma_start3A_40 = arith.constant 0 : i32
    %dma_start3A_41 = tpu.memref_slice %arg2[%add3A_18, %dma_start3A, %select_n3A_32, %dma_start3A_40] : memref<12x677x8x677xf32, #tpu.memory_space<hbm>> -> memref<1x48x1x677xf32, #tpu.memory_space<hbm>>
    %dma_start3A_42 = tpu.memref_squeeze %dma_start3A_41 : memref<1x48x1x677xf32, #tpu.memory_space<hbm>> -> memref<48x677xf32, #tpu.memory_space<hbm>>
    %dma_start3A_43 = arith.constant 0 : i32
    %dma_start3A_44 = arith.constant 0 : i32
    %dma_start3A_45 = tpu.memref_slice %arg2[%add3A_18, %dma_start3A_43, %select_n3A_32, %dma_start3A_44] : memref<12x677x8x677xf32, #tpu.memory_space<hbm>> -> memref<1x48x1x677xf32, #tpu.memory_space<hbm>>
    %dma_start3A_46 = tpu.memref_squeeze %dma_start3A_45 : memref<1x48x1x677xf32, #tpu.memory_space<hbm>> -> memref<48x677xf32, #tpu.memory_space<hbm>>
    tpu.enqueue_dma source(%dma_start3A_46 : memref<48x677xf32, #tpu.memory_space<hbm>>) target(%arg4 : memref<48x677xf32, #tpu.memory_space<vmem>>) target_semaphore(%arg9 : memref<!tpu.dma_semaphore, #tpu.memory_space<semaphore_mem>>)
    %dma_wait3A = arith.constant 0 : i32
    %dma_wait3A_47 = arith.constant 0 : i32
    %dma_wait3A_48 = tpu.memref_slice %arg2[%add3A_18, %dma_wait3A, %select_n3A_32, %dma_wait3A_47] : memref<12x677x8x677xf32, #tpu.memory_space<hbm>> -> memref<1x48x1x677xf32, #tpu.memory_space<hbm>>
    %dma_wait3A_49 = tpu.memref_squeeze %dma_wait3A_48 : memref<1x48x1x677xf32, #tpu.memory_space<hbm>> -> memref<48x677xf32, #tpu.memory_space<hbm>>
    %dma_wait3A_50 = arith.constant 0 : i32
    %dma_wait3A_51 = arith.constant 0 : i32
    %dma_wait3A_52 = tpu.memref_slice %arg2[%add3A_18, %dma_wait3A_50, %select_n3A_32, %dma_wait3A_51] : memref<12x677x8x677xf32, #tpu.memory_space<hbm>> -> memref<1x48x1x677xf32, #tpu.memory_space<hbm>>
    %dma_wait3A_53 = tpu.memref_squeeze %dma_wait3A_52 : memref<1x48x1x677xf32, #tpu.memory_space<hbm>> -> memref<48x677xf32, #tpu.memory_space<hbm>>
    tpu.wait_dma2 semaphore(%arg9 : memref<!tpu.dma_semaphore, #tpu.memory_space<semaphore_mem>>) src(%dma_wait3A_53 : memref<48x677xf32, #tpu.memory_space<hbm>>) dst(%arg4 : memref<48x677xf32, #tpu.memory_space<vmem>>)
    %dma_start3A_54 = arith.constant 48 : i32
    %dma_start3A_55 = arith.constant 0 : i32
    %dma_start3A_56 = tpu.memref_slice %arg2[%add3A_18, %dma_start3A_54, %select_n3A_32, %dma_start3A_55] : memref<12x677x8x677xf32, #tpu.memory_space<hbm>> -> memref<1x48x1x677xf32, #tpu.memory_space<hbm>>
    %dma_start3A_57 = tpu.memref_squeeze %dma_start3A_56 : memref<1x48x1x677xf32, #tpu.memory_space<hbm>> -> memref<48x677xf32, #tpu.memory_space<hbm>>
    %dma_start3A_58 = arith.constant 48 : i32
    %dma_start3A_59 = arith.constant 0 : i32
    %dma_start3A_60 = tpu.memref_slice %arg2[%add3A_18, %dma_start3A_58, %select_n3A_32, %dma_start3A_59] : memref<12x677x8x677xf32, #tpu.memory_space<hbm>> -> memref<1x48x1x677xf32, #tpu.memory_space<hbm>>
    %dma_start3A_61 = tpu.memref_squeeze %dma_start3A_60 : memref<1x48x1x677xf32, #tpu.memory_space<hbm>> -> memref<48x677xf32, #tpu.memory_space<hbm>>
    tpu.enqueue_dma source(%dma_start3A_61 : memref<48x677xf32, #tpu.memory_space<hbm>>) target(%arg5 : memref<48x677xf32, #tpu.memory_space<vmem>>) target_semaphore(%arg10 : memref<!tpu.dma_semaphore, #tpu.memory_space<semaphore_mem>>)
    %scan3A = arith.constant 0 : i32
    %scan3A_62 = arith.constant 0 : i32
    %scan3A_63 = arith.constant 48 : i32
    %scan3A_64 = arith.addi %scan3A_62, %scan3A_63 : i32
    %scan3A_65 = arith.constant 1 : i32
    scf.for %scan3A_382 = %scan3A_62 to %scan3A_64 step %scan3A_65  : i32 {
      %parallel_loop3A_383 = arith.constant 0 : i32
      %parallel_loop3A_384 = arith.constant 672 : i32
      %parallel_loop3A_385 = arith.constant 16 : i32
      scf.for %parallel_loop3A_392 = %parallel_loop3A_383 to %parallel_loop3A_384 step %parallel_loop3A_385  : i32 {
        %parallel_loop3A_393 = arith.index_cast %scan3A_382 : i32 to index
        %parallel_loop3A_394 = arith.index_cast %parallel_loop3A_392 : i32 to index
        %parallel_loop3A_395 = tpu.vector_load %arg4[%parallel_loop3A_393, %parallel_loop3A_394] {strides = array<i32>} : memref<48x677xf32, #tpu.memory_space<vmem>>, vector<16xf32>,
        %parallel_loop3A_396 = arith.constant 3.276800e+04 : f32
        %parallel_loop3A_397 = vector.broadcast %parallel_loop3A_396 : f32 to vector<16xf32>
        %parallel_loop3A_398 = arith.mulf %parallel_loop3A_395, %parallel_loop3A_397 : vector<16xf32>
        %parallel_loop3A_399 = arith.fptosi %parallel_loop3A_398 : vector<16xf32> to vector<16xi32>
        tpu.vector_store_idx %arg7[%parallel_loop3A_399], %broadcast_in_dim3A_35 {add = true} : memref<32768xf32, #tpu.memory_space<vmem>>[vector<16xi32>], vector<16xf32>,
      } {sc.loop_unroll_factor = 4 : i64, sc.parallel_access}
      %get3A = arith.index_cast %scan3A_382 : i32 to index
      %get3A_386 = arith.constant 661 : index
      %get3A_387 = tpu.vector_load %arg4[%get3A, %get3A_386] {strides = array<i32>} : memref<48x677xf32, #tpu.memory_space<vmem>>, vector<16xf32>,
      %mul3A_388 = arith.constant 3.276800e+04 : f32
      %mul3A_389 = vector.broadcast %mul3A_388 : f32 to vector<16xf32>
      %mul3A_390 = arith.mulf %get3A_387, %mul3A_389 : vector<16xf32>
      %convert_element_type3A_391 = arith.fptosi %mul3A_390 : vector<16xf32> to vector<16xi32>
      tpu.vector_store_idx %arg7[%convert_element_type3A_391], %broadcast_in_dim3A_35 masked %ge3A_39 {add = true} : memref<32768xf32, #tpu.memory_space<vmem>>[vector<16xi32>], vector<16xf32>, vector<16xi1>
    }
    %scan3A_66 = arith.constant 48 : i32
    %dma_wait3A_67 = arith.constant 48 : i32
    %dma_wait3A_68 = arith.constant 0 : i32
    %dma_wait3A_69 = tpu.memref_slice %arg2[%add3A_18, %dma_wait3A_67, %select_n3A_32, %dma_wait3A_68] : memref<12x677x8x677xf32, #tpu.memory_space<hbm>> -> memref<1x48x1x677xf32, #tpu.memory_space<hbm>>
    %dma_wait3A_70 = tpu.memref_squeeze %dma_wait3A_69 : memref<1x48x1x677xf32, #tpu.memory_space<hbm>> -> memref<48x677xf32, #tpu.memory_space<hbm>>
    %dma_wait3A_71 = arith.constant 48 : i32
    %dma_wait3A_72 = arith.constant 0 : i32
    %dma_wait3A_73 = tpu.memref_slice %arg2[%add3A_18, %dma_wait3A_71, %select_n3A_32, %dma_wait3A_72] : memref<12x677x8x677xf32, #tpu.memory_space<hbm>> -> memref<1x48x1x677xf32, #tpu.memory_space<hbm>>
    %dma_wait3A_74 = tpu.memref_squeeze %dma_wait3A_73 : memref<1x48x1x677xf32, #tpu.memory_space<hbm>> -> memref<48x677xf32, #tpu.memory_space<hbm>>
    tpu.wait_dma2 semaphore(%arg10 : memref<!tpu.dma_semaphore, #tpu.memory_space<semaphore_mem>>) src(%dma_wait3A_74 : memref<48x677xf32, #tpu.memory_space<hbm>>) dst(%arg5 : memref<48x677xf32, #tpu.memory_space<vmem>>)
    %dma_start3A_75 = arith.constant 96 : i32
    %dma_start3A_76 = arith.constant 0 : i32
    %dma_start3A_77 = tpu.memref_slice %arg2[%add3A_18, %dma_start3A_75, %select_n3A_32, %dma_start3A_76] : memref<12x677x8x677xf32, #tpu.memory_space<hbm>> -> memref<1x48x1x677xf32, #tpu.memory_space<hbm>>
    %dma_start3A_78 = tpu.memref_squeeze %dma_start3A_77 : memref<1x48x1x677xf32, #tpu.memory_space<hbm>> -> memref<48x677xf32, #tpu.memory_space<hbm>>
    %dma_start3A_79 = arith.constant 96 : i32
    %dma_start3A_80 = arith.constant 0 : i32
    %dma_start3A_81 = tpu.memref_slice %arg2[%add3A_18, %dma_start3A_79, %select_n3A_32, %dma_start3A_80] : memref<12x677x8x677xf32, #tpu.memory_space<hbm>> -> memref<1x48x1x677xf32, #tpu.memory_space<hbm>>
    %dma_start3A_82 = tpu.memref_squeeze %dma_start3A_81 : memref<1x48x1x677xf32, #tpu.memory_space<hbm>> -> memref<48x677xf32, #tpu.memory_space<hbm>>
    tpu.enqueue_dma source(%dma_start3A_82 : memref<48x677xf32, #tpu.memory_space<hbm>>) target(%arg4 : memref<48x677xf32, #tpu.memory_space<vmem>>) target_semaphore(%arg9 : memref<!tpu.dma_semaphore, #tpu.memory_space<semaphore_mem>>)
    %scan3A_83 = arith.constant 0 : i32
    %scan3A_84 = arith.constant 0 : i32
    %scan3A_85 = arith.constant 48 : i32
    %scan3A_86 = arith.addi %scan3A_84, %scan3A_85 : i32
    %scan3A_87 = arith.constant 1 : i32
    scf.for %scan3A_382 = %scan3A_84 to %scan3A_86 step %scan3A_87  : i32 {
      %parallel_loop3A_383 = arith.constant 0 : i32
      %parallel_loop3A_384 = arith.constant 672 : i32
      %parallel_loop3A_385 = arith.constant 16 : i32
      scf.for %parallel_loop3A_392 = %parallel_loop3A_383 to %parallel_loop3A_384 step %parallel_loop3A_385  : i32 {
        %parallel_loop3A_393 = arith.index_cast %scan3A_382 : i32 to index
        %parallel_loop3A_394 = arith.index_cast %parallel_loop3A_392 : i32 to index
        %parallel_loop3A_395 = tpu.vector_load %arg5[%parallel_loop3A_393, %parallel_loop3A_394] {strides = array<i32>} : memref<48x677xf32, #tpu.memory_space<vmem>>, vector<16xf32>,
        %parallel_loop3A_396 = arith.constant 3.276800e+04 : f32
        %parallel_loop3A_397 = vector.broadcast %parallel_loop3A_396 : f32 to vector<16xf32>
        %parallel_loop3A_398 = arith.mulf %parallel_loop3A_395, %parallel_loop3A_397 : vector<16xf32>
        %parallel_loop3A_399 = arith.fptosi %parallel_loop3A_398 : vector<16xf32> to vector<16xi32>
        tpu.vector_store_idx %arg7[%parallel_loop3A_399], %broadcast_in_dim3A_35 {add = true} : memref<32768xf32, #tpu.memory_space<vmem>>[vector<16xi32>], vector<16xf32>,
      } {sc.loop_unroll_factor = 4 : i64, sc.parallel_access}
      %get3A = arith.index_cast %scan3A_382 : i32 to index
      %get3A_386 = arith.constant 661 : index
      %get3A_387 = tpu.vector_load %arg5[%get3A, %get3A_386] {strides = array<i32>} : memref<48x677xf32, #tpu.memory_space<vmem>>, vector<16xf32>,
      %mul3A_388 = arith.constant 3.276800e+04 : f32
      %mul3A_389 = vector.broadcast %mul3A_388 : f32 to vector<16xf32>
      %mul3A_390 = arith.mulf %get3A_387, %mul3A_389 : vector<16xf32>
      %convert_element_type3A_391 = arith.fptosi %mul3A_390 : vector<16xf32> to vector<16xi32>
      tpu.vector_store_idx %arg7[%convert_element_type3A_391], %broadcast_in_dim3A_35 masked %ge3A_39 {add = true} : memref<32768xf32, #tpu.memory_space<vmem>>[vector<16xi32>], vector<16xf32>, vector<16xi1>
    }
    %scan3A_88 = arith.constant 48 : i32
    %dma_wait3A_89 = arith.constant 96 : i32
    %dma_wait3A_90 = arith.constant 0 : i32
    %dma_wait3A_91 = tpu.memref_slice %arg2[%add3A_18, %dma_wait3A_89, %select_n3A_32, %dma_wait3A_90] : memref<12x677x8x677xf32, #tpu.memory_space<hbm>> -> memref<1x48x1x677xf32, #tpu.memory_space<hbm>>
    %dma_wait3A_92 = tpu.memref_squeeze %dma_wait3A_91 : memref<1x48x1x677xf32, #tpu.memory_space<hbm>> -> memref<48x677xf32, #tpu.memory_space<hbm>>
    %dma_wait3A_93 = arith.constant 96 : i32
    %dma_wait3A_94 = arith.constant 0 : i32
    %dma_wait3A_95 = tpu.memref_slice %arg2[%add3A_18, %dma_wait3A_93, %select_n3A_32, %dma_wait3A_94] : memref<12x677x8x677xf32, #tpu.memory_space<hbm>> -> memref<1x48x1x677xf32, #tpu.memory_space<hbm>>
    %dma_wait3A_96 = tpu.memref_squeeze %dma_wait3A_95 : memref<1x48x1x677xf32, #tpu.memory_space<hbm>> -> memref<48x677xf32, #tpu.memory_space<hbm>>
    tpu.wait_dma2 semaphore(%arg9 : memref<!tpu.dma_semaphore, #tpu.memory_space<semaphore_mem>>) src(%dma_wait3A_96 : memref<48x677xf32, #tpu.memory_space<hbm>>) dst(%arg4 : memref<48x677xf32, #tpu.memory_space<vmem>>)
    %dma_start3A_97 = arith.constant 144 : i32
    %dma_start3A_98 = arith.constant 0 : i32
    %dma_start3A_99 = tpu.memref_slice %arg2[%add3A_18, %dma_start3A_97, %select_n3A_32, %dma_start3A_98] : memref<12x677x8x677xf32, #tpu.memory_space<hbm>> -> memref<1x48x1x677xf32, #tpu.memory_space<hbm>>
    %dma_start3A_100 = tpu.memref_squeeze %dma_start3A_99 : memref<1x48x1x677xf32, #tpu.memory_space<hbm>> -> memref<48x677xf32, #tpu.memory_space<hbm>>
    %dma_start3A_101 = arith.constant 144 : i32
    %dma_start3A_102 = arith.constant 0 : i32
    %dma_start3A_103 = tpu.memref_slice %arg2[%add3A_18, %dma_start3A_101, %select_n3A_32, %dma_start3A_102] : memref<12x677x8x677xf32, #tpu.memory_space<hbm>> -> memref<1x48x1x677xf32, #tpu.memory_space<hbm>>
    %dma_start3A_104 = tpu.memref_squeeze %dma_start3A_103 : memref<1x48x1x677xf32, #tpu.memory_space<hbm>> -> memref<48x677xf32, #tpu.memory_space<hbm>>
    tpu.enqueue_dma source(%dma_start3A_104 : memref<48x677xf32, #tpu.memory_space<hbm>>) target(%arg5 : memref<48x677xf32, #tpu.memory_space<vmem>>) target_semaphore(%arg10 : memref<!tpu.dma_semaphore, #tpu.memory_space<semaphore_mem>>)
    %scan3A_105 = arith.constant 0 : i32
    %scan3A_106 = arith.constant 0 : i32
    %scan3A_107 = arith.constant 48 : i32
    %scan3A_108 = arith.addi %scan3A_106, %scan3A_107 : i32
    %scan3A_109 = arith.constant 1 : i32
    scf.for %scan3A_382 = %scan3A_106 to %scan3A_108 step %scan3A_109  : i32 {
      %parallel_loop3A_383 = arith.constant 0 : i32
      %parallel_loop3A_384 = arith.constant 672 : i32
      %parallel_loop3A_385 = arith.constant 16 : i32
      scf.for %parallel_loop3A_392 = %parallel_loop3A_383 to %parallel_loop3A_384 step %parallel_loop3A_385  : i32 {
        %parallel_loop3A_393 = arith.index_cast %scan3A_382 : i32 to index
        %parallel_loop3A_394 = arith.index_cast %parallel_loop3A_392 : i32 to index
        %parallel_loop3A_395 = tpu.vector_load %arg4[%parallel_loop3A_393, %parallel_loop3A_394] {strides = array<i32>} : memref<48x677xf32, #tpu.memory_space<vmem>>, vector<16xf32>,
        %parallel_loop3A_396 = arith.constant 3.276800e+04 : f32
        %parallel_loop3A_397 = vector.broadcast %parallel_loop3A_396 : f32 to vector<16xf32>
        %parallel_loop3A_398 = arith.mulf %parallel_loop3A_395, %parallel_loop3A_397 : vector<16xf32>
        %parallel_loop3A_399 = arith.fptosi %parallel_loop3A_398 : vector<16xf32> to vector<16xi32>
        tpu.vector_store_idx %arg7[%parallel_loop3A_399], %broadcast_in_dim3A_35 {add = true} : memref<32768xf32, #tpu.memory_space<vmem>>[vector<16xi32>], vector<16xf32>,
      } {sc.loop_unroll_factor = 4 : i64, sc.parallel_access}
      %get3A = arith.index_cast %scan3A_382 : i32 to index
      %get3A_386 = arith.constant 661 : index
      %get3A_387 = tpu.vector_load %arg4[%get3A, %get3A_386] {strides = array<i32>} : memref<48x677xf32, #tpu.memory_space<vmem>>, vector<16xf32>,
      %mul3A_388 = arith.constant 3.276800e+04 : f32
      %mul3A_389 = vector.broadcast %mul3A_388 : f32 to vector<16xf32>
      %mul3A_390 = arith.mulf %get3A_387, %mul3A_389 : vector<16xf32>
      %convert_element_type3A_391 = arith.fptosi %mul3A_390 : vector<16xf32> to vector<16xi32>
      tpu.vector_store_idx %arg7[%convert_element_type3A_391], %broadcast_in_dim3A_35 masked %ge3A_39 {add = true} : memref<32768xf32, #tpu.memory_space<vmem>>[vector<16xi32>], vector<16xf32>, vector<16xi1>
    }
    %scan3A_110 = arith.constant 48 : i32
    %dma_wait3A_111 = arith.constant 144 : i32
    %dma_wait3A_112 = arith.constant 0 : i32
    %dma_wait3A_113 = tpu.memref_slice %arg2[%add3A_18, %dma_wait3A_111, %select_n3A_32, %dma_wait3A_112] : memref<12x677x8x677xf32, #tpu.memory_space<hbm>> -> memref<1x48x1x677xf32, #tpu.memory_space<hbm>>
    %dma_wait3A_114 = tpu.memref_squeeze %dma_wait3A_113 : memref<1x48x1x677xf32, #tpu.memory_space<hbm>> -> memref<48x677xf32, #tpu.memory_space<hbm>>
    %dma_wait3A_115 = arith.constant 144 : i32
    %dma_wait3A_116 = arith.constant 0 : i32
    %dma_wait3A_117 = tpu.memref_slice %arg2[%add3A_18, %dma_wait3A_115, %select_n3A_32, %dma_wait3A_116] : memref<12x677x8x677xf32, #tpu.memory_space<hbm>> -> memref<1x48x1x677xf32, #tpu.memory_space<hbm>>
    %dma_wait3A_118 = tpu.memref_squeeze %dma_wait3A_117 : memref<1x48x1x677xf32, #tpu.memory_space<hbm>> -> memref<48x677xf32, #tpu.memory_space<hbm>>
    tpu.wait_dma2 semaphore(%arg10 : memref<!tpu.dma_semaphore, #tpu.memory_space<semaphore_mem>>) src(%dma_wait3A_118 : memref<48x677xf32, #tpu.memory_space<hbm>>) dst(%arg5 : memref<48x677xf32, #tpu.memory_space<vmem>>)
    %dma_start3A_119 = arith.constant 192 : i32
    %dma_start3A_120 = arith.constant 0 : i32
    %dma_start3A_121 = tpu.memref_slice %arg2[%add3A_18, %dma_start3A_119, %select_n3A_32, %dma_start3A_120] : memref<12x677x8x677xf32, #tpu.memory_space<hbm>> -> memref<1x48x1x677xf32, #tpu.memory_space<hbm>>
    %dma_start3A_122 = tpu.memref_squeeze %dma_start3A_121 : memref<1x48x1x677xf32, #tpu.memory_space<hbm>> -> memref<48x677xf32, #tpu.memory_space<hbm>>
    %dma_start3A_123 = arith.constant 192 : i32
    %dma_start3A_124 = arith.constant 0 : i32
    %dma_start3A_125 = tpu.memref_slice %arg2[%add3A_18, %dma_start3A_123, %select_n3A_32, %dma_start3A_124] : memref<12x677x8x677xf32, #tpu.memory_space<hbm>> -> memref<1x48x1x677xf32, #tpu.memory_space<hbm>>
    %dma_start3A_126 = tpu.memref_squeeze %dma_start3A_125 : memref<1x48x1x677xf32, #tpu.memory_space<hbm>> -> memref<48x677xf32, #tpu.memory_space<hbm>>
    tpu.enqueue_dma source(%dma_start3A_126 : memref<48x677xf32, #tpu.memory_space<hbm>>) target(%arg4 : memref<48x677xf32, #tpu.memory_space<vmem>>) target_semaphore(%arg9 : memref<!tpu.dma_semaphore, #tpu.memory_space<semaphore_mem>>)
    %scan3A_127 = arith.constant 0 : i32
    %scan3A_128 = arith.constant 0 : i32
    %scan3A_129 = arith.constant 48 : i32
    %scan3A_130 = arith.addi %scan3A_128, %scan3A_129 : i32
    %scan3A_131 = arith.constant 1 : i32
    scf.for %scan3A_382 = %scan3A_128 to %scan3A_130 step %scan3A_131  : i32 {
      %parallel_loop3A_383 = arith.constant 0 : i32
      %parallel_loop3A_384 = arith.constant 672 : i32
      %parallel_loop3A_385 = arith.constant 16 : i32
      scf.for %parallel_loop3A_392 = %parallel_loop3A_383 to %parallel_loop3A_384 step %parallel_loop3A_385  : i32 {
        %parallel_loop3A_393 = arith.index_cast %scan3A_382 : i32 to index
        %parallel_loop3A_394 = arith.index_cast %parallel_loop3A_392 : i32 to index
        %parallel_loop3A_395 = tpu.vector_load %arg5[%parallel_loop3A_393, %parallel_loop3A_394] {strides = array<i32>} : memref<48x677xf32, #tpu.memory_space<vmem>>, vector<16xf32>,
        %parallel_loop3A_396 = arith.constant 3.276800e+04 : f32
        %parallel_loop3A_397 = vector.broadcast %parallel_loop3A_396 : f32 to vector<16xf32>
        %parallel_loop3A_398 = arith.mulf %parallel_loop3A_395, %parallel_loop3A_397 : vector<16xf32>
        %parallel_loop3A_399 = arith.fptosi %parallel_loop3A_398 : vector<16xf32> to vector<16xi32>
        tpu.vector_store_idx %arg7[%parallel_loop3A_399], %broadcast_in_dim3A_35 {add = true} : memref<32768xf32, #tpu.memory_space<vmem>>[vector<16xi32>], vector<16xf32>,
      } {sc.loop_unroll_factor = 4 : i64, sc.parallel_access}
      %get3A = arith.index_cast %scan3A_382 : i32 to index
      %get3A_386 = arith.constant 661 : index
      %get3A_387 = tpu.vector_load %arg5[%get3A, %get3A_386] {strides = array<i32>} : memref<48x677xf32, #tpu.memory_space<vmem>>, vector<16xf32>,
      %mul3A_388 = arith.constant 3.276800e+04 : f32
      %mul3A_389 = vector.broadcast %mul3A_388 : f32 to vector<16xf32>
      %mul3A_390 = arith.mulf %get3A_387, %mul3A_389 : vector<16xf32>
      %convert_element_type3A_391 = arith.fptosi %mul3A_390 : vector<16xf32> to vector<16xi32>
      tpu.vector_store_idx %arg7[%convert_element_type3A_391], %broadcast_in_dim3A_35 masked %ge3A_39 {add = true} : memref<32768xf32, #tpu.memory_space<vmem>>[vector<16xi32>], vector<16xf32>, vector<16xi1>
    }
    %scan3A_132 = arith.constant 48 : i32
    %dma_wait3A_133 = arith.constant 192 : i32
    %dma_wait3A_134 = arith.constant 0 : i32
    %dma_wait3A_135 = tpu.memref_slice %arg2[%add3A_18, %dma_wait3A_133, %select_n3A_32, %dma_wait3A_134] : memref<12x677x8x677xf32, #tpu.memory_space<hbm>> -> memref<1x48x1x677xf32, #tpu.memory_space<hbm>>
    %dma_wait3A_136 = tpu.memref_squeeze %dma_wait3A_135 : memref<1x48x1x677xf32, #tpu.memory_space<hbm>> -> memref<48x677xf32, #tpu.memory_space<hbm>>
    %dma_wait3A_137 = arith.constant 192 : i32
    %dma_wait3A_138 = arith.constant 0 : i32
    %dma_wait3A_139 = tpu.memref_slice %arg2[%add3A_18, %dma_wait3A_137, %select_n3A_32, %dma_wait3A_138] : memref<12x677x8x677xf32, #tpu.memory_space<hbm>> -> memref<1x48x1x677xf32, #tpu.memory_space<hbm>>
    %dma_wait3A_140 = tpu.memref_squeeze %dma_wait3A_139 : memref<1x48x1x677xf32, #tpu.memory_space<hbm>> -> memref<48x677xf32, #tpu.memory_space<hbm>>
    tpu.wait_dma2 semaphore(%arg9 : memref<!tpu.dma_semaphore, #tpu.memory_space<semaphore_mem>>) src(%dma_wait3A_140 : memref<48x677xf32, #tpu.memory_space<hbm>>) dst(%arg4 : memref<48x677xf32, #tpu.memory_space<vmem>>)
    %dma_start3A_141 = arith.constant 240 : i32
    %dma_start3A_142 = arith.constant 0 : i32
    %dma_start3A_143 = tpu.memref_slice %arg2[%add3A_18, %dma_start3A_141, %select_n3A_32, %dma_start3A_142] : memref<12x677x8x677xf32, #tpu.memory_space<hbm>> -> memref<1x48x1x677xf32, #tpu.memory_space<hbm>>
    %dma_start3A_144 = tpu.memref_squeeze %dma_start3A_143 : memref<1x48x1x677xf32, #tpu.memory_space<hbm>> -> memref<48x677xf32, #tpu.memory_space<hbm>>
    %dma_start3A_145 = arith.constant 240 : i32
    %dma_start3A_146 = arith.constant 0 : i32
    %dma_start3A_147 = tpu.memref_slice %arg2[%add3A_18, %dma_start3A_145, %select_n3A_32, %dma_start3A_146] : memref<12x677x8x677xf32, #tpu.memory_space<hbm>> -> memref<1x48x1x677xf32, #tpu.memory_space<hbm>>
    %dma_start3A_148 = tpu.memref_squeeze %dma_start3A_147 : memref<1x48x1x677xf32, #tpu.memory_space<hbm>> -> memref<48x677xf32, #tpu.memory_space<hbm>>
    tpu.enqueue_dma source(%dma_start3A_148 : memref<48x677xf32, #tpu.memory_space<hbm>>) target(%arg5 : memref<48x677xf32, #tpu.memory_space<vmem>>) target_semaphore(%arg10 : memref<!tpu.dma_semaphore, #tpu.memory_space<semaphore_mem>>)
    %scan3A_149 = arith.constant 0 : i32
    %scan3A_150 = arith.constant 0 : i32
    %scan3A_151 = arith.constant 48 : i32
    %scan3A_152 = arith.addi %scan3A_150, %scan3A_151 : i32
    %scan3A_153 = arith.constant 1 : i32
    scf.for %scan3A_382 = %scan3A_150 to %scan3A_152 step %scan3A_153  : i32 {
      %parallel_loop3A_383 = arith.constant 0 : i32
      %parallel_loop3A_384 = arith.constant 672 : i32
      %parallel_loop3A_385 = arith.constant 16 : i32
      scf.for %parallel_loop3A_392 = %parallel_loop3A_383 to %parallel_loop3A_384 step %parallel_loop3A_385  : i32 {
        %parallel_loop3A_393 = arith.index_cast %scan3A_382 : i32 to index
        %parallel_loop3A_394 = arith.index_cast %parallel_loop3A_392 : i32 to index
        %parallel_loop3A_395 = tpu.vector_load %arg4[%parallel_loop3A_393, %parallel_loop3A_394] {strides = array<i32>} : memref<48x677xf32, #tpu.memory_space<vmem>>, vector<16xf32>,
        %parallel_loop3A_396 = arith.constant 3.276800e+04 : f32
        %parallel_loop3A_397 = vector.broadcast %parallel_loop3A_396 : f32 to vector<16xf32>
        %parallel_loop3A_398 = arith.mulf %parallel_loop3A_395, %parallel_loop3A_397 : vector<16xf32>
        %parallel_loop3A_399 = arith.fptosi %parallel_loop3A_398 : vector<16xf32> to vector<16xi32>
        tpu.vector_store_idx %arg7[%parallel_loop3A_399], %broadcast_in_dim3A_35 {add = true} : memref<32768xf32, #tpu.memory_space<vmem>>[vector<16xi32>], vector<16xf32>,
      } {sc.loop_unroll_factor = 4 : i64, sc.parallel_access}
      %get3A = arith.index_cast %scan3A_382 : i32 to index
      %get3A_386 = arith.constant 661 : index
      %get3A_387 = tpu.vector_load %arg4[%get3A, %get3A_386] {strides = array<i32>} : memref<48x677xf32, #tpu.memory_space<vmem>>, vector<16xf32>,
      %mul3A_388 = arith.constant 3.276800e+04 : f32
      %mul3A_389 = vector.broadcast %mul3A_388 : f32 to vector<16xf32>
      %mul3A_390 = arith.mulf %get3A_387, %mul3A_389 : vector<16xf32>
      %convert_element_type3A_391 = arith.fptosi %mul3A_390 : vector<16xf32> to vector<16xi32>
      tpu.vector_store_idx %arg7[%convert_element_type3A_391], %broadcast_in_dim3A_35 masked %ge3A_39 {add = true} : memref<32768xf32, #tpu.memory_space<vmem>>[vector<16xi32>], vector<16xf32>, vector<16xi1>
    }
    %scan3A_154 = arith.constant 48 : i32
    %dma_wait3A_155 = arith.constant 240 : i32
    %dma_wait3A_156 = arith.constant 0 : i32
    %dma_wait3A_157 = tpu.memref_slice %arg2[%add3A_18, %dma_wait3A_155, %select_n3A_32, %dma_wait3A_156] : memref<12x677x8x677xf32, #tpu.memory_space<hbm>> -> memref<1x48x1x677xf32, #tpu.memory_space<hbm>>
    %dma_wait3A_158 = tpu.memref_squeeze %dma_wait3A_157 : memref<1x48x1x677xf32, #tpu.memory_space<hbm>> -> memref<48x677xf32, #tpu.memory_space<hbm>>
    %dma_wait3A_159 = arith.constant 240 : i32
    %dma_wait3A_160 = arith.constant 0 : i32
    %dma_wait3A_161 = tpu.memref_slice %arg2[%add3A_18, %dma_wait3A_159, %select_n3A_32, %dma_wait3A_160] : memref<12x677x8x677xf32, #tpu.memory_space<hbm>> -> memref<1x48x1x677xf32, #tpu.memory_space<hbm>>
    %dma_wait3A_162 = tpu.memref_squeeze %dma_wait3A_161 : memref<1x48x1x677xf32, #tpu.memory_space<hbm>> -> memref<48x677xf32, #tpu.memory_space<hbm>>
    tpu.wait_dma2 semaphore(%arg10 : memref<!tpu.dma_semaphore, #tpu.memory_space<semaphore_mem>>) src(%dma_wait3A_162 : memref<48x677xf32, #tpu.memory_space<hbm>>) dst(%arg5 : memref<48x677xf32, #tpu.memory_space<vmem>>)
    %dma_start3A_163 = arith.constant 288 : i32
    %dma_start3A_164 = arith.constant 0 : i32
    %dma_start3A_165 = tpu.memref_slice %arg2[%add3A_18, %dma_start3A_163, %select_n3A_32, %dma_start3A_164] : memref<12x677x8x677xf32, #tpu.memory_space<hbm>> -> memref<1x48x1x677xf32, #tpu.memory_space<hbm>>
    %dma_start3A_166 = tpu.memref_squeeze %dma_start3A_165 : memref<1x48x1x677xf32, #tpu.memory_space<hbm>> -> memref<48x677xf32, #tpu.memory_space<hbm>>
    %dma_start3A_167 = arith.constant 288 : i32
    %dma_start3A_168 = arith.constant 0 : i32
    %dma_start3A_169 = tpu.memref_slice %arg2[%add3A_18, %dma_start3A_167, %select_n3A_32, %dma_start3A_168] : memref<12x677x8x677xf32, #tpu.memory_space<hbm>> -> memref<1x48x1x677xf32, #tpu.memory_space<hbm>>
    %dma_start3A_170 = tpu.memref_squeeze %dma_start3A_169 : memref<1x48x1x677xf32, #tpu.memory_space<hbm>> -> memref<48x677xf32, #tpu.memory_space<hbm>>
    tpu.enqueue_dma source(%dma_start3A_170 : memref<48x677xf32, #tpu.memory_space<hbm>>) target(%arg4 : memref<48x677xf32, #tpu.memory_space<vmem>>) target_semaphore(%arg9 : memref<!tpu.dma_semaphore, #tpu.memory_space<semaphore_mem>>)
    %scan3A_171 = arith.constant 0 : i32
    %scan3A_172 = arith.constant 0 : i32
    %scan3A_173 = arith.constant 48 : i32
    %scan3A_174 = arith.addi %scan3A_172, %scan3A_173 : i32
    %scan3A_175 = arith.constant 1 : i32
    scf.for %scan3A_382 = %scan3A_172 to %scan3A_174 step %scan3A_175  : i32 {
      %parallel_loop3A_383 = arith.constant 0 : i32
      %parallel_loop3A_384 = arith.constant 672 : i32
      %parallel_loop3A_385 = arith.constant 16 : i32
      scf.for %parallel_loop3A_392 = %parallel_loop3A_383 to %parallel_loop3A_384 step %parallel_loop3A_385  : i32 {
        %parallel_loop3A_393 = arith.index_cast %scan3A_382 : i32 to index
        %parallel_loop3A_394 = arith.index_cast %parallel_loop3A_392 : i32 to index
        %parallel_loop3A_395 = tpu.vector_load %arg5[%parallel_loop3A_393, %parallel_loop3A_394] {strides = array<i32>} : memref<48x677xf32, #tpu.memory_space<vmem>>, vector<16xf32>,
        %parallel_loop3A_396 = arith.constant 3.276800e+04 : f32
        %parallel_loop3A_397 = vector.broadcast %parallel_loop3A_396 : f32 to vector<16xf32>
        %parallel_loop3A_398 = arith.mulf %parallel_loop3A_395, %parallel_loop3A_397 : vector<16xf32>
        %parallel_loop3A_399 = arith.fptosi %parallel_loop3A_398 : vector<16xf32> to vector<16xi32>
        tpu.vector_store_idx %arg7[%parallel_loop3A_399], %broadcast_in_dim3A_35 {add = true} : memref<32768xf32, #tpu.memory_space<vmem>>[vector<16xi32>], vector<16xf32>,
      } {sc.loop_unroll_factor = 4 : i64, sc.parallel_access}
      %get3A = arith.index_cast %scan3A_382 : i32 to index
      %get3A_386 = arith.constant 661 : index
      %get3A_387 = tpu.vector_load %arg5[%get3A, %get3A_386] {strides = array<i32>} : memref<48x677xf32, #tpu.memory_space<vmem>>, vector<16xf32>,
      %mul3A_388 = arith.constant 3.276800e+04 : f32
      %mul3A_389 = vector.broadcast %mul3A_388 : f32 to vector<16xf32>
      %mul3A_390 = arith.mulf %get3A_387, %mul3A_389 : vector<16xf32>
      %convert_element_type3A_391 = arith.fptosi %mul3A_390 : vector<16xf32> to vector<16xi32>
      tpu.vector_store_idx %arg7[%convert_element_type3A_391], %broadcast_in_dim3A_35 masked %ge3A_39 {add = true} : memref<32768xf32, #tpu.memory_space<vmem>>[vector<16xi32>], vector<16xf32>, vector<16xi1>
    }
    %scan3A_176 = arith.constant 48 : i32
    %dma_wait3A_177 = arith.constant 288 : i32
    %dma_wait3A_178 = arith.constant 0 : i32
    %dma_wait3A_179 = tpu.memref_slice %arg2[%add3A_18, %dma_wait3A_177, %select_n3A_32, %dma_wait3A_178] : memref<12x677x8x677xf32, #tpu.memory_space<hbm>> -> memref<1x48x1x677xf32, #tpu.memory_space<hbm>>
    %dma_wait3A_180 = tpu.memref_squeeze %dma_wait3A_179 : memref<1x48x1x677xf32, #tpu.memory_space<hbm>> -> memref<48x677xf32, #tpu.memory_space<hbm>>
    %dma_wait3A_181 = arith.constant 288 : i32
    %dma_wait3A_182 = arith.constant 0 : i32
    %dma_wait3A_183 = tpu.memref_slice %arg2[%add3A_18, %dma_wait3A_181, %select_n3A_32, %dma_wait3A_182] : memref<12x677x8x677xf32, #tpu.memory_space<hbm>> -> memref<1x48x1x677xf32, #tpu.memory_space<hbm>>
    %dma_wait3A_184 = tpu.memref_squeeze %dma_wait3A_183 : memref<1x48x1x677xf32, #tpu.memory_space<hbm>> -> memref<48x677xf32, #tpu.memory_space<hbm>>
    tpu.wait_dma2 semaphore(%arg9 : memref<!tpu.dma_semaphore, #tpu.memory_space<semaphore_mem>>) src(%dma_wait3A_184 : memref<48x677xf32, #tpu.memory_space<hbm>>) dst(%arg4 : memref<48x677xf32, #tpu.memory_space<vmem>>)
    %dma_start3A_185 = arith.constant 336 : i32
    %dma_start3A_186 = arith.constant 0 : i32
    %dma_start3A_187 = tpu.memref_slice %arg2[%add3A_18, %dma_start3A_185, %select_n3A_32, %dma_start3A_186] : memref<12x677x8x677xf32, #tpu.memory_space<hbm>> -> memref<1x48x1x677xf32, #tpu.memory_space<hbm>>
    %dma_start3A_188 = tpu.memref_squeeze %dma_start3A_187 : memref<1x48x1x677xf32, #tpu.memory_space<hbm>> -> memref<48x677xf32, #tpu.memory_space<hbm>>
    %dma_start3A_189 = arith.constant 336 : i32
    %dma_start3A_190 = arith.constant 0 : i32
    %dma_start3A_191 = tpu.memref_slice %arg2[%add3A_18, %dma_start3A_189, %select_n3A_32, %dma_start3A_190] : memref<12x677x8x677xf32, #tpu.memory_space<hbm>> -> memref<1x48x1x677xf32, #tpu.memory_space<hbm>>
    %dma_start3A_192 = tpu.memref_squeeze %dma_start3A_191 : memref<1x48x1x677xf32, #tpu.memory_space<hbm>> -> memref<48x677xf32, #tpu.memory_space<hbm>>
    tpu.enqueue_dma source(%dma_start3A_192 : memref<48x677xf32, #tpu.memory_space<hbm>>) target(%arg5 : memref<48x677xf32, #tpu.memory_space<vmem>>) target_semaphore(%arg10 : memref<!tpu.dma_semaphore, #tpu.memory_space<semaphore_mem>>)
    %scan3A_193 = arith.constant 0 : i32
    %scan3A_194 = arith.constant 0 : i32
    %scan3A_195 = arith.constant 48 : i32
    %scan3A_196 = arith.addi %scan3A_194, %scan3A_195 : i32
    %scan3A_197 = arith.constant 1 : i32
    scf.for %scan3A_382 = %scan3A_194 to %scan3A_196 step %scan3A_197  : i32 {
      %parallel_loop3A_383 = arith.constant 0 : i32
      %parallel_loop3A_384 = arith.constant 672 : i32
      %parallel_loop3A_385 = arith.constant 16 : i32
      scf.for %parallel_loop3A_392 = %parallel_loop3A_383 to %parallel_loop3A_384 step %parallel_loop3A_385  : i32 {
        %parallel_loop3A_393 = arith.index_cast %scan3A_382 : i32 to index
        %parallel_loop3A_394 = arith.index_cast %parallel_loop3A_392 : i32 to index
        %parallel_loop3A_395 = tpu.vector_load %arg4[%parallel_loop3A_393, %parallel_loop3A_394] {strides = array<i32>} : memref<48x677xf32, #tpu.memory_space<vmem>>, vector<16xf32>,
        %parallel_loop3A_396 = arith.constant 3.276800e+04 : f32
        %parallel_loop3A_397 = vector.broadcast %parallel_loop3A_396 : f32 to vector<16xf32>
        %parallel_loop3A_398 = arith.mulf %parallel_loop3A_395, %parallel_loop3A_397 : vector<16xf32>
        %parallel_loop3A_399 = arith.fptosi %parallel_loop3A_398 : vector<16xf32> to vector<16xi32>
        tpu.vector_store_idx %arg7[%parallel_loop3A_399], %broadcast_in_dim3A_35 {add = true} : memref<32768xf32, #tpu.memory_space<vmem>>[vector<16xi32>], vector<16xf32>,
      } {sc.loop_unroll_factor = 4 : i64, sc.parallel_access}
      %get3A = arith.index_cast %scan3A_382 : i32 to index
      %get3A_386 = arith.constant 661 : index
      %get3A_387 = tpu.vector_load %arg4[%get3A, %get3A_386] {strides = array<i32>} : memref<48x677xf32, #tpu.memory_space<vmem>>, vector<16xf32>,
      %mul3A_388 = arith.constant 3.276800e+04 : f32
      %mul3A_389 = vector.broadcast %mul3A_388 : f32 to vector<16xf32>
      %mul3A_390 = arith.mulf %get3A_387, %mul3A_389 : vector<16xf32>
      %convert_element_type3A_391 = arith.fptosi %mul3A_390 : vector<16xf32> to vector<16xi32>
      tpu.vector_store_idx %arg7[%convert_element_type3A_391], %broadcast_in_dim3A_35 masked %ge3A_39 {add = true} : memref<32768xf32, #tpu.memory_space<vmem>>[vector<16xi32>], vector<16xf32>, vector<16xi1>
    }
    %scan3A_198 = arith.constant 48 : i32
    %dma_wait3A_199 = arith.constant 336 : i32
    %dma_wait3A_200 = arith.constant 0 : i32
    %dma_wait3A_201 = tpu.memref_slice %arg2[%add3A_18, %dma_wait3A_199, %select_n3A_32, %dma_wait3A_200] : memref<12x677x8x677xf32, #tpu.memory_space<hbm>> -> memref<1x48x1x677xf32, #tpu.memory_space<hbm>>
    %dma_wait3A_202 = tpu.memref_squeeze %dma_wait3A_201 : memref<1x48x1x677xf32, #tpu.memory_space<hbm>> -> memref<48x677xf32, #tpu.memory_space<hbm>>
    %dma_wait3A_203 = arith.constant 336 : i32
    %dma_wait3A_204 = arith.constant 0 : i32
    %dma_wait3A_205 = tpu.memref_slice %arg2[%add3A_18, %dma_wait3A_203, %select_n3A_32, %dma_wait3A_204] : memref<12x677x8x677xf32, #tpu.memory_space<hbm>> -> memref<1x48x1x677xf32, #tpu.memory_space<hbm>>
    %dma_wait3A_206 = tpu.memref_squeeze %dma_wait3A_205 : memref<1x48x1x677xf32, #tpu.memory_space<hbm>> -> memref<48x677xf32, #tpu.memory_space<hbm>>
    tpu.wait_dma2 semaphore(%arg10 : memref<!tpu.dma_semaphore, #tpu.memory_space<semaphore_mem>>) src(%dma_wait3A_206 : memref<48x677xf32, #tpu.memory_space<hbm>>) dst(%arg5 : memref<48x677xf32, #tpu.memory_space<vmem>>)
    %dma_start3A_207 = arith.constant 384 : i32
    %dma_start3A_208 = arith.constant 0 : i32
    %dma_start3A_209 = tpu.memref_slice %arg2[%add3A_18, %dma_start3A_207, %select_n3A_32, %dma_start3A_208] : memref<12x677x8x677xf32, #tpu.memory_space<hbm>> -> memref<1x48x1x677xf32, #tpu.memory_space<hbm>>
    %dma_start3A_210 = tpu.memref_squeeze %dma_start3A_209 : memref<1x48x1x677xf32, #tpu.memory_space<hbm>> -> memref<48x677xf32, #tpu.memory_space<hbm>>
    %dma_start3A_211 = arith.constant 384 : i32
    %dma_start3A_212 = arith.constant 0 : i32
    %dma_start3A_213 = tpu.memref_slice %arg2[%add3A_18, %dma_start3A_211, %select_n3A_32, %dma_start3A_212] : memref<12x677x8x677xf32, #tpu.memory_space<hbm>> -> memref<1x48x1x677xf32, #tpu.memory_space<hbm>>
    %dma_start3A_214 = tpu.memref_squeeze %dma_start3A_213 : memref<1x48x1x677xf32, #tpu.memory_space<hbm>> -> memref<48x677xf32, #tpu.memory_space<hbm>>
    tpu.enqueue_dma source(%dma_start3A_214 : memref<48x677xf32, #tpu.memory_space<hbm>>) target(%arg4 : memref<48x677xf32, #tpu.memory_space<vmem>>) target_semaphore(%arg9 : memref<!tpu.dma_semaphore, #tpu.memory_space<semaphore_mem>>)
    %scan3A_215 = arith.constant 0 : i32
    %scan3A_216 = arith.constant 0 : i32
    %scan3A_217 = arith.constant 48 : i32
    %scan3A_218 = arith.addi %scan3A_216, %scan3A_217 : i32
    %scan3A_219 = arith.constant 1 : i32
    scf.for %scan3A_382 = %scan3A_216 to %scan3A_218 step %scan3A_219  : i32 {
      %parallel_loop3A_383 = arith.constant 0 : i32
      %parallel_loop3A_384 = arith.constant 672 : i32
      %parallel_loop3A_385 = arith.constant 16 : i32
      scf.for %parallel_loop3A_392 = %parallel_loop3A_383 to %parallel_loop3A_384 step %parallel_loop3A_385  : i32 {
        %parallel_loop3A_393 = arith.index_cast %scan3A_382 : i32 to index
        %parallel_loop3A_394 = arith.index_cast %parallel_loop3A_392 : i32 to index
        %parallel_loop3A_395 = tpu.vector_load %arg5[%parallel_loop3A_393, %parallel_loop3A_394] {strides = array<i32>} : memref<48x677xf32, #tpu.memory_space<vmem>>, vector<16xf32>,
        %parallel_loop3A_396 = arith.constant 3.276800e+04 : f32
        %parallel_loop3A_397 = vector.broadcast %parallel_loop3A_396 : f32 to vector<16xf32>
        %parallel_loop3A_398 = arith.mulf %parallel_loop3A_395, %parallel_loop3A_397 : vector<16xf32>
        %parallel_loop3A_399 = arith.fptosi %parallel_loop3A_398 : vector<16xf32> to vector<16xi32>
        tpu.vector_store_idx %arg7[%parallel_loop3A_399], %broadcast_in_dim3A_35 {add = true} : memref<32768xf32, #tpu.memory_space<vmem>>[vector<16xi32>], vector<16xf32>,
      } {sc.loop_unroll_factor = 4 : i64, sc.parallel_access}
      %get3A = arith.index_cast %scan3A_382 : i32 to index
      %get3A_386 = arith.constant 661 : index
      %get3A_387 = tpu.vector_load %arg5[%get3A, %get3A_386] {strides = array<i32>} : memref<48x677xf32, #tpu.memory_space<vmem>>, vector<16xf32>,
      %mul3A_388 = arith.constant 3.276800e+04 : f32
      %mul3A_389 = vector.broadcast %mul3A_388 : f32 to vector<16xf32>
      %mul3A_390 = arith.mulf %get3A_387, %mul3A_389 : vector<16xf32>
      %convert_element_type3A_391 = arith.fptosi %mul3A_390 : vector<16xf32> to vector<16xi32>
      tpu.vector_store_idx %arg7[%convert_element_type3A_391], %broadcast_in_dim3A_35 masked %ge3A_39 {add = true} : memref<32768xf32, #tpu.memory_space<vmem>>[vector<16xi32>], vector<16xf32>, vector<16xi1>
    }
    %scan3A_220 = arith.constant 48 : i32
    %dma_wait3A_221 = arith.constant 384 : i32
    %dma_wait3A_222 = arith.constant 0 : i32
    %dma_wait3A_223 = tpu.memref_slice %arg2[%add3A_18, %dma_wait3A_221, %select_n3A_32, %dma_wait3A_222] : memref<12x677x8x677xf32, #tpu.memory_space<hbm>> -> memref<1x48x1x677xf32, #tpu.memory_space<hbm>>
    %dma_wait3A_224 = tpu.memref_squeeze %dma_wait3A_223 : memref<1x48x1x677xf32, #tpu.memory_space<hbm>> -> memref<48x677xf32, #tpu.memory_space<hbm>>
    %dma_wait3A_225 = arith.constant 384 : i32
    %dma_wait3A_226 = arith.constant 0 : i32
    %dma_wait3A_227 = tpu.memref_slice %arg2[%add3A_18, %dma_wait3A_225, %select_n3A_32, %dma_wait3A_226] : memref<12x677x8x677xf32, #tpu.memory_space<hbm>> -> memref<1x48x1x677xf32, #tpu.memory_space<hbm>>
    %dma_wait3A_228 = tpu.memref_squeeze %dma_wait3A_227 : memref<1x48x1x677xf32, #tpu.memory_space<hbm>> -> memref<48x677xf32, #tpu.memory_space<hbm>>
    tpu.wait_dma2 semaphore(%arg9 : memref<!tpu.dma_semaphore, #tpu.memory_space<semaphore_mem>>) src(%dma_wait3A_228 : memref<48x677xf32, #tpu.memory_space<hbm>>) dst(%arg4 : memref<48x677xf32, #tpu.memory_space<vmem>>)
    %dma_start3A_229 = arith.constant 432 : i32
    %dma_start3A_230 = arith.constant 0 : i32
    %dma_start3A_231 = tpu.memref_slice %arg2[%add3A_18, %dma_start3A_229, %select_n3A_32, %dma_start3A_230] : memref<12x677x8x677xf32, #tpu.memory_space<hbm>> -> memref<1x48x1x677xf32, #tpu.memory_space<hbm>>
    %dma_start3A_232 = tpu.memref_squeeze %dma_start3A_231 : memref<1x48x1x677xf32, #tpu.memory_space<hbm>> -> memref<48x677xf32, #tpu.memory_space<hbm>>
    %dma_start3A_233 = arith.constant 432 : i32
    %dma_start3A_234 = arith.constant 0 : i32
    %dma_start3A_235 = tpu.memref_slice %arg2[%add3A_18, %dma_start3A_233, %select_n3A_32, %dma_start3A_234] : memref<12x677x8x677xf32, #tpu.memory_space<hbm>> -> memref<1x48x1x677xf32, #tpu.memory_space<hbm>>
    %dma_start3A_236 = tpu.memref_squeeze %dma_start3A_235 : memref<1x48x1x677xf32, #tpu.memory_space<hbm>> -> memref<48x677xf32, #tpu.memory_space<hbm>>
    tpu.enqueue_dma source(%dma_start3A_236 : memref<48x677xf32, #tpu.memory_space<hbm>>) target(%arg5 : memref<48x677xf32, #tpu.memory_space<vmem>>) target_semaphore(%arg10 : memref<!tpu.dma_semaphore, #tpu.memory_space<semaphore_mem>>)
    %scan3A_237 = arith.constant 0 : i32
    %scan3A_238 = arith.constant 0 : i32
    %scan3A_239 = arith.constant 48 : i32
    %scan3A_240 = arith.addi %scan3A_238, %scan3A_239 : i32
    %scan3A_241 = arith.constant 1 : i32
    scf.for %scan3A_382 = %scan3A_238 to %scan3A_240 step %scan3A_241  : i32 {
      %parallel_loop3A_383 = arith.constant 0 : i32
      %parallel_loop3A_384 = arith.constant 672 : i32
      %parallel_loop3A_385 = arith.constant 16 : i32
      scf.for %parallel_loop3A_392 = %parallel_loop3A_383 to %parallel_loop3A_384 step %parallel_loop3A_385  : i32 {
        %parallel_loop3A_393 = arith.index_cast %scan3A_382 : i32 to index
        %parallel_loop3A_394 = arith.index_cast %parallel_loop3A_392 : i32 to index
        %parallel_loop3A_395 = tpu.vector_load %arg4[%parallel_loop3A_393, %parallel_loop3A_394] {strides = array<i32>} : memref<48x677xf32, #tpu.memory_space<vmem>>, vector<16xf32>,
        %parallel_loop3A_396 = arith.constant 3.276800e+04 : f32
        %parallel_loop3A_397 = vector.broadcast %parallel_loop3A_396 : f32 to vector<16xf32>
        %parallel_loop3A_398 = arith.mulf %parallel_loop3A_395, %parallel_loop3A_397 : vector<16xf32>
        %parallel_loop3A_399 = arith.fptosi %parallel_loop3A_398 : vector<16xf32> to vector<16xi32>
        tpu.vector_store_idx %arg7[%parallel_loop3A_399], %broadcast_in_dim3A_35 {add = true} : memref<32768xf32, #tpu.memory_space<vmem>>[vector<16xi32>], vector<16xf32>,
      } {sc.loop_unroll_factor = 4 : i64, sc.parallel_access}
      %get3A = arith.index_cast %scan3A_382 : i32 to index
      %get3A_386 = arith.constant 661 : index
      %get3A_387 = tpu.vector_load %arg4[%get3A, %get3A_386] {strides = array<i32>} : memref<48x677xf32, #tpu.memory_space<vmem>>, vector<16xf32>,
      %mul3A_388 = arith.constant 3.276800e+04 : f32
      %mul3A_389 = vector.broadcast %mul3A_388 : f32 to vector<16xf32>
      %mul3A_390 = arith.mulf %get3A_387, %mul3A_389 : vector<16xf32>
      %convert_element_type3A_391 = arith.fptosi %mul3A_390 : vector<16xf32> to vector<16xi32>
      tpu.vector_store_idx %arg7[%convert_element_type3A_391], %broadcast_in_dim3A_35 masked %ge3A_39 {add = true} : memref<32768xf32, #tpu.memory_space<vmem>>[vector<16xi32>], vector<16xf32>, vector<16xi1>
    }
    %scan3A_242 = arith.constant 48 : i32
    %dma_wait3A_243 = arith.constant 432 : i32
    %dma_wait3A_244 = arith.constant 0 : i32
    %dma_wait3A_245 = tpu.memref_slice %arg2[%add3A_18, %dma_wait3A_243, %select_n3A_32, %dma_wait3A_244] : memref<12x677x8x677xf32, #tpu.memory_space<hbm>> -> memref<1x48x1x677xf32, #tpu.memory_space<hbm>>
    %dma_wait3A_246 = tpu.memref_squeeze %dma_wait3A_245 : memref<1x48x1x677xf32, #tpu.memory_space<hbm>> -> memref<48x677xf32, #tpu.memory_space<hbm>>
    %dma_wait3A_247 = arith.constant 432 : i32
    %dma_wait3A_248 = arith.constant 0 : i32
    %dma_wait3A_249 = tpu.memref_slice %arg2[%add3A_18, %dma_wait3A_247, %select_n3A_32, %dma_wait3A_248] : memref<12x677x8x677xf32, #tpu.memory_space<hbm>> -> memref<1x48x1x677xf32, #tpu.memory_space<hbm>>
    %dma_wait3A_250 = tpu.memref_squeeze %dma_wait3A_249 : memref<1x48x1x677xf32, #tpu.memory_space<hbm>> -> memref<48x677xf32, #tpu.memory_space<hbm>>
    tpu.wait_dma2 semaphore(%arg10 : memref<!tpu.dma_semaphore, #tpu.memory_space<semaphore_mem>>) src(%dma_wait3A_250 : memref<48x677xf32, #tpu.memory_space<hbm>>) dst(%arg5 : memref<48x677xf32, #tpu.memory_space<vmem>>)
    %dma_start3A_251 = arith.constant 480 : i32
    %dma_start3A_252 = arith.constant 0 : i32
    %dma_start3A_253 = tpu.memref_slice %arg2[%add3A_18, %dma_start3A_251, %select_n3A_32, %dma_start3A_252] : memref<12x677x8x677xf32, #tpu.memory_space<hbm>> -> memref<1x48x1x677xf32, #tpu.memory_space<hbm>>
    %dma_start3A_254 = tpu.memref_squeeze %dma_start3A_253 : memref<1x48x1x677xf32, #tpu.memory_space<hbm>> -> memref<48x677xf32, #tpu.memory_space<hbm>>
    %dma_start3A_255 = arith.constant 480 : i32
    %dma_start3A_256 = arith.constant 0 : i32
    %dma_start3A_257 = tpu.memref_slice %arg2[%add3A_18, %dma_start3A_255, %select_n3A_32, %dma_start3A_256] : memref<12x677x8x677xf32, #tpu.memory_space<hbm>> -> memref<1x48x1x677xf32, #tpu.memory_space<hbm>>
    %dma_start3A_258 = tpu.memref_squeeze %dma_start3A_257 : memref<1x48x1x677xf32, #tpu.memory_space<hbm>> -> memref<48x677xf32, #tpu.memory_space<hbm>>
    tpu.enqueue_dma source(%dma_start3A_258 : memref<48x677xf32, #tpu.memory_space<hbm>>) target(%arg4 : memref<48x677xf32, #tpu.memory_space<vmem>>) target_semaphore(%arg9 : memref<!tpu.dma_semaphore, #tpu.memory_space<semaphore_mem>>)
    %scan3A_259 = arith.constant 0 : i32
    %scan3A_260 = arith.constant 0 : i32
    %scan3A_261 = arith.constant 48 : i32
    %scan3A_262 = arith.addi %scan3A_260, %scan3A_261 : i32
    %scan3A_263 = arith.constant 1 : i32
    scf.for %scan3A_382 = %scan3A_260 to %scan3A_262 step %scan3A_263  : i32 {
      %parallel_loop3A_383 = arith.constant 0 : i32
      %parallel_loop3A_384 = arith.constant 672 : i32
      %parallel_loop3A_385 = arith.constant 16 : i32
      scf.for %parallel_loop3A_392 = %parallel_loop3A_383 to %parallel_loop3A_384 step %parallel_loop3A_385  : i32 {
        %parallel_loop3A_393 = arith.index_cast %scan3A_382 : i32 to index
        %parallel_loop3A_394 = arith.index_cast %parallel_loop3A_392 : i32 to index
        %parallel_loop3A_395 = tpu.vector_load %arg5[%parallel_loop3A_393, %parallel_loop3A_394] {strides = array<i32>} : memref<48x677xf32, #tpu.memory_space<vmem>>, vector<16xf32>,
        %parallel_loop3A_396 = arith.constant 3.276800e+04 : f32
        %parallel_loop3A_397 = vector.broadcast %parallel_loop3A_396 : f32 to vector<16xf32>
        %parallel_loop3A_398 = arith.mulf %parallel_loop3A_395, %parallel_loop3A_397 : vector<16xf32>
        %parallel_loop3A_399 = arith.fptosi %parallel_loop3A_398 : vector<16xf32> to vector<16xi32>
        tpu.vector_store_idx %arg7[%parallel_loop3A_399], %broadcast_in_dim3A_35 {add = true} : memref<32768xf32, #tpu.memory_space<vmem>>[vector<16xi32>], vector<16xf32>,
      } {sc.loop_unroll_factor = 4 : i64, sc.parallel_access}
      %get3A = arith.index_cast %scan3A_382 : i32 to index
      %get3A_386 = arith.constant 661 : index
      %get3A_387 = tpu.vector_load %arg5[%get3A, %get3A_386] {strides = array<i32>} : memref<48x677xf32, #tpu.memory_space<vmem>>, vector<16xf32>,
      %mul3A_388 = arith.constant 3.276800e+04 : f32
      %mul3A_389 = vector.broadcast %mul3A_388 : f32 to vector<16xf32>
      %mul3A_390 = arith.mulf %get3A_387, %mul3A_389 : vector<16xf32>
      %convert_element_type3A_391 = arith.fptosi %mul3A_390 : vector<16xf32> to vector<16xi32>
      tpu.vector_store_idx %arg7[%convert_element_type3A_391], %broadcast_in_dim3A_35 masked %ge3A_39 {add = true} : memref<32768xf32, #tpu.memory_space<vmem>>[vector<16xi32>], vector<16xf32>, vector<16xi1>
    }
    %scan3A_264 = arith.constant 48 : i32
    %dma_wait3A_265 = arith.constant 480 : i32
    %dma_wait3A_266 = arith.constant 0 : i32
    %dma_wait3A_267 = tpu.memref_slice %arg2[%add3A_18, %dma_wait3A_265, %select_n3A_32, %dma_wait3A_266] : memref<12x677x8x677xf32, #tpu.memory_space<hbm>> -> memref<1x48x1x677xf32, #tpu.memory_space<hbm>>
    %dma_wait3A_268 = tpu.memref_squeeze %dma_wait3A_267 : memref<1x48x1x677xf32, #tpu.memory_space<hbm>> -> memref<48x677xf32, #tpu.memory_space<hbm>>
    %dma_wait3A_269 = arith.constant 480 : i32
    %dma_wait3A_270 = arith.constant 0 : i32
    %dma_wait3A_271 = tpu.memref_slice %arg2[%add3A_18, %dma_wait3A_269, %select_n3A_32, %dma_wait3A_270] : memref<12x677x8x677xf32, #tpu.memory_space<hbm>> -> memref<1x48x1x677xf32, #tpu.memory_space<hbm>>
    %dma_wait3A_272 = tpu.memref_squeeze %dma_wait3A_271 : memref<1x48x1x677xf32, #tpu.memory_space<hbm>> -> memref<48x677xf32, #tpu.memory_space<hbm>>
    tpu.wait_dma2 semaphore(%arg9 : memref<!tpu.dma_semaphore, #tpu.memory_space<semaphore_mem>>) src(%dma_wait3A_272 : memref<48x677xf32, #tpu.memory_space<hbm>>) dst(%arg4 : memref<48x677xf32, #tpu.memory_space<vmem>>)
    %dma_start3A_273 = arith.constant 528 : i32
    %dma_start3A_274 = arith.constant 0 : i32
    %dma_start3A_275 = tpu.memref_slice %arg2[%add3A_18, %dma_start3A_273, %select_n3A_32, %dma_start3A_274] : memref<12x677x8x677xf32, #tpu.memory_space<hbm>> -> memref<1x48x1x677xf32, #tpu.memory_space<hbm>>
    %dma_start3A_276 = tpu.memref_squeeze %dma_start3A_275 : memref<1x48x1x677xf32, #tpu.memory_space<hbm>> -> memref<48x677xf32, #tpu.memory_space<hbm>>
    %dma_start3A_277 = arith.constant 528 : i32
    %dma_start3A_278 = arith.constant 0 : i32
    %dma_start3A_279 = tpu.memref_slice %arg2[%add3A_18, %dma_start3A_277, %select_n3A_32, %dma_start3A_278] : memref<12x677x8x677xf32, #tpu.memory_space<hbm>> -> memref<1x48x1x677xf32, #tpu.memory_space<hbm>>
    %dma_start3A_280 = tpu.memref_squeeze %dma_start3A_279 : memref<1x48x1x677xf32, #tpu.memory_space<hbm>> -> memref<48x677xf32, #tpu.memory_space<hbm>>
    tpu.enqueue_dma source(%dma_start3A_280 : memref<48x677xf32, #tpu.memory_space<hbm>>) target(%arg5 : memref<48x677xf32, #tpu.memory_space<vmem>>) target_semaphore(%arg10 : memref<!tpu.dma_semaphore, #tpu.memory_space<semaphore_mem>>)
    %scan3A_281 = arith.constant 0 : i32
    %scan3A_282 = arith.constant 0 : i32
    %scan3A_283 = arith.constant 48 : i32
    %scan3A_284 = arith.addi %scan3A_282, %scan3A_283 : i32
    %scan3A_285 = arith.constant 1 : i32
    scf.for %scan3A_382 = %scan3A_282 to %scan3A_284 step %scan3A_285  : i32 {
      %parallel_loop3A_383 = arith.constant 0 : i32
      %parallel_loop3A_384 = arith.constant 672 : i32
      %parallel_loop3A_385 = arith.constant 16 : i32
      scf.for %parallel_loop3A_392 = %parallel_loop3A_383 to %parallel_loop3A_384 step %parallel_loop3A_385  : i32 {
        %parallel_loop3A_393 = arith.index_cast %scan3A_382 : i32 to index
        %parallel_loop3A_394 = arith.index_cast %parallel_loop3A_392 : i32 to index
        %parallel_loop3A_395 = tpu.vector_load %arg4[%parallel_loop3A_393, %parallel_loop3A_394] {strides = array<i32>} : memref<48x677xf32, #tpu.memory_space<vmem>>, vector<16xf32>,
        %parallel_loop3A_396 = arith.constant 3.276800e+04 : f32
        %parallel_loop3A_397 = vector.broadcast %parallel_loop3A_396 : f32 to vector<16xf32>
        %parallel_loop3A_398 = arith.mulf %parallel_loop3A_395, %parallel_loop3A_397 : vector<16xf32>
        %parallel_loop3A_399 = arith.fptosi %parallel_loop3A_398 : vector<16xf32> to vector<16xi32>
        tpu.vector_store_idx %arg7[%parallel_loop3A_399], %broadcast_in_dim3A_35 {add = true} : memref<32768xf32, #tpu.memory_space<vmem>>[vector<16xi32>], vector<16xf32>,
      } {sc.loop_unroll_factor = 4 : i64, sc.parallel_access}
      %get3A = arith.index_cast %scan3A_382 : i32 to index
      %get3A_386 = arith.constant 661 : index
      %get3A_387 = tpu.vector_load %arg4[%get3A, %get3A_386] {strides = array<i32>} : memref<48x677xf32, #tpu.memory_space<vmem>>, vector<16xf32>,
      %mul3A_388 = arith.constant 3.276800e+04 : f32
      %mul3A_389 = vector.broadcast %mul3A_388 : f32 to vector<16xf32>
      %mul3A_390 = arith.mulf %get3A_387, %mul3A_389 : vector<16xf32>
      %convert_element_type3A_391 = arith.fptosi %mul3A_390 : vector<16xf32> to vector<16xi32>
      tpu.vector_store_idx %arg7[%convert_element_type3A_391], %broadcast_in_dim3A_35 masked %ge3A_39 {add = true} : memref<32768xf32, #tpu.memory_space<vmem>>[vector<16xi32>], vector<16xf32>, vector<16xi1>
    }
    %scan3A_286 = arith.constant 48 : i32
    %dma_wait3A_287 = arith.constant 528 : i32
    %dma_wait3A_288 = arith.constant 0 : i32
    %dma_wait3A_289 = tpu.memref_slice %arg2[%add3A_18, %dma_wait3A_287, %select_n3A_32, %dma_wait3A_288] : memref<12x677x8x677xf32, #tpu.memory_space<hbm>> -> memref<1x48x1x677xf32, #tpu.memory_space<hbm>>
    %dma_wait3A_290 = tpu.memref_squeeze %dma_wait3A_289 : memref<1x48x1x677xf32, #tpu.memory_space<hbm>> -> memref<48x677xf32, #tpu.memory_space<hbm>>
    %dma_wait3A_291 = arith.constant 528 : i32
    %dma_wait3A_292 = arith.constant 0 : i32
    %dma_wait3A_293 = tpu.memref_slice %arg2[%add3A_18, %dma_wait3A_291, %select_n3A_32, %dma_wait3A_292] : memref<12x677x8x677xf32, #tpu.memory_space<hbm>> -> memref<1x48x1x677xf32, #tpu.memory_space<hbm>>
    %dma_wait3A_294 = tpu.memref_squeeze %dma_wait3A_293 : memref<1x48x1x677xf32, #tpu.memory_space<hbm>> -> memref<48x677xf32, #tpu.memory_space<hbm>>
    tpu.wait_dma2 semaphore(%arg10 : memref<!tpu.dma_semaphore, #tpu.memory_space<semaphore_mem>>) src(%dma_wait3A_294 : memref<48x677xf32, #tpu.memory_space<hbm>>) dst(%arg5 : memref<48x677xf32, #tpu.memory_space<vmem>>)
    %dma_start3A_295 = arith.constant 576 : i32
    %dma_start3A_296 = arith.constant 0 : i32
    %dma_start3A_297 = tpu.memref_slice %arg2[%add3A_18, %dma_start3A_295, %select_n3A_32, %dma_start3A_296] : memref<12x677x8x677xf32, #tpu.memory_space<hbm>> -> memref<1x48x1x677xf32, #tpu.memory_space<hbm>>
    %dma_start3A_298 = tpu.memref_squeeze %dma_start3A_297 : memref<1x48x1x677xf32, #tpu.memory_space<hbm>> -> memref<48x677xf32, #tpu.memory_space<hbm>>
    %dma_start3A_299 = arith.constant 576 : i32
    %dma_start3A_300 = arith.constant 0 : i32
    %dma_start3A_301 = tpu.memref_slice %arg2[%add3A_18, %dma_start3A_299, %select_n3A_32, %dma_start3A_300] : memref<12x677x8x677xf32, #tpu.memory_space<hbm>> -> memref<1x48x1x677xf32, #tpu.memory_space<hbm>>
    %dma_start3A_302 = tpu.memref_squeeze %dma_start3A_301 : memref<1x48x1x677xf32, #tpu.memory_space<hbm>> -> memref<48x677xf32, #tpu.memory_space<hbm>>
    tpu.enqueue_dma source(%dma_start3A_302 : memref<48x677xf32, #tpu.memory_space<hbm>>) target(%arg4 : memref<48x677xf32, #tpu.memory_space<vmem>>) target_semaphore(%arg9 : memref<!tpu.dma_semaphore, #tpu.memory_space<semaphore_mem>>)
    %scan3A_303 = arith.constant 0 : i32
    %scan3A_304 = arith.constant 0 : i32
    %scan3A_305 = arith.constant 48 : i32
    %scan3A_306 = arith.addi %scan3A_304, %scan3A_305 : i32
    %scan3A_307 = arith.constant 1 : i32
    scf.for %scan3A_382 = %scan3A_304 to %scan3A_306 step %scan3A_307  : i32 {
      %parallel_loop3A_383 = arith.constant 0 : i32
      %parallel_loop3A_384 = arith.constant 672 : i32
      %parallel_loop3A_385 = arith.constant 16 : i32
      scf.for %parallel_loop3A_392 = %parallel_loop3A_383 to %parallel_loop3A_384 step %parallel_loop3A_385  : i32 {
        %parallel_loop3A_393 = arith.index_cast %scan3A_382 : i32 to index
        %parallel_loop3A_394 = arith.index_cast %parallel_loop3A_392 : i32 to index
        %parallel_loop3A_395 = tpu.vector_load %arg5[%parallel_loop3A_393, %parallel_loop3A_394] {strides = array<i32>} : memref<48x677xf32, #tpu.memory_space<vmem>>, vector<16xf32>,
        %parallel_loop3A_396 = arith.constant 3.276800e+04 : f32
        %parallel_loop3A_397 = vector.broadcast %parallel_loop3A_396 : f32 to vector<16xf32>
        %parallel_loop3A_398 = arith.mulf %parallel_loop3A_395, %parallel_loop3A_397 : vector<16xf32>
        %parallel_loop3A_399 = arith.fptosi %parallel_loop3A_398 : vector<16xf32> to vector<16xi32>
        tpu.vector_store_idx %arg7[%parallel_loop3A_399], %broadcast_in_dim3A_35 {add = true} : memref<32768xf32, #tpu.memory_space<vmem>>[vector<16xi32>], vector<16xf32>,
      } {sc.loop_unroll_factor = 4 : i64, sc.parallel_access}
      %get3A = arith.index_cast %scan3A_382 : i32 to index
      %get3A_386 = arith.constant 661 : index
      %get3A_387 = tpu.vector_load %arg5[%get3A, %get3A_386] {strides = array<i32>} : memref<48x677xf32, #tpu.memory_space<vmem>>, vector<16xf32>,
      %mul3A_388 = arith.constant 3.276800e+04 : f32
      %mul3A_389 = vector.broadcast %mul3A_388 : f32 to vector<16xf32>
      %mul3A_390 = arith.mulf %get3A_387, %mul3A_389 : vector<16xf32>
      %convert_element_type3A_391 = arith.fptosi %mul3A_390 : vector<16xf32> to vector<16xi32>
      tpu.vector_store_idx %arg7[%convert_element_type3A_391], %broadcast_in_dim3A_35 masked %ge3A_39 {add = true} : memref<32768xf32, #tpu.memory_space<vmem>>[vector<16xi32>], vector<16xf32>, vector<16xi1>
    }
    %scan3A_308 = arith.constant 48 : i32
    %dma_wait3A_309 = arith.constant 576 : i32
    %dma_wait3A_310 = arith.constant 0 : i32
    %dma_wait3A_311 = tpu.memref_slice %arg2[%add3A_18, %dma_wait3A_309, %select_n3A_32, %dma_wait3A_310] : memref<12x677x8x677xf32, #tpu.memory_space<hbm>> -> memref<1x48x1x677xf32, #tpu.memory_space<hbm>>
    %dma_wait3A_312 = tpu.memref_squeeze %dma_wait3A_311 : memref<1x48x1x677xf32, #tpu.memory_space<hbm>> -> memref<48x677xf32, #tpu.memory_space<hbm>>
    %dma_wait3A_313 = arith.constant 576 : i32
    %dma_wait3A_314 = arith.constant 0 : i32
    %dma_wait3A_315 = tpu.memref_slice %arg2[%add3A_18, %dma_wait3A_313, %select_n3A_32, %dma_wait3A_314] : memref<12x677x8x677xf32, #tpu.memory_space<hbm>> -> memref<1x48x1x677xf32, #tpu.memory_space<hbm>>
    %dma_wait3A_316 = tpu.memref_squeeze %dma_wait3A_315 : memref<1x48x1x677xf32, #tpu.memory_space<hbm>> -> memref<48x677xf32, #tpu.memory_space<hbm>>
    tpu.wait_dma2 semaphore(%arg9 : memref<!tpu.dma_semaphore, #tpu.memory_space<semaphore_mem>>) src(%dma_wait3A_316 : memref<48x677xf32, #tpu.memory_space<hbm>>) dst(%arg4 : memref<48x677xf32, #tpu.memory_space<vmem>>)
    %dma_start3A_317 = arith.constant 624 : i32
    %dma_start3A_318 = arith.constant 0 : i32
    %dma_start3A_319 = tpu.memref_slice %arg2[%add3A_18, %dma_start3A_317, %select_n3A_32, %dma_start3A_318] : memref<12x677x8x677xf32, #tpu.memory_space<hbm>> -> memref<1x48x1x677xf32, #tpu.memory_space<hbm>>
    %dma_start3A_320 = tpu.memref_squeeze %dma_start3A_319 : memref<1x48x1x677xf32, #tpu.memory_space<hbm>> -> memref<48x677xf32, #tpu.memory_space<hbm>>
    %dma_start3A_321 = arith.constant 624 : i32
    %dma_start3A_322 = arith.constant 0 : i32
    %dma_start3A_323 = tpu.memref_slice %arg2[%add3A_18, %dma_start3A_321, %select_n3A_32, %dma_start3A_322] : memref<12x677x8x677xf32, #tpu.memory_space<hbm>> -> memref<1x48x1x677xf32, #tpu.memory_space<hbm>>
    %dma_start3A_324 = tpu.memref_squeeze %dma_start3A_323 : memref<1x48x1x677xf32, #tpu.memory_space<hbm>> -> memref<48x677xf32, #tpu.memory_space<hbm>>
    tpu.enqueue_dma source(%dma_start3A_324 : memref<48x677xf32, #tpu.memory_space<hbm>>) target(%arg5 : memref<48x677xf32, #tpu.memory_space<vmem>>) target_semaphore(%arg10 : memref<!tpu.dma_semaphore, #tpu.memory_space<semaphore_mem>>)
    %scan3A_325 = arith.constant 0 : i32
    %scan3A_326 = arith.constant 0 : i32
    %scan3A_327 = arith.constant 48 : i32
    %scan3A_328 = arith.addi %scan3A_326, %scan3A_327 : i32
    %scan3A_329 = arith.constant 1 : i32
    scf.for %scan3A_382 = %scan3A_326 to %scan3A_328 step %scan3A_329  : i32 {
      %parallel_loop3A_383 = arith.constant 0 : i32
      %parallel_loop3A_384 = arith.constant 672 : i32
      %parallel_loop3A_385 = arith.constant 16 : i32
      scf.for %parallel_loop3A_392 = %parallel_loop3A_383 to %parallel_loop3A_384 step %parallel_loop3A_385  : i32 {
        %parallel_loop3A_393 = arith.index_cast %scan3A_382 : i32 to index
        %parallel_loop3A_394 = arith.index_cast %parallel_loop3A_392 : i32 to index
        %parallel_loop3A_395 = tpu.vector_load %arg4[%parallel_loop3A_393, %parallel_loop3A_394] {strides = array<i32>} : memref<48x677xf32, #tpu.memory_space<vmem>>, vector<16xf32>,
        %parallel_loop3A_396 = arith.constant 3.276800e+04 : f32
        %parallel_loop3A_397 = vector.broadcast %parallel_loop3A_396 : f32 to vector<16xf32>
        %parallel_loop3A_398 = arith.mulf %parallel_loop3A_395, %parallel_loop3A_397 : vector<16xf32>
        %parallel_loop3A_399 = arith.fptosi %parallel_loop3A_398 : vector<16xf32> to vector<16xi32>
        tpu.vector_store_idx %arg7[%parallel_loop3A_399], %broadcast_in_dim3A_35 {add = true} : memref<32768xf32, #tpu.memory_space<vmem>>[vector<16xi32>], vector<16xf32>,
      } {sc.loop_unroll_factor = 4 : i64, sc.parallel_access}
      %get3A = arith.index_cast %scan3A_382 : i32 to index
      %get3A_386 = arith.constant 661 : index
      %get3A_387 = tpu.vector_load %arg4[%get3A, %get3A_386] {strides = array<i32>} : memref<48x677xf32, #tpu.memory_space<vmem>>, vector<16xf32>,
      %mul3A_388 = arith.constant 3.276800e+04 : f32
      %mul3A_389 = vector.broadcast %mul3A_388 : f32 to vector<16xf32>
      %mul3A_390 = arith.mulf %get3A_387, %mul3A_389 : vector<16xf32>
      %convert_element_type3A_391 = arith.fptosi %mul3A_390 : vector<16xf32> to vector<16xi32>
      tpu.vector_store_idx %arg7[%convert_element_type3A_391], %broadcast_in_dim3A_35 masked %ge3A_39 {add = true} : memref<32768xf32, #tpu.memory_space<vmem>>[vector<16xi32>], vector<16xf32>, vector<16xi1>
    }
    %scan3A_330 = arith.constant 48 : i32
    %dma_wait3A_331 = arith.constant 624 : i32
    %dma_wait3A_332 = arith.constant 0 : i32
    %dma_wait3A_333 = tpu.memref_slice %arg2[%add3A_18, %dma_wait3A_331, %select_n3A_32, %dma_wait3A_332] : memref<12x677x8x677xf32, #tpu.memory_space<hbm>> -> memref<1x48x1x677xf32, #tpu.memory_space<hbm>>
    %dma_wait3A_334 = tpu.memref_squeeze %dma_wait3A_333 : memref<1x48x1x677xf32, #tpu.memory_space<hbm>> -> memref<48x677xf32, #tpu.memory_space<hbm>>
    %dma_wait3A_335 = arith.constant 624 : i32
    %dma_wait3A_336 = arith.constant 0 : i32
    %dma_wait3A_337 = tpu.memref_slice %arg2[%add3A_18, %dma_wait3A_335, %select_n3A_32, %dma_wait3A_336] : memref<12x677x8x677xf32, #tpu.memory_space<hbm>> -> memref<1x48x1x677xf32, #tpu.memory_space<hbm>>
    %dma_wait3A_338 = tpu.memref_squeeze %dma_wait3A_337 : memref<1x48x1x677xf32, #tpu.memory_space<hbm>> -> memref<48x677xf32, #tpu.memory_space<hbm>>
    tpu.wait_dma2 semaphore(%arg10 : memref<!tpu.dma_semaphore, #tpu.memory_space<semaphore_mem>>) src(%dma_wait3A_338 : memref<48x677xf32, #tpu.memory_space<hbm>>) dst(%arg5 : memref<48x677xf32, #tpu.memory_space<vmem>>)
    %dma_start3A_339 = arith.constant 672 : i32
    %dma_start3A_340 = arith.constant 0 : i32
    %dma_start3A_341 = tpu.memref_slice %arg2[%add3A_18, %dma_start3A_339, %select_n3A_32, %dma_start3A_340] : memref<12x677x8x677xf32, #tpu.memory_space<hbm>> -> memref<1x5x1x677xf32, #tpu.memory_space<hbm>>
    %dma_start3A_342 = tpu.memref_squeeze %dma_start3A_341 : memref<1x5x1x677xf32, #tpu.memory_space<hbm>> -> memref<5x677xf32, #tpu.memory_space<hbm>>
    %dma_start3A_343 = arith.constant 672 : i32
    %dma_start3A_344 = arith.constant 0 : i32
    %dma_start3A_345 = tpu.memref_slice %arg2[%add3A_18, %dma_start3A_343, %select_n3A_32, %dma_start3A_344] : memref<12x677x8x677xf32, #tpu.memory_space<hbm>> -> memref<1x5x1x677xf32, #tpu.memory_space<hbm>>
    %dma_start3A_346 = tpu.memref_squeeze %dma_start3A_345 : memref<1x5x1x677xf32, #tpu.memory_space<hbm>> -> memref<5x677xf32, #tpu.memory_space<hbm>>
    tpu.enqueue_dma source(%dma_start3A_346 : memref<5x677xf32, #tpu.memory_space<hbm>>) target(%arg6 : memref<5x677xf32, #tpu.memory_space<vmem>>) target_semaphore(%arg9 : memref<!tpu.dma_semaphore, #tpu.memory_space<semaphore_mem>>)
    %scan3A_347 = arith.constant 0 : i32
    %scan3A_348 = arith.constant 0 : i32
    %scan3A_349 = arith.constant 48 : i32
    %scan3A_350 = arith.addi %scan3A_348, %scan3A_349 : i32
    %scan3A_351 = arith.constant 1 : i32
    scf.for %scan3A_382 = %scan3A_348 to %scan3A_350 step %scan3A_351  : i32 {
      %parallel_loop3A_383 = arith.constant 0 : i32
      %parallel_loop3A_384 = arith.constant 672 : i32
      %parallel_loop3A_385 = arith.constant 16 : i32
      scf.for %parallel_loop3A_392 = %parallel_loop3A_383 to %parallel_loop3A_384 step %parallel_loop3A_385  : i32 {
        %parallel_loop3A_393 = arith.index_cast %scan3A_382 : i32 to index
        %parallel_loop3A_394 = arith.index_cast %parallel_loop3A_392 : i32 to index
        %parallel_loop3A_395 = tpu.vector_load %arg5[%parallel_loop3A_393, %parallel_loop3A_394] {strides = array<i32>} : memref<48x677xf32, #tpu.memory_space<vmem>>, vector<16xf32>,
        %parallel_loop3A_396 = arith.constant 3.276800e+04 : f32
        %parallel_loop3A_397 = vector.broadcast %parallel_loop3A_396 : f32 to vector<16xf32>
        %parallel_loop3A_398 = arith.mulf %parallel_loop3A_395, %parallel_loop3A_397 : vector<16xf32>
        %parallel_loop3A_399 = arith.fptosi %parallel_loop3A_398 : vector<16xf32> to vector<16xi32>
        tpu.vector_store_idx %arg7[%parallel_loop3A_399], %broadcast_in_dim3A_35 {add = true} : memref<32768xf32, #tpu.memory_space<vmem>>[vector<16xi32>], vector<16xf32>,
      } {sc.loop_unroll_factor = 4 : i64, sc.parallel_access}
      %get3A = arith.index_cast %scan3A_382 : i32 to index
      %get3A_386 = arith.constant 661 : index
      %get3A_387 = tpu.vector_load %arg5[%get3A, %get3A_386] {strides = array<i32>} : memref<48x677xf32, #tpu.memory_space<vmem>>, vector<16xf32>,
      %mul3A_388 = arith.constant 3.276800e+04 : f32
      %mul3A_389 = vector.broadcast %mul3A_388 : f32 to vector<16xf32>
      %mul3A_390 = arith.mulf %get3A_387, %mul3A_389 : vector<16xf32>
      %convert_element_type3A_391 = arith.fptosi %mul3A_390 : vector<16xf32> to vector<16xi32>
      tpu.vector_store_idx %arg7[%convert_element_type3A_391], %broadcast_in_dim3A_35 masked %ge3A_39 {add = true} : memref<32768xf32, #tpu.memory_space<vmem>>[vector<16xi32>], vector<16xf32>, vector<16xi1>
    }
    %scan3A_352 = arith.constant 48 : i32
    %dma_wait3A_353 = arith.constant 672 : i32
    %dma_wait3A_354 = arith.constant 0 : i32
    %dma_wait3A_355 = tpu.memref_slice %arg2[%add3A_18, %dma_wait3A_353, %select_n3A_32, %dma_wait3A_354] : memref<12x677x8x677xf32, #tpu.memory_space<hbm>> -> memref<1x5x1x677xf32, #tpu.memory_space<hbm>>
    %dma_wait3A_356 = tpu.memref_squeeze %dma_wait3A_355 : memref<1x5x1x677xf32, #tpu.memory_space<hbm>> -> memref<5x677xf32, #tpu.memory_space<hbm>>
    %dma_wait3A_357 = arith.constant 672 : i32
    %dma_wait3A_358 = arith.constant 0 : i32
    %dma_wait3A_359 = tpu.memref_slice %arg2[%add3A_18, %dma_wait3A_357, %select_n3A_32, %dma_wait3A_358] : memref<12x677x8x677xf32, #tpu.memory_space<hbm>> -> memref<1x5x1x677xf32, #tpu.memory_space<hbm>>
    %dma_wait3A_360 = tpu.memref_squeeze %dma_wait3A_359 : memref<1x5x1x677xf32, #tpu.memory_space<hbm>> -> memref<5x677xf32, #tpu.memory_space<hbm>>
    tpu.wait_dma2 semaphore(%arg9 : memref<!tpu.dma_semaphore, #tpu.memory_space<semaphore_mem>>) src(%dma_wait3A_360 : memref<5x677xf32, #tpu.memory_space<hbm>>) dst(%arg6 : memref<5x677xf32, #tpu.memory_space<vmem>>)
    %scan3A_361 = arith.constant 0 : i32
    %scan3A_362 = arith.constant 0 : i32
    %scan3A_363 = arith.constant 5 : i32
    %scan3A_364 = arith.addi %scan3A_362, %scan3A_363 : i32
    %scan3A_365 = arith.constant 1 : i32
    scf.for %scan3A_382 = %scan3A_362 to %scan3A_364 step %scan3A_365  : i32 {
      %parallel_loop3A_383 = arith.constant 0 : i32
      %parallel_loop3A_384 = arith.constant 672 : i32
      %parallel_loop3A_385 = arith.constant 16 : i32
      scf.for %parallel_loop3A_392 = %parallel_loop3A_383 to %parallel_loop3A_384 step %parallel_loop3A_385  : i32 {
        %parallel_loop3A_393 = arith.index_cast %scan3A_382 : i32 to index
        %parallel_loop3A_394 = arith.index_cast %parallel_loop3A_392 : i32 to index
        %parallel_loop3A_395 = tpu.vector_load %arg6[%parallel_loop3A_393, %parallel_loop3A_394] {strides = array<i32>} : memref<5x677xf32, #tpu.memory_space<vmem>>, vector<16xf32>,
        %parallel_loop3A_396 = arith.constant 3.276800e+04 : f32
        %parallel_loop3A_397 = vector.broadcast %parallel_loop3A_396 : f32 to vector<16xf32>
        %parallel_loop3A_398 = arith.mulf %parallel_loop3A_395, %parallel_loop3A_397 : vector<16xf32>
        %parallel_loop3A_399 = arith.fptosi %parallel_loop3A_398 : vector<16xf32> to vector<16xi32>
        tpu.vector_store_idx %arg7[%parallel_loop3A_399], %broadcast_in_dim3A_35 {add = true} : memref<32768xf32, #tpu.memory_space<vmem>>[vector<16xi32>], vector<16xf32>,
      } {sc.loop_unroll_factor = 4 : i64, sc.parallel_access}
      %get3A = arith.index_cast %scan3A_382 : i32 to index
      %get3A_386 = arith.constant 661 : index
      %get3A_387 = tpu.vector_load %arg6[%get3A, %get3A_386] {strides = array<i32>} : memref<5x677xf32, #tpu.memory_space<vmem>>, vector<16xf32>,
      %mul3A_388 = arith.constant 3.276800e+04 : f32
      %mul3A_389 = vector.broadcast %mul3A_388 : f32 to vector<16xf32>
      %mul3A_390 = arith.mulf %get3A_387, %mul3A_389 : vector<16xf32>
      %convert_element_type3A_391 = arith.fptosi %mul3A_390 : vector<16xf32> to vector<16xi32>
      tpu.vector_store_idx %arg7[%convert_element_type3A_391], %broadcast_in_dim3A_35 masked %ge3A_39 {add = true} : memref<32768xf32, #tpu.memory_space<vmem>>[vector<16xi32>], vector<16xf32>, vector<16xi1>
    }
    %scan3A_366 = arith.constant 5 : i32
    %scan3A_367 = arith.constant 0.000000e+00 : f32
    %scan3A_368 = arith.constant 0 : i32
    %scan3A_369 = arith.constant 0 : i32
    %scan3A_370 = arith.constant 2048 : i32
    %scan3A_371 = arith.addi %scan3A_369, %scan3A_370 : i32
    %scan3A_372 = arith.constant 1 : i32
    %scan3A_373:2 = scf.for %scan3A_382 = %scan3A_369 to %scan3A_371 step %scan3A_372 iter_args(%scan3A_383 = %scan3A_367, %scan3A_384 = %scan3A_368) -> (f32, i32)  : i32 {
      %mul3A_385 = arith.constant 16 : i32
      %mul3A_386 = arith.muli %scan3A_382, %mul3A_385 : i32
      %get3A = arith.index_cast %mul3A_386 : i32 to index
      %get3A_387 = tpu.vector_load %arg7[%get3A] {strides = array<i32>} : memref<32768xf32, #tpu.memory_space<vmem>>, vector<16xf32>,
      %broadcast_in_dim3A_388 = arith.constant true
      %broadcast_in_dim3A_389 = vector.broadcast %broadcast_in_dim3A_388 : i1 to vector<16xi1>
      %masked_cumsum3A = tpu.scan <sum>, %get3A_387 masked %broadcast_in_dim3A_389 : vector<16xf32>, vector<16xi1> -> vector<16xf32>
      %add3A_390 = vector.broadcast %scan3A_383 : f32 to vector<16xf32>
      %add3A_391 = arith.addf %add3A_390, %masked_cumsum3A : vector<16xf32>
      %le3A = arith.constant 2.291640e+05 : f32
      %le3A_392 = vector.broadcast %le3A : f32 to vector<16xf32>
      %le3A_393 = arith.cmpf ole, %add3A_391, %le3A_392 : vector<16xf32>
      %convert_element_type3A_394 = arith.extui %le3A_393 : vector<16xi1> to vector<16xi32>
      %convert_element_type3A_395 = arith.sitofp %convert_element_type3A_394 : vector<16xi32> to vector<16xf32>
      %reduce_sum3A = arith.constant true
      %reduce_sum3A_396 = vector.broadcast %reduce_sum3A : i1 to vector<16xi1>
      %reduce_sum3A_397 = tpu.scan <sum>, %convert_element_type3A_395 masked %reduce_sum3A_396 : vector<16xf32>, vector<16xi1> -> vector<16xf32>
      %reduce_sum3A_398 = vector.extract %reduce_sum3A_397[15] : f32 from vector<16xf32>
      %gt3A = arith.constant 0.000000e+00 : f32
      %gt3A_399 = arith.cmpf ogt, %reduce_sum3A_398, %gt3A : f32
      %mul3A_400 = arith.constant 16 : i32
      %mul3A_401 = arith.muli %scan3A_382, %mul3A_400 : i32
      %convert_element_type3A_402 = arith.fptosi %reduce_sum3A_398 : f32 to i32
      %add3A_403 = arith.addi %mul3A_401, %convert_element_type3A_402 : i32
      %select_n3A_404 = arith.select %gt3A_399, %add3A_403, %scan3A_384 : i32
      %reduce_sum3A_405 = arith.constant true
      %reduce_sum3A_406 = vector.broadcast %reduce_sum3A_405 : i1 to vector<16xi1>
      %reduce_sum3A_407 = tpu.scan <sum>, %get3A_387 masked %reduce_sum3A_406 : vector<16xf32>, vector<16xi1> -> vector<16xf32>
      %reduce_sum3A_408 = vector.extract %reduce_sum3A_407[15] : f32 from vector<16xf32>
      %add3A_409 = arith.addf %scan3A_383, %reduce_sum3A_408 : f32
      scf.yield %add3A_409, %select_n3A_404 : f32, i32
    }
    %scan3A_374 = arith.constant 2048 : i32
    %convert_element_type3A = arith.sitofp %scan3A_373#1 : i32 to f32
    %mul3A_375 = arith.constant 3.05175781E-5 : f32
    %mul3A_376 = arith.mulf %convert_element_type3A, %mul3A_375 : f32
    %broadcast_in_dim3A_377 = arith.constant 0.000000e+00 : f32
    %broadcast_in_dim3A_378 = vector.broadcast %broadcast_in_dim3A_377 : f32 to vector<16xf32>
    %add3A_379 = vector.broadcast %mul3A_376 : f32 to vector<16xf32>
    %add3A_380 = arith.addf %broadcast_in_dim3A_378, %add3A_379 : vector<16xf32>
    %swap3A = arith.constant 0 : index
    %swap3A_381 = tpu.vector_load %arg8[%swap3A] {strides = array<i32>} : memref<16xf32, #tpu.memory_space<vmem>>, vector<16xf32>,
    tpu.vector_store %arg8[%swap3A], %add3A_380 {strides = array<i32>} : memref<16xf32, #tpu.memory_space<vmem>>, vector<16xf32>,
    "tpu.region"() ({
      %run_scoped3A = tpu.sem_alloc : memref<!tpu.dma_semaphore, #tpu.memory_space<semaphore_mem>>
      %dma_start3A_382 = arith.constant 0 : i32
      %dma_start3A_383 = tpu.memref_slice %arg3[%add3A, %dma_start3A_382] : memref<32x16xf32, #tpu.memory_space<hbm>> -> memref<1x16xf32, #tpu.memory_space<hbm>>
      %dma_start3A_384 = tpu.memref_squeeze %dma_start3A_383 : memref<1x16xf32, #tpu.memory_space<hbm>> -> memref<16xf32, #tpu.memory_space<hbm>>
      %dma_start3A_385 = arith.constant 0 : i32
      %dma_start3A_386 = tpu.memref_slice %arg3[%add3A, %dma_start3A_385] : memref<32x16xf32, #tpu.memory_space<hbm>> -> memref<1x16xf32, #tpu.memory_space<hbm>>
      %dma_start3A_387 = tpu.memref_squeeze %dma_start3A_386 : memref<1x16xf32, #tpu.memory_space<hbm>> -> memref<16xf32, #tpu.memory_space<hbm>>
      tpu.enqueue_dma source(%arg8 : memref<16xf32, #tpu.memory_space<vmem>>) target(%dma_start3A_387 : memref<16xf32, #tpu.memory_space<hbm>>) target_semaphore(%run_scoped3A : memref<!tpu.dma_semaphore, #tpu.memory_space<semaphore_mem>>)
      %dma_wait3A_388 = arith.constant 0 : i32
      %dma_wait3A_389 = tpu.memref_slice %arg3[%add3A, %dma_wait3A_388] : memref<32x16xf32, #tpu.memory_space<hbm>> -> memref<1x16xf32, #tpu.memory_space<hbm>>
      %dma_wait3A_390 = tpu.memref_squeeze %dma_wait3A_389 : memref<1x16xf32, #tpu.memory_space<hbm>> -> memref<16xf32, #tpu.memory_space<hbm>>
      %dma_wait3A_391 = arith.constant 0 : i32
      %dma_wait3A_392 = tpu.memref_slice %arg3[%add3A, %dma_wait3A_391] : memref<32x16xf32, #tpu.memory_space<hbm>> -> memref<1x16xf32, #tpu.memory_space<hbm>>
      %dma_wait3A_393 = tpu.memref_squeeze %dma_wait3A_392 : memref<1x16xf32, #tpu.memory_space<hbm>> -> memref<16xf32, #tpu.memory_space<hbm>>
      tpu.wait_dma2 semaphore(%run_scoped3A : memref<!tpu.dma_semaphore, #tpu.memory_space<semaphore_mem>>) src(%arg8 : memref<16xf32, #tpu.memory_space<vmem>>) dst(%dma_wait3A_393 : memref<16xf32, #tpu.memory_space<hbm>>)
      tpu.yield
    }) : () -> ()
    return
  }
}

module attributes {stable_mosaic.version = 14 : i64} {
  func.func @_rollout_kernel(%arg0: i32, %arg1: i32, %arg2: memref<8x4xi32, #tpu.memory_space<smem>>, %arg3: memref<32xi32, #tpu.memory_space<smem>>, %arg4: memref<1x1x677x677xf32, #tpu.memory_space<vmem>>, %arg5: memref<1x4x677xf32, #tpu.memory_space<vmem>>, %arg6: memref<1x1x4x576xf32, #tpu.memory_space<vmem>>, %arg7: memref<1x1x4x576xf32, #tpu.memory_space<vmem>>, %arg8: memref<8x677xf32, #tpu.memory_space<vmem>>) attributes {dimension_semantics = [#tpu.dimension_semantics<arbitrary>, #tpu.dimension_semantics<arbitrary>], iteration_bounds = array<i64: 8, 3>, scalar_prefetch = 2 : i64, scratch_operands = 1 : i64, tpu.core_type = #tpu.core_type<tc>, window_params = [{transform_indices = @transform_0, window_bounds = array<i64: 1, 1, 677, 677>}, {transform_indices = @transform_1, window_bounds = array<i64: 1, 4, 677>}, {transform_indices = @transform_2, window_bounds = array<i64: 1, 1, 4, 576>}, {transform_indices = @transform_3, window_bounds = array<i64: 1, 1, 4, 576>}]} {
    %get3A = arith.constant 0 : index
    %get3A_0 = arith.constant 0 : index
    %get3A_1 = arith.constant 0 : index
    %get3A_2 = arith.constant 0 : index
    %get3A_3 = vector.load %arg4[%get3A, %get3A_0, %get3A_1, %get3A_2] : memref<1x1x677x677xf32, #tpu.memory_space<vmem>>, vector<1x1x677x677xf32>
    %get3A_4 = vector.shape_cast %get3A_3 : vector<1x1x677x677xf32> to vector<677x677xf32>
    %sub3A = arith.constant 2 : i32
    %sub3A_5 = arith.subi %sub3A, %arg1 : i32
    %mul3A = arith.constant 8 : i32
    %mul3A_6 = arith.muli %sub3A_5, %mul3A : i32
    %add3A = arith.addi %mul3A_6, %arg0 : i32
    %get3A_7 = arith.index_cast %add3A : i32 to index
    %get3A_8 = memref.load %arg3[%get3A_7] : memref<32xi32, #tpu.memory_space<smem>>
    %bitcast_convert_type3A = tpu.bitcast %get3A_4 : vector<677x677xf32> -> vector<677x677xi32>
    %ge3A = vector.broadcast %get3A_8 : i32 to vector<677x677xi32>
    %ge3A_9 = arith.cmpi sge, %bitcast_convert_type3A, %ge3A : vector<677x677xi32>
    %jit3A = arith.constant 0.000000e+00 : f32
    %broadcast_in_dim3A = vector.broadcast %jit3A : f32 to vector<677x677xf32>
    %select_n3A = arith.select %ge3A_9, %get3A_4, %broadcast_in_dim3A : vector<677x677xi1>, vector<677x677xf32>
    %reduce_sum3A = arith.constant dense<0.000000e+00> : vector<677xf32>
    %reduce_sum3A_10 = vector.multi_reduction <add>, %select_n3A, %reduce_sum3A [1] : vector<677x677xf32> to vector<677xf32>
    %add3A_11 = arith.constant 1.000000e+00 : f32
    %add3A_12 = vector.broadcast %add3A_11 : f32 to vector<677xf32>
    %add3A_13 = arith.addf %reduce_sum3A_10, %add3A_12 : vector<677xf32>
    %div3A = arith.constant 1.000000e+00 : f32
    %div3A_14 = vector.broadcast %div3A : f32 to vector<677xf32>
    %div3A_15 = arith.divf %div3A_14, %add3A_13 : vector<677xf32>
    %eq3A = arith.constant 0 : i32
    %eq3A_16 = arith.cmpi eq, %arg1, %eq3A : i32
    %convert_element_type3A = arith.extui %eq3A_16 : i1 to i32
    %cond3A = arith.constant 0 : i32
    %cond3A_17 = arith.cmpi ne, %convert_element_type3A, %cond3A : i32
    scf.if %cond3A_17 {
      %add3A_35 = arith.constant 24 : i32
      %add3A_36 = arith.addi %add3A_35, %arg0 : i32
      %get3A_37 = arith.index_cast %add3A_36 : i32 to index
      %get3A_38 = memref.load %arg3[%get3A_37] : memref<32xi32, #tpu.memory_space<smem>>
      %get3A_39 = arith.index_cast %arg0 : i32 to index
      %get3A_40 = arith.constant 0 : index
      %get3A_41 = memref.load %arg2[%get3A_39, %get3A_40] : memref<8x4xi32, #tpu.memory_space<smem>>
      %add3A_42 = arith.constant 577 : i32
      %add3A_43 = arith.addi %add3A_42, %get3A_41 : i32
      %get3A_44 = arith.constant 0 : index
      %get3A_45 = arith.constant 0 : index
      %get3A_46 = arith.constant 0 : index
      %get3A_47 = vector.load %arg5[%get3A_44, %get3A_45, %get3A_46] : memref<1x4x677xf32, #tpu.memory_space<vmem>>, vector<1x1x677xf32>
      %get3A_48 = vector.shape_cast %get3A_47 : vector<1x1x677xf32> to vector<1x677xf32>
      %bitcast_convert_type3A_49 = tpu.bitcast %get3A_48 : vector<1x677xf32> -> vector<1x677xi32>
      %ge3A_50 = vector.broadcast %get3A_38 : i32 to vector<1x677xi32>
      %ge3A_51 = arith.cmpi sge, %bitcast_convert_type3A_49, %ge3A_50 : vector<1x677xi32>
      %jit3A_52 = arith.constant 0.000000e+00 : f32
      %broadcast_in_dim3A_53 = vector.broadcast %jit3A_52 : f32 to vector<1x677xf32>
      %select_n3A_54 = arith.select %ge3A_51, %get3A_48, %broadcast_in_dim3A_53 : vector<1x677xi1>, vector<1x677xf32>
      %iota3A = tpu.iota {dimensions = array<i32: 1>} : vector<1x677xi32>
      %eq3A_55 = vector.broadcast %add3A_43 : i32 to vector<1x677xi32>
      %eq3A_56 = arith.cmpi eq, %iota3A, %eq3A_55 : vector<1x677xi32>
      %jit3A_57 = arith.constant 1.000000e+00 : f32
      %jit3A_58 = arith.constant 0.000000e+00 : f32
      %broadcast_in_dim3A_59 = vector.broadcast %jit3A_57 : f32 to vector<1x677xf32>
      %broadcast_in_dim3A_60 = vector.broadcast %jit3A_58 : f32 to vector<1x677xf32>
      %select_n3A_61 = arith.select %eq3A_56, %broadcast_in_dim3A_59, %broadcast_in_dim3A_60 : vector<1x677xi1>, vector<1x677xf32>
      %add3A_62 = arith.addf %select_n3A_54, %select_n3A_61 : vector<1x677xf32>
      %reduce_sum3A_63 = vector.shape_cast %add3A_62 : vector<1x677xf32> to vector<1x1x677xf32>
      %reduce_sum3A_64 = arith.constant dense<0.000000e+00> : vector<1xf32>
      %reduce_sum3A_65 = vector.multi_reduction <add>, %reduce_sum3A_63, %reduce_sum3A_64 [1, 2] : vector<1x1x677xf32> to vector<1xf32>
      %reduce_sum3A_66 = vector.shape_cast %reduce_sum3A_65 : vector<1xf32> to vector<1x1x1xf32>
      %reduce_sum3A_67 = vector.extract %reduce_sum3A_66[0, 0, 0] : f32 from vector<1x1x1xf32>
      %div3A_68 = arith.constant 1.000000e+00 : f32
      %div3A_69 = arith.divf %div3A_68, %reduce_sum3A_67 : f32
      %mul3A_70 = vector.broadcast %div3A_69 : f32 to vector<1x677xf32>
      %mul3A_71 = arith.mulf %add3A_62, %mul3A_70 : vector<1x677xf32>
      %squeeze3A = vector.shape_cast %mul3A_71 : vector<1x677xf32> to vector<677xf32>
      %swap3A_72 = arith.constant 0 : index
      %swap3A_73 = arith.constant 0 : index
      %swap3A_74 = vector.load %arg8[%swap3A_72, %swap3A_73] : memref<8x677xf32, #tpu.memory_space<vmem>>, vector<1x677xf32>
      %swap3A_75 = vector.shape_cast %swap3A_74 : vector<1x677xf32> to vector<677xf32>
      %swap3A_76 = vector.shape_cast %squeeze3A : vector<677xf32> to vector<1x677xf32>
      tpu.vector_store %arg8[%swap3A_72, %swap3A_73], %swap3A_76 {strides = array<i32>} : memref<8x677xf32, #tpu.memory_space<vmem>>, vector<1x677xf32>,
      %slice3A_77 = vector.extract_strided_slice %mul3A_71 {offsets = [0, 1], sizes = [1, 576], strides = [1, 1]} : vector<1x677xf32> to vector<1x576xf32>
      %squeeze3A_78 = vector.shape_cast %slice3A_77 : vector<1x576xf32> to vector<576xf32>
      %swap3A_79 = arith.constant 0 : index
      %swap3A_80 = arith.constant 0 : index
      %swap3A_81 = arith.constant 0 : index
      %swap3A_82 = arith.constant 0 : index
      %swap3A_83 = vector.load %arg7[%swap3A_79, %swap3A_80, %swap3A_81, %swap3A_82] : memref<1x1x4x576xf32, #tpu.memory_space<vmem>>, vector<1x1x1x576xf32>
      %swap3A_84 = vector.shape_cast %swap3A_83 : vector<1x1x1x576xf32> to vector<576xf32>
      %swap3A_85 = vector.shape_cast %squeeze3A_78 : vector<576xf32> to vector<1x1x1x576xf32>
      tpu.vector_store %arg7[%swap3A_79, %swap3A_80, %swap3A_81, %swap3A_82], %swap3A_85 {strides = array<i32>} : memref<1x1x4x576xf32, #tpu.memory_space<vmem>>, vector<1x1x1x576xf32>,
      %get3A_86 = arith.index_cast %arg0 : i32 to index
      %get3A_87 = arith.constant 1 : index
      %get3A_88 = memref.load %arg2[%get3A_86, %get3A_87] : memref<8x4xi32, #tpu.memory_space<smem>>
      %add3A_89 = arith.constant 577 : i32
      %add3A_90 = arith.addi %add3A_89, %get3A_88 : i32
      %get3A_91 = arith.constant 0 : index
      %get3A_92 = arith.constant 1 : index
      %get3A_93 = arith.constant 0 : index
      %get3A_94 = vector.load %arg5[%get3A_91, %get3A_92, %get3A_93] : memref<1x4x677xf32, #tpu.memory_space<vmem>>, vector<1x1x677xf32>
      %get3A_95 = vector.shape_cast %get3A_94 : vector<1x1x677xf32> to vector<1x677xf32>
      %bitcast_convert_type3A_96 = tpu.bitcast %get3A_95 : vector<1x677xf32> -> vector<1x677xi32>
      %ge3A_97 = vector.broadcast %get3A_38 : i32 to vector<1x677xi32>
      %ge3A_98 = arith.cmpi sge, %bitcast_convert_type3A_96, %ge3A_97 : vector<1x677xi32>
      %jit3A_99 = arith.constant 0.000000e+00 : f32
      %broadcast_in_dim3A_100 = vector.broadcast %jit3A_99 : f32 to vector<1x677xf32>
      %select_n3A_101 = arith.select %ge3A_98, %get3A_95, %broadcast_in_dim3A_100 : vector<1x677xi1>, vector<1x677xf32>
      %iota3A_102 = tpu.iota {dimensions = array<i32: 1>} : vector<1x677xi32>
      %eq3A_103 = vector.broadcast %add3A_90 : i32 to vector<1x677xi32>
      %eq3A_104 = arith.cmpi eq, %iota3A_102, %eq3A_103 : vector<1x677xi32>
      %jit3A_105 = arith.constant 1.000000e+00 : f32
      %jit3A_106 = arith.constant 0.000000e+00 : f32
      %broadcast_in_dim3A_107 = vector.broadcast %jit3A_105 : f32 to vector<1x677xf32>
      %broadcast_in_dim3A_108 = vector.broadcast %jit3A_106 : f32 to vector<1x677xf32>
      %select_n3A_109 = arith.select %eq3A_104, %broadcast_in_dim3A_107, %broadcast_in_dim3A_108 : vector<1x677xi1>, vector<1x677xf32>
      %add3A_110 = arith.addf %select_n3A_101, %select_n3A_109 : vector<1x677xf32>
      %reduce_sum3A_111 = vector.shape_cast %add3A_110 : vector<1x677xf32> to vector<1x1x677xf32>
      %reduce_sum3A_112 = arith.constant dense<0.000000e+00> : vector<1xf32>
      %reduce_sum3A_113 = vector.multi_reduction <add>, %reduce_sum3A_111, %reduce_sum3A_112 [1, 2] : vector<1x1x677xf32> to vector<1xf32>
      %reduce_sum3A_114 = vector.shape_cast %reduce_sum3A_113 : vector<1xf32> to vector<1x1x1xf32>
      %reduce_sum3A_115 = vector.extract %reduce_sum3A_114[0, 0, 0] : f32 from vector<1x1x1xf32>
      %div3A_116 = arith.constant 1.000000e+00 : f32
      %div3A_117 = arith.divf %div3A_116, %reduce_sum3A_115 : f32
      %mul3A_118 = vector.broadcast %div3A_117 : f32 to vector<1x677xf32>
      %mul3A_119 = arith.mulf %add3A_110, %mul3A_118 : vector<1x677xf32>
      %squeeze3A_120 = vector.shape_cast %mul3A_119 : vector<1x677xf32> to vector<677xf32>
      %swap3A_121 = arith.constant 1 : index
      %swap3A_122 = arith.constant 0 : index
      %swap3A_123 = vector.load %arg8[%swap3A_121, %swap3A_122] : memref<8x677xf32, #tpu.memory_space<vmem>>, vector<1x677xf32>
      %swap3A_124 = vector.shape_cast %swap3A_123 : vector<1x677xf32> to vector<677xf32>
      %swap3A_125 = vector.shape_cast %squeeze3A_120 : vector<677xf32> to vector<1x677xf32>
      tpu.vector_store %arg8[%swap3A_121, %swap3A_122], %swap3A_125 {strides = array<i32>} : memref<8x677xf32, #tpu.memory_space<vmem>>, vector<1x677xf32>,
      %slice3A_126 = vector.extract_strided_slice %mul3A_119 {offsets = [0, 1], sizes = [1, 576], strides = [1, 1]} : vector<1x677xf32> to vector<1x576xf32>
      %squeeze3A_127 = vector.shape_cast %slice3A_126 : vector<1x576xf32> to vector<576xf32>
      %swap3A_128 = arith.constant 0 : index
      %swap3A_129 = arith.constant 0 : index
      %swap3A_130 = arith.constant 1 : index
      %swap3A_131 = arith.constant 0 : index
      %swap3A_132 = vector.load %arg7[%swap3A_128, %swap3A_129, %swap3A_130, %swap3A_131] : memref<1x1x4x576xf32, #tpu.memory_space<vmem>>, vector<1x1x1x576xf32>
      %swap3A_133 = vector.shape_cast %swap3A_132 : vector<1x1x1x576xf32> to vector<576xf32>
      %swap3A_134 = vector.shape_cast %squeeze3A_127 : vector<576xf32> to vector<1x1x1x576xf32>
      tpu.vector_store %arg7[%swap3A_128, %swap3A_129, %swap3A_130, %swap3A_131], %swap3A_134 {strides = array<i32>} : memref<1x1x4x576xf32, #tpu.memory_space<vmem>>, vector<1x1x1x576xf32>,
      %get3A_135 = arith.index_cast %arg0 : i32 to index
      %get3A_136 = arith.constant 2 : index
      %get3A_137 = memref.load %arg2[%get3A_135, %get3A_136] : memref<8x4xi32, #tpu.memory_space<smem>>
      %add3A_138 = arith.constant 577 : i32
      %add3A_139 = arith.addi %add3A_138, %get3A_137 : i32
      %get3A_140 = arith.constant 0 : index
      %get3A_141 = arith.constant 2 : index
      %get3A_142 = arith.constant 0 : index
      %get3A_143 = vector.load %arg5[%get3A_140, %get3A_141, %get3A_142] : memref<1x4x677xf32, #tpu.memory_space<vmem>>, vector<1x1x677xf32>
      %get3A_144 = vector.shape_cast %get3A_143 : vector<1x1x677xf32> to vector<1x677xf32>
      %bitcast_convert_type3A_145 = tpu.bitcast %get3A_144 : vector<1x677xf32> -> vector<1x677xi32>
      %ge3A_146 = vector.broadcast %get3A_38 : i32 to vector<1x677xi32>
      %ge3A_147 = arith.cmpi sge, %bitcast_convert_type3A_145, %ge3A_146 : vector<1x677xi32>
      %jit3A_148 = arith.constant 0.000000e+00 : f32
      %broadcast_in_dim3A_149 = vector.broadcast %jit3A_148 : f32 to vector<1x677xf32>
      %select_n3A_150 = arith.select %ge3A_147, %get3A_144, %broadcast_in_dim3A_149 : vector<1x677xi1>, vector<1x677xf32>
      %iota3A_151 = tpu.iota {dimensions = array<i32: 1>} : vector<1x677xi32>
      %eq3A_152 = vector.broadcast %add3A_139 : i32 to vector<1x677xi32>
      %eq3A_153 = arith.cmpi eq, %iota3A_151, %eq3A_152 : vector<1x677xi32>
      %jit3A_154 = arith.constant 1.000000e+00 : f32
      %jit3A_155 = arith.constant 0.000000e+00 : f32
      %broadcast_in_dim3A_156 = vector.broadcast %jit3A_154 : f32 to vector<1x677xf32>
      %broadcast_in_dim3A_157 = vector.broadcast %jit3A_155 : f32 to vector<1x677xf32>
      %select_n3A_158 = arith.select %eq3A_153, %broadcast_in_dim3A_156, %broadcast_in_dim3A_157 : vector<1x677xi1>, vector<1x677xf32>
      %add3A_159 = arith.addf %select_n3A_150, %select_n3A_158 : vector<1x677xf32>
      %reduce_sum3A_160 = vector.shape_cast %add3A_159 : vector<1x677xf32> to vector<1x1x677xf32>
      %reduce_sum3A_161 = arith.constant dense<0.000000e+00> : vector<1xf32>
      %reduce_sum3A_162 = vector.multi_reduction <add>, %reduce_sum3A_160, %reduce_sum3A_161 [1, 2] : vector<1x1x677xf32> to vector<1xf32>
      %reduce_sum3A_163 = vector.shape_cast %reduce_sum3A_162 : vector<1xf32> to vector<1x1x1xf32>
      %reduce_sum3A_164 = vector.extract %reduce_sum3A_163[0, 0, 0] : f32 from vector<1x1x1xf32>
      %div3A_165 = arith.constant 1.000000e+00 : f32
      %div3A_166 = arith.divf %div3A_165, %reduce_sum3A_164 : f32
      %mul3A_167 = vector.broadcast %div3A_166 : f32 to vector<1x677xf32>
      %mul3A_168 = arith.mulf %add3A_159, %mul3A_167 : vector<1x677xf32>
      %squeeze3A_169 = vector.shape_cast %mul3A_168 : vector<1x677xf32> to vector<677xf32>
      %swap3A_170 = arith.constant 2 : index
      %swap3A_171 = arith.constant 0 : index
      %swap3A_172 = vector.load %arg8[%swap3A_170, %swap3A_171] : memref<8x677xf32, #tpu.memory_space<vmem>>, vector<1x677xf32>
      %swap3A_173 = vector.shape_cast %swap3A_172 : vector<1x677xf32> to vector<677xf32>
      %swap3A_174 = vector.shape_cast %squeeze3A_169 : vector<677xf32> to vector<1x677xf32>
      tpu.vector_store %arg8[%swap3A_170, %swap3A_171], %swap3A_174 {strides = array<i32>} : memref<8x677xf32, #tpu.memory_space<vmem>>, vector<1x677xf32>,
      %slice3A_175 = vector.extract_strided_slice %mul3A_168 {offsets = [0, 1], sizes = [1, 576], strides = [1, 1]} : vector<1x677xf32> to vector<1x576xf32>
      %squeeze3A_176 = vector.shape_cast %slice3A_175 : vector<1x576xf32> to vector<576xf32>
      %swap3A_177 = arith.constant 0 : index
      %swap3A_178 = arith.constant 0 : index
      %swap3A_179 = arith.constant 2 : index
      %swap3A_180 = arith.constant 0 : index
      %swap3A_181 = vector.load %arg7[%swap3A_177, %swap3A_178, %swap3A_179, %swap3A_180] : memref<1x1x4x576xf32, #tpu.memory_space<vmem>>, vector<1x1x1x576xf32>
      %swap3A_182 = vector.shape_cast %swap3A_181 : vector<1x1x1x576xf32> to vector<576xf32>
      %swap3A_183 = vector.shape_cast %squeeze3A_176 : vector<576xf32> to vector<1x1x1x576xf32>
      tpu.vector_store %arg7[%swap3A_177, %swap3A_178, %swap3A_179, %swap3A_180], %swap3A_183 {strides = array<i32>} : memref<1x1x4x576xf32, #tpu.memory_space<vmem>>, vector<1x1x1x576xf32>,
      %get3A_184 = arith.index_cast %arg0 : i32 to index
      %get3A_185 = arith.constant 3 : index
      %get3A_186 = memref.load %arg2[%get3A_184, %get3A_185] : memref<8x4xi32, #tpu.memory_space<smem>>
      %add3A_187 = arith.constant 577 : i32
      %add3A_188 = arith.addi %add3A_187, %get3A_186 : i32
      %get3A_189 = arith.constant 0 : index
      %get3A_190 = arith.constant 3 : index
      %get3A_191 = arith.constant 0 : index
      %get3A_192 = vector.load %arg5[%get3A_189, %get3A_190, %get3A_191] : memref<1x4x677xf32, #tpu.memory_space<vmem>>, vector<1x1x677xf32>
      %get3A_193 = vector.shape_cast %get3A_192 : vector<1x1x677xf32> to vector<1x677xf32>
      %bitcast_convert_type3A_194 = tpu.bitcast %get3A_193 : vector<1x677xf32> -> vector<1x677xi32>
      %ge3A_195 = vector.broadcast %get3A_38 : i32 to vector<1x677xi32>
      %ge3A_196 = arith.cmpi sge, %bitcast_convert_type3A_194, %ge3A_195 : vector<1x677xi32>
      %jit3A_197 = arith.constant 0.000000e+00 : f32
      %broadcast_in_dim3A_198 = vector.broadcast %jit3A_197 : f32 to vector<1x677xf32>
      %select_n3A_199 = arith.select %ge3A_196, %get3A_193, %broadcast_in_dim3A_198 : vector<1x677xi1>, vector<1x677xf32>
      %iota3A_200 = tpu.iota {dimensions = array<i32: 1>} : vector<1x677xi32>
      %eq3A_201 = vector.broadcast %add3A_188 : i32 to vector<1x677xi32>
      %eq3A_202 = arith.cmpi eq, %iota3A_200, %eq3A_201 : vector<1x677xi32>
      %jit3A_203 = arith.constant 1.000000e+00 : f32
      %jit3A_204 = arith.constant 0.000000e+00 : f32
      %broadcast_in_dim3A_205 = vector.broadcast %jit3A_203 : f32 to vector<1x677xf32>
      %broadcast_in_dim3A_206 = vector.broadcast %jit3A_204 : f32 to vector<1x677xf32>
      %select_n3A_207 = arith.select %eq3A_202, %broadcast_in_dim3A_205, %broadcast_in_dim3A_206 : vector<1x677xi1>, vector<1x677xf32>
      %add3A_208 = arith.addf %select_n3A_199, %select_n3A_207 : vector<1x677xf32>
      %reduce_sum3A_209 = vector.shape_cast %add3A_208 : vector<1x677xf32> to vector<1x1x677xf32>
      %reduce_sum3A_210 = arith.constant dense<0.000000e+00> : vector<1xf32>
      %reduce_sum3A_211 = vector.multi_reduction <add>, %reduce_sum3A_209, %reduce_sum3A_210 [1, 2] : vector<1x1x677xf32> to vector<1xf32>
      %reduce_sum3A_212 = vector.shape_cast %reduce_sum3A_211 : vector<1xf32> to vector<1x1x1xf32>
      %reduce_sum3A_213 = vector.extract %reduce_sum3A_212[0, 0, 0] : f32 from vector<1x1x1xf32>
      %div3A_214 = arith.constant 1.000000e+00 : f32
      %div3A_215 = arith.divf %div3A_214, %reduce_sum3A_213 : f32
      %mul3A_216 = vector.broadcast %div3A_215 : f32 to vector<1x677xf32>
      %mul3A_217 = arith.mulf %add3A_208, %mul3A_216 : vector<1x677xf32>
      %squeeze3A_218 = vector.shape_cast %mul3A_217 : vector<1x677xf32> to vector<677xf32>
      %swap3A_219 = arith.constant 3 : index
      %swap3A_220 = arith.constant 0 : index
      %swap3A_221 = vector.load %arg8[%swap3A_219, %swap3A_220] : memref<8x677xf32, #tpu.memory_space<vmem>>, vector<1x677xf32>
      %swap3A_222 = vector.shape_cast %swap3A_221 : vector<1x677xf32> to vector<677xf32>
      %swap3A_223 = vector.shape_cast %squeeze3A_218 : vector<677xf32> to vector<1x677xf32>
      tpu.vector_store %arg8[%swap3A_219, %swap3A_220], %swap3A_223 {strides = array<i32>} : memref<8x677xf32, #tpu.memory_space<vmem>>, vector<1x677xf32>,
      %slice3A_224 = vector.extract_strided_slice %mul3A_217 {offsets = [0, 1], sizes = [1, 576], strides = [1, 1]} : vector<1x677xf32> to vector<1x576xf32>
      %squeeze3A_225 = vector.shape_cast %slice3A_224 : vector<1x576xf32> to vector<576xf32>
      %swap3A_226 = arith.constant 0 : index
      %swap3A_227 = arith.constant 0 : index
      %swap3A_228 = arith.constant 3 : index
      %swap3A_229 = arith.constant 0 : index
      %swap3A_230 = vector.load %arg7[%swap3A_226, %swap3A_227, %swap3A_228, %swap3A_229] : memref<1x1x4x576xf32, #tpu.memory_space<vmem>>, vector<1x1x1x576xf32>
      %swap3A_231 = vector.shape_cast %swap3A_230 : vector<1x1x1x576xf32> to vector<576xf32>
      %swap3A_232 = vector.shape_cast %squeeze3A_225 : vector<576xf32> to vector<1x1x1x576xf32>
      tpu.vector_store %arg7[%swap3A_226, %swap3A_227, %swap3A_228, %swap3A_229], %swap3A_232 {strides = array<i32>} : memref<1x1x4x576xf32, #tpu.memory_space<vmem>>, vector<1x1x1x576xf32>,
    } else {
    }
    %get3A_18 = arith.constant 0 : index
    %get3A_19 = arith.constant 0 : index
    %get3A_20 = vector.load %arg8[%get3A_18, %get3A_19] : memref<8x677xf32, #tpu.memory_space<vmem>>, vector<4x677xf32>
    %broadcast_in_dim3A_21 = vector.shape_cast %div3A_15 : vector<677xf32> to vector<1x677xf32>
    %mul3A_22 = vector.broadcast %broadcast_in_dim3A_21 : vector<1x677xf32> to vector<4x677xf32>
    %mul3A_23 = arith.mulf %get3A_20, %mul3A_22 : vector<4x677xf32>
    %dot_general3A = arith.constant dense<0.000000e+00> : vector<4x677xf32>
    %dot_general3A_24 = tpu.matmul %mul3A_23, %select_n3A, %dot_general3A {dimension_numbers = #tpu.dot_dimension_numbers<[1], [0], [0], [1], [0, 0, 1, 1], [], []>, transpose_lhs_hint = false} : vector<4x677xf32>, vector<677x677xf32>, vector<4x677xf32> -> vector<4x677xf32>
    %add3A_25 = arith.addf %dot_general3A_24, %mul3A_23 : vector<4x677xf32>
    %swap3A = arith.constant 0 : index
    %swap3A_26 = arith.constant 0 : index
    %swap3A_27 = vector.load %arg8[%swap3A, %swap3A_26] : memref<8x677xf32, #tpu.memory_space<vmem>>, vector<4x677xf32>
    tpu.vector_store %arg8[%swap3A, %swap3A_26], %add3A_25 {strides = array<i32>} : memref<8x677xf32, #tpu.memory_space<vmem>>, vector<4x677xf32>,
    %slice3A = vector.extract_strided_slice %add3A_25 {offsets = [0, 1], sizes = [4, 576], strides = [1, 1]} : vector<4x677xf32> to vector<4x576xf32>
    %swap3A_28 = arith.constant 0 : index
    %swap3A_29 = arith.constant 0 : index
    %swap3A_30 = arith.constant 0 : index
    %swap3A_31 = arith.constant 0 : index
    %swap3A_32 = vector.load %arg6[%swap3A_28, %swap3A_29, %swap3A_30, %swap3A_31] : memref<1x1x4x576xf32, #tpu.memory_space<vmem>>, vector<1x1x4x576xf32>
    %swap3A_33 = vector.shape_cast %swap3A_32 : vector<1x1x4x576xf32> to vector<4x576xf32>
    %swap3A_34 = vector.shape_cast %slice3A : vector<4x576xf32> to vector<1x1x4x576xf32>
    tpu.vector_store %arg6[%swap3A_28, %swap3A_29, %swap3A_30, %swap3A_31], %swap3A_34 {strides = array<i32>} : memref<1x1x4x576xf32, #tpu.memory_space<vmem>>, vector<1x1x4x576xf32>,
    return
  }
  func.func @transform_0(%arg0: i32, %arg1: i32, %arg2: memref<8x4xi32, #tpu.memory_space<smem>>, %arg3: memref<32xi32, #tpu.memory_space<smem>>) -> (i32, i32, i32, i32) {
    %sub3A = arith.constant 2 : i32
    %sub3A_0 = arith.subi %sub3A, %arg1 : i32
    %c0_i32 = arith.constant 0 : i32
    %c0_i32_1 = arith.constant 0 : i32
    %c0_i32_2 = arith.constant 0 : i32
    return %sub3A_0, %arg0, %c0_i32, %c0_i32_1 : i32, i32, i32, i32
  }
  func.func @transform_1(%arg0: i32, %arg1: i32, %arg2: memref<8x4xi32, #tpu.memory_space<smem>>, %arg3: memref<32xi32, #tpu.memory_space<smem>>) -> (i32, i32, i32) {
    %c0_i32 = arith.constant 0 : i32
    %c0_i32_0 = arith.constant 0 : i32
    %c0_i32_1 = arith.constant 0 : i32
    return %arg0, %c0_i32, %c0_i32_0 : i32, i32, i32
  }
  func.func @transform_2(%arg0: i32, %arg1: i32, %arg2: memref<8x4xi32, #tpu.memory_space<smem>>, %arg3: memref<32xi32, #tpu.memory_space<smem>>) -> (i32, i32, i32, i32) {
    %sub3A = arith.constant 2 : i32
    %sub3A_0 = arith.subi %sub3A, %arg1 : i32
    %c0_i32 = arith.constant 0 : i32
    %c0_i32_1 = arith.constant 0 : i32
    %c0_i32_2 = arith.constant 0 : i32
    return %arg0, %sub3A_0, %c0_i32, %c0_i32_1 : i32, i32, i32, i32
  }
  func.func @transform_3(%arg0: i32, %arg1: i32, %arg2: memref<8x4xi32, #tpu.memory_space<smem>>, %arg3: memref<32xi32, #tpu.memory_space<smem>>) -> (i32, i32, i32, i32) {
    %c0_i32 = arith.constant 0 : i32
    %c0_i32_0 = arith.constant 0 : i32
    %c0_i32_1 = arith.constant 0 : i32
    %c0_i32_2 = arith.constant 0 : i32
    return %arg0, %c0_i32, %c0_i32_0, %c0_i32_1 : i32, i32, i32, i32
  }
}

</mosaic_0001>

<sc_bundles>
// kernel: kernel.4.cloned.1.call-start
scs
__scs_entry_jumppad:
0x0: {  	(pc) =	sbr.rel $0x88, $3  }
0x1: {  	(tag) =	ssettag $0x0;
	lr =	simm.s32 $0x1  }
0x2: {  	[smem:$0x3F9F] =	sst lr;
	_ =	strace $0xD0000000  }
0x3: {  	_ = 	snop  }
0x4: {  	_ = 	snop  }
0x5: {  	_ = 	snop  }
0x6: {  	_ = 	snop  }
0x7: {  	_ = 	snop  }
__scs_overlays_trampoline_lowered:
0x8: {  	[smem:$0x3FAE] =	sst s0  }
0x9: {  	[smem:$0x3FAF] =	sst s1  }
0xa: {  	[smem:$0x3FB0] =	sst s2  }
0xb: {  	[smem:$0x3FB1] =	sst s3  }
0xc: {  	[smem:$0x3FB2] =	sst s4  }
0xd: {  	[smem:$0x3FB3] =	sst s5  }
0xe: {  	[smem:$0x3FB4] =	sst s6  }
0xf: {  	[smem:$0x3FB5] =	sst s7  }
0x10: {  	[smem:$0x3FB6] =	sst s8  }
0x11: {  	[smem:$0x3FB7] =	sst s9;
	s0 =	simm.s32 @!p0 $0x0  }
0x12: {  	s1 =	sld [smem:$0x3F9D];
	s0 =	simm.s32 @p0 $0x1  }
0x13: {  	[smem:$0x3FB8] =	sst s0;
	s0 =	simm.s32 @!p1 $0x0  }
0x14: {  	s2 =	sld [smem:$0x3F9C];
	s0 =	simm.s32 @p1 $0x1  }
0x15: {  	[smem:$0x3FB9] =	sst s0;
	s0 =	simm.s32 @!p2 $0x0  }
0x16: {  	s3 =	sld [smem:$0x3FDB];
	s0 =	simm.s32 @p2 $0x1  }
0x17: {  	s4 =	simm.s32 $0x1BF5;
	[smem:$0x3FBB] =	sst s0  }
0x18: {  	s0 =	sld [smem:$0x3F9E];
	_ =	swait.ge [sflag:s4], $0x0  }
0x19: {  	s7 =	sld [smem:$0x3F9F]  }
0x1a: {  	s8 =	sadd.s32 $0xFFFFE003, lr  }
0x1b: {  	s9 =	sadd.s32 $0xFFFFFEF7, lr;
	s5 =	simm.s32 $0xFFFFFFFF;
	p2 =	slt.u32 s8, $0xFFFFF086  }
0x1c: {  	p1 =	slt.u32 s9, $0xF7A;
	s5 =	simm.s32 @!p2 $0x0  }
0x1d: {  	s5 =	simm.s32 @p1 $0x1;
	p0 =	seq.s32 s7, s2  }
0x1e: {  	s7 =	smul.u32 @!p0 $0xF7A, s2;
	p2 =	seq.s32 @!p0 s5, $0x0  }
0x1f: {  	s9 =	smul.u32 $0xF7A, s1;
	s8 =	simm.s32 @!p0 $0x1BF5;
	p2 =	por !p2, p0  }
0x20: {  	[sflag:s8] =	ssyncset.s32 @!p0 $0xFFFFF086;
	s6 =	sadd.s32 @!p0 s3, s7;
	s7 =	simm.s32 @!p0 $0x108  }
0x21: {  	s3 =	sadd.s32 s3, s9;
	s6 =	sadd.s32 @!p0 $0x88, s6;
	s7 =	simm.s32 @p2 $0x1082  }
0x22: {  	[simem:s7], [sflag:s8] =	dma.local @!p0 [hbm:s6], $0xF7A  }
0x23: {  	s9 =	sor.u32 $0xD0000000, s2;
	s6 =	simm.s32 $0x108;
	_ =	swait.ge @!p0 [sflag:s8], $0x0  }
0x24: {  	s3 =	sadd.s32 $0x88, s3;
	s6 =	simm.s32 @!p1 $0x1082;
	[sflag:s4] =	ssyncset.s32 $0xFFFFF086  }
0x25: {  	[simem:s6], [sflag:s4] =	dma.local [hbm:s3], $0xF7A  }
0x26: {  	[smem:$0x3F9F] =	sst s1;
	(tag) =	ssettag s2;
	_ =	strace s9  }
0x27: {  	s1 =	sld [smem:$0x3FAF]  }
0x28: {  	s2 =	sld [smem:$0x3FB0]  }
0x29: {  	s4 =	sld [smem:$0x3FB2]  }
0x2a: {  	p0 =	seq.s32 s5, $0x0;
	s5 =	sld [smem:$0x3FB3]  }
0x2b: {  	s6 =	sld [smem:$0x3FB4]  }
0x2c: {  	s7 =	sld [smem:$0x3FB5]  }
0x2d: {  	s3 =	simm.s32 $0x108;
	s8 =	sld [smem:$0x3FB6]  }
0x2e: {  	s3 =	simm.s32 @!p0 $0x1082;
	s9 =	sld [smem:$0x3FB7]  }
0x2f: {  	lr =	sadd.s32 s0, s3;
	s0 =	sld [smem:$0x3FAE]  }
0x30: {  	s3 =	sld [smem:$0x3FB1]  }
0x31: {  	[smem:$0x3FBA] =	sst s10  }
0x32: {  	s10 =	sld [smem:$0x3FB8];
	_ =	sdelay $0x3  }
0x33: {  	p0 =	seq.s32 s10, $0x1;
	s10 =	sld [smem:$0x3FBA];
	_ =	sdelay $0x3  }
0x34: {  	[smem:$0x3FBA] =	sst s10  }
0x35: {  	s10 =	sld [smem:$0x3FB9];
	_ =	sdelay $0x3  }
0x36: {  	p1 =	seq.s32 s10, $0x1;
	s10 =	sld [smem:$0x3FBA];
	_ =	sdelay $0x3  }
0x37: {  	[smem:$0x3FBA] =	sst s10  }
0x38: {  	s10 =	sld [smem:$0x3FBB]  }
0x39: {  	_ = 	snop;
	(pc) =	sbr.ind lr, $3  }
0x3a: {  	_ = 	snop  }
0x3b: {  	_ = 	snop  }
0x3c: {  	p2 =	seq.s32 s10, $0x1;
	s10 =	sld [smem:$0x3FBA]  }
0x3d: {  	_ =	shalt  }
0x3e: {  	_ =	shalt  }
0x3f: {  	_ =	shalt  }
0x40: {  	_ =	shalt  }
0x41: {  	_ =	shalt  }
0x42: {  	_ =	shalt  }
0x43: {  	_ =	shalt  }
0x44: {  	_ =	shalt  }
0x45: {  	_ =	shalt  }
0x46: {  	_ =	shalt  }
0x47: {  	_ =	shalt  }
0x48: {  	_ =	shalt  }
0x49: {  	_ =	shalt  }
0x4a: {  	_ =	shalt  }
0x4b: {  	_ =	shalt  }
0x4c: {  	_ =	shalt  }
0x4d: {  	_ =	shalt  }
0x4e: {  	_ =	shalt  }
0x4f: {  	_ =	shalt  }
0x50: {  	_ =	shalt  }
0x51: {  	_ =	shalt  }
0x52: {  	_ =	shalt  }
0x53: {  	_ =	shalt  }
0x54: {  	_ =	shalt  }
0x55: {  	_ =	shalt  }
0x56: {  	_ =	shalt  }
0x57: {  	_ =	shalt  }
0x58: {  	_ =	shalt  }
0x59: {  	_ =	shalt  }
0x5a: {  	_ =	shalt  }
0x5b: {  	_ =	shalt  }
0x5c: {  	_ =	shalt  }
0x5d: {  	_ =	shalt  }
0x5e: {  	_ =	shalt  }
0x5f: {  	_ =	shalt  }
0x60: {  	_ =	shalt  }
0x61: {  	_ =	shalt  }
0x62: {  	_ =	shalt  }
0x63: {  	_ =	shalt  }
0x64: {  	_ =	shalt  }
0x65: {  	_ =	shalt  }
0x66: {  	_ =	shalt  }
0x67: {  	_ =	shalt  }
0x68: {  	_ =	shalt  }
0x69: {  	_ =	shalt  }
0x6a: {  	_ =	shalt  }
0x6b: {  	_ =	shalt  }
0x6c: {  	_ =	shalt  }
0x6d: {  	_ =	shalt  }
0x6e: {  	_ =	shalt  }
0x6f: {  	_ =	shalt  }
0x70: {  	_ =	shalt  }
0x71: {  	_ =	shalt  }
0x72: {  	_ =	shalt  }
0x73: {  	_ =	shalt  }
0x74: {  	_ =	shalt  }
0x75: {  	_ =	shalt  }
0x76: {  	_ =	shalt  }
0x77: {  	_ =	shalt  }
0x78: {  	_ =	shalt  }
0x79: {  	_ =	shalt  }
0x7a: {  	_ =	shalt  }
0x7b: {  	_ =	shalt  }
0x7c: {  	_ =	shalt  }
0x7d: {  	_ =	shalt  }
0x7e: {  	_ =	shalt  }
0x7f: {  	_ =	shalt  }
0x80: {  	_ =	shalt  }
0x81: {  	_ =	shalt  }
0x82: {  	_ =	shalt  }
0x83: {  	_ =	shalt  }
0x84: {  	_ =	shalt  }
0x85: {  	_ =	shalt  }
0x86: {  	_ =	shalt  }
0x87: {  	_ =	shalt  }
.Lfunc_end0:
.L_simem_size_0:
called_computation_lowered:
.L_overlay_start_0:
0x88: {  	s2 =	sld [smem:$0x3FD9]  }
0x89: {  	s3 =	sld [smem:$0x3FFE];
	_ =	sdelay $0x1  }
0x8a: {  	s1 =	srdreg.scid  }
0x8b: {  	s0 =	sand.u32 $0x1, s1  }
0x8c: {  	s18 =	sshll.u32 s0, $0xA;
	s2 =	sadd.s32 s3, s2  }
0x8d: {  	s2 =	sadd.s32 s2, s18  }
0x8e: {  	[smem:$0x3FC6] =	sst s2  }
0x8f: {  	_ = 	snop  }
0x90: {  	s2 =	sld [smem:$0x3FC9]  }
0x91: {  	s19 =	sld [smem:$0x3FD0];
	(tm) =	ssettm $0x1  }
0x92: {  	s4 =	sld [smem:$0x3FFB];
	_ =	sdelay $0x3  }
0x93: {  	_ =	strace s4  }
0x94: {  	s4 =	sld [smem:$0x3FFC];
	_ =	sdelay $0x3  }
0x95: {  	_ =	strace s4  }
0x96: {  	s4 =	sld [smem:$0x3FFD];
	_ =	sdelay $0x3  }
0x97: {  	_ =	strace s4  }
0x98: {  	_ =	strace $0x8FFFFFFF  }
0x99: {  	s20 =	sld [smem:$0x3FDB];
	_ =	sdelay $0x1  }
0x9a: {  	s5 =	simm.s32 $_scs_section_size  }
0x9b: {  	s6 =	simm.s32 $_size__tile_overlayer_lowered;
	s7 =	simm.s32 $_tile_overlayer_lowered  }
0x9c: {  	s23 =	simm.s32 $0x1BFF;
	s22 =	sshll.u32 s7, $0x1;
	s4 =	sadd.s32 s5, s20  }
0x9d: {  	s8 =	simm.s32 $0x0;
	s21 =	sshll.u32 s6, $0x1;
	s6 =	sadd.s32 s22, s4  }
0x9e: {  	[timem:s8], [sflag:s23] =	dma.local [hbm:s6], s21  }
0x9f: {  	_ =	swait.ge [sflag:s23], s21  }
0xa0: {  	s5 =	ssub.s32 $0x0, s21;
	[sflag:s23] =	ssyncset.done $0x0  }
0xa1: {  	[sflag:s23] =	ssyncadd.s32 s5;
	_ =	sdelay $0x1  }
0xa2: {  	s24 =	simm.s32 $0x1B8B  }
0xa3: {  	_ =	swait.ge [sflag:s24], $0x1  }
0xa4: {  	[sflag:s24] =	ssyncset.done $0x0  }
0xa5: {  	s25 =	simm.s32 $0x1B8E;
	[sflag:s24] =	ssyncadd.s32 $0xFFFFFFFF  }
0xa6: {  	s26 =	simm.s32 $execute0_lowered;
	[smem:$0x3FD2] =	sst s25  }
0xa7: {  	s5 =	sshll.u32 s26, $0x1;
	_ =	strace $0x80000046;
	[dreg:$0x1] =	wrdreg $0xFFFFFFFF  }
0xa8: {  	s28 =	simm.s32 $_size_execute0_lowered;
	s4 =	sadd.s32 s4, s5;
	[dreg:$0x0] =	wrdreg $0x0  }
0xa9: {  	s5 =	sshll.u32 s28, $0x1;
	[dreg:$0x2] =	wrdreg s4  }
0xaa: {  	[dreg:$0x3] =	wrdreg s5  }
0xab: {  	[dreg:$0x4] =	wrdreg $0xC0  }
0xac: {  	_ =	task [dreg:s8], $0x5FFFF  }
0xad: {  	[dreg:$0x1] =	wrdreg $0xFFFFFFFF  }
0xae: {  	[dreg:$0x0] =	wrdreg $0x60  }
0xaf: {  	[dreg:$0x2] =	wrdreg s2  }
0xb0: {  	[dreg:$0x3] =	wrdreg s19  }
0xb1: {  	[dreg:$0x4] =	wrdreg $0x9  }
0xb2: {  	_ =	task.clear_ibuf [dreg:s8], $0x5FFFF;
	_ =	strace $0x90000046  }
0xb3: {  	s29 =	simm.s32 $0x9;
	_ =	strace $0x80000048  }
0xb4: {  	_ =	swait.ge [sflag:s29], $0x1  }
0xb5: {  	[sflag:s29] =	ssyncadd.s32 $0xFFFFFFFF  }
0xb6: {  	_ =	strace $0x90000048  }
0xb7: {  	_ =	sfence  }
0xb8: {  	s30 =	sld [smem:$0x0];
	_ =	sdelay $0x2  }
0xb9: {  	s31 =	sshll.u32 s1, $0xD;
	s1 =	sshrl.u32 s1, $0x2  }
0xba: {  	s3 =	sand.u32 $0x4000, s31;
	s1 =	sadd.s32 s1, s30  }
0xbb: {  	s0 =	sor.u32 s3, s0;
	s1 =	sshll.u32 s1, $0x11  }
0xbc: {  	s0 =	sor.u32 s1, s0  }
0xbd: {  	s0 =	sadd.s32 $0x8F2B, s0  }
0xbe: {  	[sflag:s0] =	ssyncadd.remote.s32 $0x1  }
0xbf: {  	_ =	sfence.sel $0xFFFF  }
0xc0: {  	[dreg:$0x0] =	wrdreg $0xFFFFFFFF;
	(pc) =	sbr.abs _section_cstart, $3  }
0xc1: {  	[dreg:$0x1] =	wrdreg $0xFFFFFFFF  }
0xc2: {  	_ =	task.clear_ibuf [dreg:s8], $0x2FFFF;
	_ =	strace $0x9FFFFFFF  }
0xc3: {  	(tm) =	ssettm $0x7FFFFFFF  }
tec
execute0_lowered:
.L_overlay_start_1:
0x0: {  	(tag) =	ssettag $0x1  }
0x1: {  	s0 =	srdreg.scid;
	s5 =	rddreg [dreg:$0x0]  }
0x2: {  	s18 =	stileid.u32;
	s3 =	simm.s32 $0x1;
	s23 =	rddreg [dreg:$0x1]  }
0x3: {  	s6 =	simm.s32 $0x0;
	s21 =	simm.s32 $0x80;
	s1 =	sand.u32 $0x1, s0  }
0x4: {  	s22 =	simm.s32 $0x1800;
	s2 =	sand.u32 $0x7, s18;
	s0 =	sshll.u32 s1, $0x4  }
0x5: {  	[smem:$0x7FF] =	sst s6;
	p1 =	sne.s32 s2, $0x0;
	s0 =	sor.u32 s18, s0  }
0x6: {  	s2 =	sshll.u32 s2, $0x7;
	s1 =	ssub.s32 $0x2, s1;
	p0 =	seq.s32 s0, $0x0  }
0x7: {  	_ =	strace $0x80000047;
	s24 =	sshrl.u32 s1, $0x1;
	p0 =	por !p1, !p0  }
0x8: {  	s18 =	sshll.u32 s18, $0x4;
	s4 =	sshrl.u32 s0, $0x3;
	p0 =	por !p0, !p0  }
0x9: {  	s1 =	ssub.s32 s1, s24;
	s0 =	sshll.u32 s0, $0x4;
	s3 =	simm.s32 @!p0 $0x0  }
0xa: {  	s18 =	sand.u32 $0x70, s18;
	s0 =	sand.u32 $0x180, s0;
	s3 =	ssub.s32 s4, s3  }
0xb: {  	s30 =	sadd.s32 s23, s18;
	s31 =	smax.u32 s1, $0x1;
	s3 =	smul.u32 $0x3F7800, s3  }
0xc: {  	s24 =	simm.s32 $0x2;
	s0 =	sadd.s32 s0, s30;
	[dreg:$0x8] =	wrdreg s31  }
0xd: {  	s23 =	simm.s32 $0x13800;
	[dreg:$0x7] =	wrdreg s0;
	s2 =	sor.u32 s2, s3  }
0xe: {  	s3 =	simm.s32 $0x1;
	s25 =	sadd.s32 $0x1FBC000, s2;
	s7 =	sadd.s32 $0x2004000, s2  }
0xf: {  	s28 =	sadd.s32 $0x204C000, s2;
	s29 =	sadd.s32 $0x2094000, s2;
	s8 =	sadd.s32 $0x20DC000, s2  }
0x10: {  	s9 =	sadd.s32 $0x2124000, s2;
	s10 =	sadd.s32 $0x216C000, s2;
	s11 =	sadd.s32 $0x21B4000, s2  }
0x11: {  	s12 =	sadd.s32 $0x21FC000, s2;
	s13 =	sadd.s32 $0x2244000, s2;
	s14 =	sadd.s32 $0x228C000, s2  }
0x12: {  	s15 =	sadd.s32 $0x22D4000, s2;
	s16 =	sadd.s32 $0x231C000, s2;
	s17 =	sadd.s32 $0x2364000, s2  }
0x13: {  	s2 =	sadd.s32 $0x23AC000, s2;
	s6 =	sshrl.u32 s25, $0x3;
	s26 =	sshrl.u32 s7, $0x3  }
0x14: {  	s7 =	sshrl.u32 s29, $0x3;
	s8 =	sshrl.u32 s8, $0x3;
	s9 =	sshrl.u32 s9, $0x3  }
0x15: {  	s10 =	sshrl.u32 s10, $0x3;
	s11 =	sshrl.u32 s11, $0x3;
	s12 =	sshrl.u32 s12, $0x3  }
0x16: {  	s13 =	sshrl.u32 s13, $0x3;
	s14 =	sshrl.u32 s14, $0x3;
	s15 =	sshrl.u32 s15, $0x3  }
0x17: {  	s16 =	sshrl.u32 s16, $0x3;
	s17 =	sshrl.u32 s17, $0x3;
	s2 =	sshrl.u32 s2, $0x3  }
0x18: {  	s25 =	simm.s32 $0x0;
	s6 =	sadd.s32 s5, s6;
	s7 =	sadd.s32 s5, s7  }
0x19: {  	s8 =	sadd.s32 s5, s8;
	s9 =	sadd.s32 s5, s9;
	s10 =	sadd.s32 s5, s10  }
0x1a: {  	s11 =	sadd.s32 s5, s11;
	s12 =	sadd.s32 s5, s12;
	s13 =	sadd.s32 s5, s13  }
0x1b: {  	s14 =	sadd.s32 s5, s14;
	[dreg:$0x3] =	wrdreg s6;
	s6 =	sadd.s32 s5, s26  }
0x1c: {  	s2 =	sadd.s32 s5, s2;
	[dreg:$0x4] =	wrdreg s6;
	s6 =	sshrl.u32 s28, $0x3  }
0x1d: {  	v0 =	vimm.f32 $0.0e+00;
	s15 =	sadd.s32 s5, s15;
	[dreg:$0x6] =	wrdreg s2;
	s6 =	sadd.s32 s5, s6  }
0x1e: {  	v1 =	vimm.f32 $1.000000000e+00;
	vm0 =	vcmask $0x3F2C;
	v2 =	vimm.s32 $0x0;
	s16 =	sadd.s32 s5, s16;
	s17 =	sadd.s32 s5, s17;
	[dreg:$0x5] =	wrdreg s6  }
.LBB2_1:
0x1f: {  	s0 =	simm.s32 $0x13820  }
0x20: {  	[tilespmem:s0+$0xFFFFFFE0] =	vst v0  }
0x21: {  	[tilespmem:s0+$0x10] =	vst v0  }
0x22: {  	s1 =	simm.s32 $0x0;
	[tilespmem:s0+$0x0] =	vst v0  }
.LBB2_2:
0x23: {  	s1 =	sadd.s32 $0x40, s1  }
0x24: {  	[tilespmem:s0+$0xFFFFFFF0] =	vst v0;
	s0 =	sadd.s32 $0x40, s0;
	p0 =	slt.u32 s1, $0x7FC0  }
.Ltmp0:
0x25: {  	[tilespmem:s0+$0xFFFFFFE0] =	vst v0;
	(pc) =	sbr.rel @p0 .LBB2_2-.Ltmp0, $3  }
0x26: {  	_ =	sdelay $0x1  }
0x27: {  	[tilespmem:s0+$0x10] =	vst v0  }
0x28: {  	[tilespmem:s0+$0x0] =	vst v0  }
0x29: {  	[tilespmem:s0+$0xFFFFFFF0] =	vst v0  }
0x2a: {  	s18 =	simm.s32 $0x0;
	s5 =	rddreg [dreg:$0x3]  }
0x2b: {  	[tilespmem:s18], [sflag:$0x1] =	stream.strided.gather [hbm4b:s5+s21], $0x400, s22, s21, $0x38;
	[tilespmem:$0x1B880] =	vst v63  }
0x2c: {  	s1 =	simm.s32 $0x400;
	s26 =	simm.s32 $0x800;
	s19 =	sadd.s32 $0x80, s5  }
0x2d: {  	[tilespmem:s1], [sflag:$0x1] =	stream.strided.gather [hbm4b:s19+s21], $0x400, s22, s21, $0x38;
	[tilespmem:$0x1B880] =	vst v63  }
0x2e: {  	s29 =	simm.s32 $0xC00;
	s31 =	simm.s32 $0x1000;
	s20 =	sadd.s32 $0x100, s5  }
0x2f: {  	[tilespmem:s26], [sflag:$0x1] =	stream.strided.gather [hbm4b:s20+s21], $0x400, s22, s21, $0x38;
	[tilespmem:$0x1B880] =	vst v63  }
0x30: {  	s0 =	simm.s32 $0x6000;
	s4 =	simm.s32 $0x1400;
	s28 =	sadd.s32 $0x180, s5  }
0x31: {  	[tilespmem:s29], [sflag:$0x1] =	stream.strided.gather [hbm4b:s28+s21], $0x400, s22, s21, $0x38;
	[tilespmem:$0x1B880] =	vst v63  }
0x32: {  	s30 =	sadd.s32 $0x200, s5;
	s2 =	sadd.s32 $0x280, s5;
	s1 =	sadd.s32 $0x1800, s5  }
0x33: {  	[tilespmem:s31], [sflag:$0x1] =	stream.strided.gather [hbm4b:s30+s21], $0x400, s22, s21, $0x38;
	[tilespmem:$0x1B880] =	vst v63  }
.LBB2_4:
0x34: {  	[tilespmem:s4], [sflag:$0x1] =	stream.strided.gather [hbm4b:s2+s21], $0x400, s22, s21, $0x38;
	[tilespmem:$0x1B880] =	vst v63  }
0x35: {  	s4 =	sshra.s32 s0, $0x2;
	p0 =	sne.s32 s0, $0x1E000;
	s0 =	sadd.s32 $0x6000, s0  }
0x36: {  	[tilespmem:s4], [sflag:$0x1] =	stream.strided.gather [hbm4b:s1+s21], $0x400, s22, s21, $0x38;
	[tilespmem:$0x1B880] =	vst v63  }
0x37: {  	s2 =	sadd.s32 $0x80, s1;
	s5 =	sadd.s32 $0x400, s4  }
0x38: {  	[tilespmem:s5], [sflag:$0x1] =	stream.strided.gather [hbm4b:s2+s21], $0x400, s22, s21, $0x38;
	[tilespmem:$0x1B880] =	vst v63  }
0x39: {  	s2 =	sadd.s32 $0x100, s1;
	s5 =	sadd.s32 $0x800, s4  }
0x3a: {  	[tilespmem:s5], [sflag:$0x1] =	stream.strided.gather [hbm4b:s2+s21], $0x400, s22, s21, $0x38;
	[tilespmem:$0x1B880] =	vst v63  }
.Ltmp1:
0x3b: {  	s2 =	sadd.s32 $0x180, s1;
	s5 =	sadd.s32 $0xC00, s4;
	(pc) =	sbr.rel @p0 .LBB2_4-.Ltmp1, $4  }
0x3c: {  	[tilespmem:s5], [sflag:$0x1] =	stream.strided.gather [hbm4b:s2+s21], $0x400, s22, s21, $0x38;
	[tilespmem:$0x1B880] =	vst v63  }
0x3d: {  	s2 =	sadd.s32 $0x200, s1;
	s5 =	sadd.s32 $0x1000, s4  }
0x3e: {  	[tilespmem:s5], [sflag:$0x1] =	stream.strided.gather [hbm4b:s2+s21], $0x400, s22, s21, $0x38;
	[tilespmem:$0x1B880] =	vst v63  }
0x3f: {  	s4 =	sadd.s32 $0x1400, s4;
	s2 =	sadd.s32 $0x280, s1;
	s1 =	sadd.s32 $0x1800, s1  }
0x40: {  	[tilespmem:s4], [sflag:$0x1] =	stream.strided.gather [hbm4b:s2+s21], $0x400, s22, s21, $0x38;
	[tilespmem:$0x1B880] =	vst v63  }
0x41: {  	_ =	swait.ge [sflag:s3], $0x9000  }
0x42: {  	s0 =	simm.s32 $0x9000;
	s1 =	simm.s32 $0x9400;
	[sflag:s3] =	ssyncset.done $0x0  }
0x43: {  	s26 =	simm.s32 $0x9800;
	s6 =	rddreg [dreg:$0x4];
	[sflag:s3] =	ssyncadd.s32 $0xFFFF7000  }
0x44: {  	[tilespmem:s0], [sflag:$0x2] =	stream.strided.gather [hbm4b:s6+s21], $0x400, s22, s21, $0x38;
	[tilespmem:$0x1B880] =	vst v63  }
0x45: {  	s29 =	simm.s32 $0x9C00;
	s31 =	simm.s32 $0xA000;
	s19 =	sadd.s32 $0x80, s6  }
0x46: {  	[tilespmem:s1], [sflag:$0x2] =	stream.strided.gather [hbm4b:s19+s21], $0x400, s22, s21, $0x38;
	[tilespmem:$0x1B880] =	vst v63  }
0x47: {  	s2 =	simm.s32 $0xC000;
	s5 =	simm.s32 $0xA400;
	s20 =	sadd.s32 $0x100, s6  }
0x48: {  	[tilespmem:s26], [sflag:$0x2] =	stream.strided.gather [hbm4b:s20+s21], $0x400, s22, s21, $0x38;
	[tilespmem:$0x1B880] =	vst v63  }
0x49: {  	s28 =	sadd.s32 $0x180, s6;
	s30 =	sadd.s32 $0x200, s6;
	s4 =	sadd.s32 $0x280, s6  }
0x4a: {  	[tilespmem:s29], [sflag:$0x2] =	stream.strided.gather [hbm4b:s28+s21], $0x400, s22, s21, $0x38;
	[tilespmem:$0x1B880] =	vst v63  }
0x4b: {  	s0 =	simm.s32 $0x1800;
	s1 =	sadd.s32 $0x1800, s6;
	s26 =	simm.s32 $0x0  }
0x4c: {  	[tilespmem:s31], [sflag:$0x2] =	stream.strided.gather [hbm4b:s30+s21], $0x400, s22, s21, $0x38;
	[tilespmem:$0x1B880] =	vst v63  }
.LBB2_6:
0x4d: {  	[tilespmem:s5], [sflag:$0x2] =	stream.strided.gather [hbm4b:s4+s21], $0x400, s22, s21, $0x38;
	[tilespmem:$0x1B880] =	vst v63  }
0x4e: {  	s5 =	smov.u32 s0;
	s0 =	smov.u32 s2  }
0x4f: {  	s18 =	sadd.s32 $0x6000, s2;
	s0 =	sshra.s32 s0, $0x2;
	s4 =	sadd.s32 $0x9000, s5  }
0x50: {  	[tilespmem:s4], [sflag:$0x2] =	stream.strided.gather [hbm4b:s1+s21], $0x400, s22, s21, $0x38;
	[tilespmem:$0x1B880] =	vst v63  }
0x51: {  	p0 =	sne.s32 s2, $0x1E000;
	s2 =	sadd.s32 $0x80, s1;
	s4 =	sadd.s32 $0x9400, s5  }
0x52: {  	[tilespmem:s4], [sflag:$0x2] =	stream.strided.gather [hbm4b:s2+s21], $0x400, s22, s21, $0x38;
	[tilespmem:$0x1B880] =	vst v63  }
0x53: {  	s2 =	sadd.s32 $0x100, s1;
	s4 =	sadd.s32 $0x9800, s5  }
0x54: {  	[tilespmem:s4], [sflag:$0x2] =	stream.strided.gather [hbm4b:s2+s21], $0x400, s22, s21, $0x38;
	[tilespmem:$0x1B880] =	vst v63  }
.Ltmp2:
0x55: {  	s2 =	sadd.s32 $0x180, s1;
	s4 =	sadd.s32 $0x9C00, s5;
	(pc) =	sbr.rel @p0 .LBB2_6-.Ltmp2, $4  }
0x56: {  	[tilespmem:s4], [sflag:$0x2] =	stream.strided.gather [hbm4b:s2+s21], $0x400, s22, s21, $0x38;
	[tilespmem:$0x1B880] =	vst v63  }
0x57: {  	s2 =	sadd.s32 $0x200, s1;
	s4 =	sadd.s32 $0xA000, s5;
	s5 =	sadd.s32 $0xA400, s5  }
0x58: {  	[tilespmem:s4], [sflag:$0x2] =	stream.strided.gather [hbm4b:s2+s21], $0x400, s22, s21, $0x38;
	[tilespmem:$0x1B880] =	vst v63  }
0x59: {  	s4 =	sadd.s32 $0x280, s1;
	s1 =	sadd.s32 $0x1800, s1;
	s2 =	smov.u32 s18  }
0x5a: {  	[tilespmem:s5], [sflag:$0x2] =	stream.strided.gather [hbm4b:s4+s21], $0x400, s22, s21, $0x38;
	[tilespmem:$0x1B880] =	vst v63  }
0x5b: {  	s2 =	sadd.s32 $0x9000, s0  }
0x5c: {  	[tilespmem:s2], [sflag:$0x2] =	stream.strided.gather [hbm4b:s1+s21], $0x400, s22, s21, $0x38;
	[tilespmem:$0x1B880] =	vst v63  }
0x5d: {  	s30 =	sadd.s32 $0x80, s1;
	s31 =	sadd.s32 $0x9400, s0  }
0x5e: {  	[tilespmem:s31], [sflag:$0x2] =	stream.strided.gather [hbm4b:s30+s21], $0x400, s22, s21, $0x38;
	[tilespmem:$0x1B880] =	vst v63  }
0x5f: {  	s5 =	sadd.s32 $0x100, s1;
	s6 =	sadd.s32 $0x9800, s0  }
0x60: {  	[tilespmem:s6], [sflag:$0x2] =	stream.strided.gather [hbm4b:s5+s21], $0x400, s22, s21, $0x38;
	[tilespmem:$0x1B880] =	vst v63  }
0x61: {  	s18 =	sadd.s32 $0x180, s1;
	s19 =	sadd.s32 $0x9C00, s0  }
0x62: {  	[tilespmem:s19], [sflag:$0x2] =	stream.strided.gather [hbm4b:s18+s21], $0x400, s22, s21, $0x38;
	[tilespmem:$0x1B880] =	vst v63  }
0x63: {  	s20 =	sadd.s32 $0x200, s1;
	s29 =	sadd.s32 $0xA000, s0  }
0x64: {  	[tilespmem:s29], [sflag:$0x2] =	stream.strided.gather [hbm4b:s20+s21], $0x400, s22, s21, $0x38;
	[tilespmem:$0x1B880] =	vst v63  }
0x65: {  	s28 =	simm.s32 $0x0;
	s30 =	sadd.s32 $0x280, s1;
	s31 =	sadd.s32 $0xA400, s0  }
0x66: {  	[tilespmem:s31], [sflag:$0x2] =	stream.strided.gather [hbm4b:s30+s21], $0x400, s22, s21, $0x38;
	[tilespmem:$0x1B880] =	vst v63  }
.LBB2_8:
0x67: {  	s2 =	sshll.u32 s28, $0x7  }
0x68: {  	s0 =	sshrl.u32 s28, $0x3;
	s30 =	sand.u32 $0x380, s2  }
0x69: {  	s1 =	sand.u32 $0x7, s26;
	s0 =	smul.u32 $0x6000, s0;
	v3 =	vmov s30  }
0x6a: {  	s4 =	simm.s32 $0x0;
	s5 =	simm.s32 $0x0;
	s1 =	sshll.u32 s1, $0x9  }
0x6b: {  	s1 =	sor.u32 s1, s0;
	s31 =	sshra.s32 s0, $0x2;
	s0 =	sand.u32 $0x1C00, s4  }
0x6c: {  	s29 =	sshra.s32 s1, $0x2;
	s1 =	sand.u32 $0x40, s5;
	s0 =	sadd.s32 s0, s31  }
0x6d: {  	s0 =	sadd.s32 s1, s0  }
0x6e: {  	v4 =	vld.idx.msk [tilespmem:v3+s0+$0x30 ss:$0x1], $0xffff  }
0x6f: {  	s6 =	simm.s32 $0x200;
	v5 =	vld.idx.msk [tilespmem:v3+s0+$0x0 ss:$0x1], $0xffff  }
0x70: {  	s18 =	simm.s32 $0x40;
	s1 =	sand.u32 $0x1C00, s6;
	v6 =	vld.idx.msk [tilespmem:v3+s0+$0x10 ss:$0x1], $0xffff  }
0x71: {  	s1 =	sadd.s32 s1, s31;
	v7 =	vld.idx.msk [tilespmem:v3+s0+$0x20 ss:$0x1], $0xffff;
	s0 =	sand.u32 $0x40, s18  }
0x72: {  	s0 =	sadd.s32 s0, s1  }
0x73: {  	v10 =	vld.idx.msk [tilespmem:v3+s0+$0x10 ss:$0x1], $0xffff;
	_ =	sdelay $0x1  }
0x74: {  	v8 =	vld.idx.msk [tilespmem:v3+s0+$0x30 ss:$0x1], $0xffff;
	v4 =	vmul.f32 $3.276800000e+04, v4;
	_ =	sdelay $0x1  }
0x75: {  	v7 =	vmul.f32 $3.276800000e+04, v7;
	v4 =	vtrunc.f32 v4  }
0x76: {  	v10 =	vmul.f32 $3.276800000e+04, v10;
	v9 =	vcvt.f32.s32 v4  }
0x77: {  	s19 =	simm.s32 $0x400;
	v4 =	vmul.f32 $3.276800000e+04, v5;
	v5 =	vmul.f32 $3.276800000e+04, v6;
	v6 =	vld.idx.msk [tilespmem:v3+s0+$0x0 ss:$0x1], $0xffff  }
0x78: {  	s1 =	sand.u32 $0x1C00, s19;
	v11 =	vld.idx.msk [tilespmem:v3+s0+$0x20 ss:$0x1], $0xffff;
	v8 =	vmul.f32 $3.276800000e+04, v8;
	s0 =	simm.s32 $0x80;
	v15 =	vtrunc.f32 v10  }
0x79: {  	s1 =	sadd.s32 s1, s31;
	s20 =	sand.u32 $0x40, s0;
	v4 =	vtrunc.f32 v4;
	v5 =	vtrunc.f32 v5  }
0x7a: {  	s1 =	sadd.s32 s20, s1;
	v14 =	vcvt.f32.s32 v4;
	v4 =	vtrunc.f32 v7  }
0x7b: {  	v5 =	vcvt.f32.s32 v5;
	v7 =	vld.idx.msk [tilespmem:v3+s1+$0x30 ss:$0x1], $0xffff;
	v4 =	vcvt.f32.s32 v4  }
0x7c: {  	v10 =	vld.idx.msk [tilespmem:v3+s1+$0x20 ss:$0x1], $0xffff;
	v12 =	vmul.f32 $3.276800000e+04, v6;
	v6 =	vtrunc.f32 v8  }
0x7d: {  	v11 =	vmul.f32 $3.276800000e+04, v11;
	v8 =	vld.idx.msk [tilespmem:v3+s1+$0x0 ss:$0x1], $0xffff;
	v6 =	vcvt.f32.s32 v6  }
0x7e: {  	[tilespmem:v9+s23+$0x0] =	vst.idx.add.f32.msk $0xffff, v1;
	v12 =	vtrunc.f32 v12  }
0x7f: {  	v9 =	vld.idx.msk [tilespmem:v3+s1+$0x10 ss:$0x1], $0xffff;
	v13 =	vcvt.f32.s32 v12;
	v12 =	vtrunc.f32 v11  }
0x80: {  	s1 =	simm.s32 $0x600;
	v11 =	vcvt.f32.s32 v15;
	v12 =	vcvt.f32.s32 v12;
	[tilespmem:v14+s23+$0x0] =	vst.idx.add.f32.msk $0xffff, v1  }
.LBB2_9:
0x81: {  	s0 =	sadd.s32 $0x40, s0;
	s2 =	sand.u32 $0x1C00, s1;
	[tilespmem:v5+s23+$0x0] =	vst.idx.add.f32.msk $0xffff, v1;
	v14 =	vmov v13  }
0x82: {  	v13 =	vmul.f32 $3.276800000e+04, v7;
	s4 =	sand.u32 $0x40, s0;
	s2 =	sadd.s32 s2, s31;
	p0 =	slt.u32 s0, $0x240;
	[tilespmem:v4+s23+$0x0] =	vst.idx.add.f32.msk $0xffff, v1;
	v5 =	vmov v11;
	v4 =	vmov v12  }
0x83: {  	v11 =	vmul.f32 $3.276800000e+04, v8;
	s2 =	sadd.s32 s4, s2;
	[tilespmem:v6+s23+$0x0] =	vst.idx.add.f32.msk $0xffff, v1  }
.Ltmp3:
0x84: {  	v12 =	vmul.f32 $3.276800000e+04, v9;
	v6 =	vtrunc.f32 v13;
	v7 =	vld.idx.msk [tilespmem:v3+s2+$0x30 ss:$0x1], $0xffff;
	(pc) =	sbr.rel @p0 .LBB2_9-.Ltmp3, $4  }
0x85: {  	v15 =	vmul.f32 $3.276800000e+04, v10;
	v6 =	vcvt.f32.s32 v6;
	v8 =	vld.idx.msk [tilespmem:v3+s2+$0x0 ss:$0x1], $0xffff  }
0x86: {  	v11 =	vtrunc.f32 v11;
	v12 =	vtrunc.f32 v12;
	v9 =	vld.idx.msk [tilespmem:v3+s2+$0x10 ss:$0x1], $0xffff  }
0x87: {  	v13 =	vcvt.f32.s32 v11;
	v15 =	vtrunc.f32 v15;
	v10 =	vld.idx.msk [tilespmem:v3+s2+$0x20 ss:$0x1], $0xffff  }
0x88: {  	s1 =	sadd.s32 $0x200, s1;
	v11 =	vcvt.f32.s32 v12;
	v12 =	vcvt.f32.s32 v15;
	[tilespmem:v14+s23+$0x0] =	vst.idx.add.f32.msk $0xffff, v1  }
0x89: {  	_ = 	snop  }
0x8a: {  	v3 =	vmul.f32 $3.276800000e+04, v7  }
0x8b: {  	v58 =	vmul.f32 $3.276800000e+04, v8;
	v59 =	vmul.f32 $3.276800000e+04, v9  }
0x8c: {  	v3 =	vtrunc.f32 v3;
	v60 =	vmul.f32 $3.276800000e+04, v10  }
0x8d: {  	[tilespmem:v5+s23+$0x0] =	vst.idx.add.f32.msk $0xffff, v1;
	v3 =	vcvt.f32.s32 v3;
	v61 =	vtrunc.f32 v58  }
0x8e: {  	[tilespmem:v4+s23+$0x0] =	vst.idx.add.f32.msk $0xffff, v1;
	v62 =	vtrunc.f32 v59;
	v5 =	vcvt.f32.s32 v61  }
0x8f: {  	[tilespmem:v6+s23+$0x0] =	vst.idx.add.f32.msk $0xffff, v1;
	v63 =	vtrunc.f32 v60;
	v4 =	vcvt.f32.s32 v62  }
0x90: {  	[tilespmem:v13+s23+$0x0] =	vst.idx.add.f32.msk $0xffff, v1;
	v6 =	vcvt.f32.s32 v63  }
0x91: {  	[tilespmem:v11+s23+$0x0] =	vst.idx.add.f32.msk $0xffff, v1  }
0x92: {  	[tilespmem:v12+s23+$0x0] =	vst.idx.add.f32.msk $0xffff, v1  }
0x93: {  	[tilespmem:v3+s23+$0x0] =	vst.idx.add.f32.msk $0xffff, v1  }
0x94: {  	[tilespmem:v5+s23+$0x0] =	vst.idx.add.f32.msk $0xffff, v1  }
0x95: {  	[tilespmem:v4+s23+$0x0] =	vst.idx.add.f32.msk $0xffff, v1  }
0x96: {  	s0 =	sadd.s32 s30, s31;
	s1 =	simm.s32 $0x270;
	s2 =	simm.s32 $0x1400;
	[tilespmem:v6+s23+$0x0] =	vst.idx.add.f32.msk $0xffff, v1  }
.LBB2_11:
0x97: {  	s4 =	sand.u32 $0x3FFFFC00, s2  }
0x98: {  	s4 =	sadd.s32 s4, s29  }
0x99: {  	v3 =	vld [tilespmem:s4+$0x0];
	_ =	sdelay $0x4  }
0x9a: {  	v3 =	vmul.f32 $3.276800000e+04, v3;
	_ =	sdelay $0x1  }
0x9b: {  	v3 =	vtrunc.f32 v3  }
0x9c: {  	s1 =	sadd.s32 $0x10, s1;
	v3 =	vcvt.f32.s32 v3  }
0x9d: {  	p0 =	slt.u32 s1, $0x290  }
.Ltmp4:
0x9e: {  	_ = 	snop;
	(pc) =	sbr.rel @p0 .LBB2_11-.Ltmp4, $2  }
0x9f: {  	_ =	sdelay $0x2  }
0xa0: {  	s2 =	sadd.s32 $0x80, s2;
	s29 =	sadd.s32 $0x10, s29;
	[tilespmem:v3+s23+$0x0] =	vst.idx.add.f32.msk $0xffff, v1  }
0xa1: {  	v3 =	vld [tilespmem:s0+$0x1415];
	_ =	sdelay $0x4  }
0xa2: {  	v3 =	vmul.f32 $3.276800000e+04, v3;
	_ =	sdelay $0x1  }
0xa3: {  	v3 =	vtrunc.f32 v3  }
0xa4: {  	s28 =	sadd.s32 $0x1, s28;
	v3 =	vcvt.f32.s32 v3  }
0xa5: {  	p0 =	sne.s32 s28, $0x30  }
.Ltmp5:
0xa6: {  	_ = 	snop;
	(pc) =	sbr.rel @p0 .LBB2_8-.Ltmp5, $2  }
0xa7: {  	_ =	sdelay $0x2  }
0xa8: {  	s26 =	sadd.s32 $0x1, s26;
	[tilespmem:v3+s23+$0x0] =	vst.idx.add.f32.msk vm0, v1  }
0xa9: {  	_ =	swait.ge [sflag:s24], $0x9000  }
0xaa: {  	s0 =	simm.s32 $0x0;
	[sflag:s24] =	ssyncset.done $0x0  }
0xab: {  	s1 =	simm.s32 $0x400;
	s5 =	rddreg [dreg:$0x5];
	[sflag:s24] =	ssyncadd.s32 $0xFFFF7000  }
0xac: {  	[tilespmem:s0], [sflag:$0x1] =	stream.strided.gather [hbm4b:s5+s21], $0x400, s22, s21, $0x38;
	[tilespmem:$0x1B880] =	vst v63  }
0xad: {  	s26 =	simm.s32 $0x800;
	s29 =	simm.s32 $0xC00;
	s19 =	sadd.s32 $0x80, s5  }
0xae: {  	[tilespmem:s1], [sflag:$0x1] =	stream.strided.gather [hbm4b:s19+s21], $0x400, s22, s21, $0x38;
	[tilespmem:$0x1B880] =	vst v63  }
0xaf: {  	s31 =	simm.s32 $0x1000;
	s4 =	simm.s32 $0x1400;
	s20 =	sadd.s32 $0x100, s5  }
0xb0: {  	[tilespmem:s26], [sflag:$0x1] =	stream.strided.gather [hbm4b:s20+s21], $0x400, s22, s21, $0x38;
	[tilespmem:$0x1B880] =	vst v63  }
0xb1: {  	s28 =	sadd.s32 $0x180, s5;
	s30 =	sadd.s32 $0x200, s5;
	s2 =	sadd.s32 $0x280, s5  }
0xb2: {  	[tilespmem:s29], [sflag:$0x1] =	stream.strided.gather [hbm4b:s28+s21], $0x400, s22, s21, $0x38;
	[tilespmem:$0x1B880] =	vst v63  }
0xb3: {  	s0 =	simm.s32 $0x6000;
	s1 =	sadd.s32 $0x1800, s5;
	s26 =	simm.s32 $0x0  }
0xb4: {  	[tilespmem:s31], [sflag:$0x1] =	stream.strided.gather [hbm4b:s30+s21], $0x400, s22, s21, $0x38;
	[tilespmem:$0x1B880] =	vst v63  }
.LBB2_14:
0xb5: {  	[tilespmem:s4], [sflag:$0x1] =	stream.strided.gather [hbm4b:s2+s21], $0x400, s22, s21, $0x38;
	[tilespmem:$0x1B880] =	vst v63  }
0xb6: {  	s4 =	sshra.s32 s0, $0x2;
	p0 =	sne.s32 s0, $0x1E000;
	s0 =	sadd.s32 $0x6000, s0  }
0xb7: {  	[tilespmem:s4], [sflag:$0x1] =	stream.strided.gather [hbm4b:s1+s21], $0x400, s22, s21, $0x38;
	[tilespmem:$0x1B880] =	vst v63  }
0xb8: {  	s2 =	sadd.s32 $0x80, s1;
	s5 =	sadd.s32 $0x400, s4  }
0xb9: {  	[tilespmem:s5], [sflag:$0x1] =	stream.strided.gather [hbm4b:s2+s21], $0x400, s22, s21, $0x38;
	[tilespmem:$0x1B880] =	vst v63  }
0xba: {  	s2 =	sadd.s32 $0x100, s1;
	s5 =	sadd.s32 $0x800, s4  }
0xbb: {  	[tilespmem:s5], [sflag:$0x1] =	stream.strided.gather [hbm4b:s2+s21], $0x400, s22, s21, $0x38;
	[tilespmem:$0x1B880] =	vst v63  }
.Ltmp6:
0xbc: {  	s2 =	sadd.s32 $0x180, s1;
	s5 =	sadd.s32 $0xC00, s4;
	(pc) =	sbr.rel @p0 .LBB2_14-.Ltmp6, $4  }
0xbd: {  	[tilespmem:s5], [sflag:$0x1] =	stream.strided.gather [hbm4b:s2+s21], $0x400, s22, s21, $0x38;
	[tilespmem:$0x1B880] =	vst v63  }
0xbe: {  	s2 =	sadd.s32 $0x200, s1;
	s5 =	sadd.s32 $0x1000, s4  }
0xbf: {  	[tilespmem:s5], [sflag:$0x1] =	stream.strided.gather [hbm4b:s2+s21], $0x400, s22, s21, $0x38;
	[tilespmem:$0x1B880] =	vst v63  }
0xc0: {  	s4 =	sadd.s32 $0x1400, s4;
	s2 =	sadd.s32 $0x280, s1;
	s1 =	sadd.s32 $0x1800, s1  }
0xc1: {  	[tilespmem:s4], [sflag:$0x1] =	stream.strided.gather [hbm4b:s2+s21], $0x400, s22, s21, $0x38;
	[tilespmem:$0x1B880] =	vst v63  }
0xc2: {  	s28 =	simm.s32 $0x0  }
.LBB2_16:
0xc3: {  	s0 =	sshrl.u32 s28, $0x3;
	s2 =	sshll.u32 s28, $0x7  }
0xc4: {  	s1 =	sand.u32 $0x7, s26;
	s0 =	smul.u32 $0x6000, s0;
	s30 =	sand.u32 $0x380, s2  }
0xc5: {  	s4 =	simm.s32 $0x0;
	s1 =	sshll.u32 s1, $0x9;
	v3 =	vmov s30  }
0xc6: {  	s5 =	simm.s32 $0x0;
	s1 =	sor.u32 s1, s0;
	s0 =	sshra.s32 s0, $0x2  }
0xc7: {  	s1 =	sshra.s32 s1, $0x2;
	s31 =	sadd.s32 $0x9000, s0;
	s0 =	sand.u32 $0x1C00, s4  }
0xc8: {  	s29 =	sadd.s32 $0x9000, s1;
	s1 =	sand.u32 $0x40, s5;
	s0 =	sadd.s32 s0, s31  }
0xc9: {  	s0 =	sadd.s32 s1, s0  }
0xca: {  	v4 =	vld.idx.msk [tilespmem:v3+s0+$0x30 ss:$0x1], $0xffff  }
0xcb: {  	s6 =	simm.s32 $0x200;
	v5 =	vld.idx.msk [tilespmem:v3+s0+$0x0 ss:$0x1], $0xffff  }
0xcc: {  	s18 =	simm.s32 $0x40;
	s1 =	sand.u32 $0x1C00, s6;
	v6 =	vld.idx.msk [tilespmem:v3+s0+$0x10 ss:$0x1], $0xffff  }
0xcd: {  	v7 =	vld.idx.msk [tilespmem:v3+s0+$0x20 ss:$0x1], $0xffff;
	s0 =	sand.u32 $0x40, s18;
	s1 =	sadd.s32 s1, s31  }
0xce: {  	s0 =	sadd.s32 s0, s1  }
0xcf: {  	v10 =	vld.idx.msk [tilespmem:v3+s0+$0x10 ss:$0x1], $0xffff;
	_ =	sdelay $0x1  }
0xd0: {  	v8 =	vld.idx.msk [tilespmem:v3+s0+$0x30 ss:$0x1], $0xffff;
	v4 =	vmul.f32 $3.276800000e+04, v4;
	_ =	sdelay $0x1  }
0xd1: {  	v7 =	vmul.f32 $3.276800000e+04, v7;
	v4 =	vtrunc.f32 v4  }
0xd2: {  	v10 =	vmul.f32 $3.276800000e+04, v10;
	v9 =	vcvt.f32.s32 v4  }
0xd3: {  	s19 =	simm.s32 $0x400;
	v4 =	vmul.f32 $3.276800000e+04, v5;
	v5 =	vmul.f32 $3.276800000e+04, v6;
	v6 =	vld.idx.msk [tilespmem:v3+s0+$0x0 ss:$0x1], $0xffff  }
0xd4: {  	s1 =	sand.u32 $0x1C00, s19;
	v11 =	vld.idx.msk [tilespmem:v3+s0+$0x20 ss:$0x1], $0xffff;
	v8 =	vmul.f32 $3.276800000e+04, v8;
	s0 =	simm.s32 $0x80;
	v15 =	vtrunc.f32 v10  }
0xd5: {  	s1 =	sadd.s32 s1, s31;
	s20 =	sand.u32 $0x40, s0;
	v4 =	vtrunc.f32 v4;
	v5 =	vtrunc.f32 v5  }
0xd6: {  	s1 =	sadd.s32 s20, s1;
	v14 =	vcvt.f32.s32 v4;
	v4 =	vtrunc.f32 v7  }
0xd7: {  	v5 =	vcvt.f32.s32 v5;
	v7 =	vld.idx.msk [tilespmem:v3+s1+$0x30 ss:$0x1], $0xffff;
	v4 =	vcvt.f32.s32 v4  }
0xd8: {  	v10 =	vld.idx.msk [tilespmem:v3+s1+$0x20 ss:$0x1], $0xffff;
	v12 =	vmul.f32 $3.276800000e+04, v6;
	v6 =	vtrunc.f32 v8  }
0xd9: {  	v11 =	vmul.f32 $3.276800000e+04, v11;
	v8 =	vld.idx.msk [tilespmem:v3+s1+$0x0 ss:$0x1], $0xffff;
	v6 =	vcvt.f32.s32 v6  }
0xda: {  	[tilespmem:v9+s23+$0x0] =	vst.idx.add.f32.msk $0xffff, v1;
	v12 =	vtrunc.f32 v12  }
0xdb: {  	v9 =	vld.idx.msk [tilespmem:v3+s1+$0x10 ss:$0x1], $0xffff;
	v13 =	vcvt.f32.s32 v12;
	v12 =	vtrunc.f32 v11  }
0xdc: {  	s1 =	simm.s32 $0x600;
	v11 =	vcvt.f32.s32 v15;
	v12 =	vcvt.f32.s32 v12;
	[tilespmem:v14+s23+$0x0] =	vst.idx.add.f32.msk $0xffff, v1  }
.LBB2_17:
0xdd: {  	s0 =	sadd.s32 $0x40, s0;
	s2 =	sand.u32 $0x1C00, s1;
	[tilespmem:v5+s23+$0x0] =	vst.idx.add.f32.msk $0xffff, v1;
	v14 =	vmov v13  }
0xde: {  	v13 =	vmul.f32 $3.276800000e+04, v7;
	s4 =	sand.u32 $0x40, s0;
	s2 =	sadd.s32 s2, s31;
	p0 =	slt.u32 s0, $0x240;
	[tilespmem:v4+s23+$0x0] =	vst.idx.add.f32.msk $0xffff, v1;
	v5 =	vmov v11;
	v4 =	vmov v12  }
0xdf: {  	v11 =	vmul.f32 $3.276800000e+04, v8;
	s2 =	sadd.s32 s4, s2;
	[tilespmem:v6+s23+$0x0] =	vst.idx.add.f32.msk $0xffff, v1  }
.Ltmp7:
0xe0: {  	v12 =	vmul.f32 $3.276800000e+04, v9;
	v6 =	vtrunc.f32 v13;
	v7 =	vld.idx.msk [tilespmem:v3+s2+$0x30 ss:$0x1], $0xffff;
	(pc) =	sbr.rel @p0 .LBB2_17-.Ltmp7, $4  }
0xe1: {  	v15 =	vmul.f32 $3.276800000e+04, v10;
	v6 =	vcvt.f32.s32 v6;
	v8 =	vld.idx.msk [tilespmem:v3+s2+$0x0 ss:$0x1], $0xffff  }
0xe2: {  	v11 =	vtrunc.f32 v11;
	v12 =	vtrunc.f32 v12;
	v9 =	vld.idx.msk [tilespmem:v3+s2+$0x10 ss:$0x1], $0xffff  }
0xe3: {  	v13 =	vcvt.f32.s32 v11;
	v15 =	vtrunc.f32 v15;
	v10 =	vld.idx.msk [tilespmem:v3+s2+$0x20 ss:$0x1], $0xffff  }
0xe4: {  	s1 =	sadd.s32 $0x200, s1;
	v11 =	vcvt.f32.s32 v12;
	v12 =	vcvt.f32.s32 v15;
	[tilespmem:v14+s23+$0x0] =	vst.idx.add.f32.msk $0xffff, v1  }
0xe5: {  	_ = 	snop  }
0xe6: {  	v3 =	vmul.f32 $3.276800000e+04, v7  }
0xe7: {  	v58 =	vmul.f32 $3.276800000e+04, v8;
	v59 =	vmul.f32 $3.276800000e+04, v9  }
0xe8: {  	v3 =	vtrunc.f32 v3;
	v60 =	vmul.f32 $3.276800000e+04, v10  }
0xe9: {  	[tilespmem:v5+s23+$0x0] =	vst.idx.add.f32.msk $0xffff, v1;
	v3 =	vcvt.f32.s32 v3;
	v61 =	vtrunc.f32 v58  }
0xea: {  	[tilespmem:v4+s23+$0x0] =	vst.idx.add.f32.msk $0xffff, v1;
	v62 =	vtrunc.f32 v59;
	v5 =	vcvt.f32.s32 v61  }
0xeb: {  	[tilespmem:v6+s23+$0x0] =	vst.idx.add.f32.msk $0xffff, v1;
	v63 =	vtrunc.f32 v60;
	v4 =	vcvt.f32.s32 v62  }
0xec: {  	[tilespmem:v13+s23+$0x0] =	vst.idx.add.f32.msk $0xffff, v1;
	v6 =	vcvt.f32.s32 v63  }
0xed: {  	[tilespmem:v11+s23+$0x0] =	vst.idx.add.f32.msk $0xffff, v1  }
0xee: {  	[tilespmem:v12+s23+$0x0] =	vst.idx.add.f32.msk $0xffff, v1  }
0xef: {  	[tilespmem:v3+s23+$0x0] =	vst.idx.add.f32.msk $0xffff, v1  }
0xf0: {  	[tilespmem:v5+s23+$0x0] =	vst.idx.add.f32.msk $0xffff, v1  }
0xf1: {  	[tilespmem:v4+s23+$0x0] =	vst.idx.add.f32.msk $0xffff, v1  }
0xf2: {  	s0 =	sadd.s32 s30, s31;
	s1 =	simm.s32 $0x270;
	s2 =	simm.s32 $0x1400;
	[tilespmem:v6+s23+$0x0] =	vst.idx.add.f32.msk $0xffff, v1  }
.LBB2_19:
0xf3: {  	s4 =	sand.u32 $0x3FFFFC00, s2  }
0xf4: {  	s4 =	sadd.s32 s4, s29  }
0xf5: {  	v3 =	vld [tilespmem:s4+$0x0];
	_ =	sdelay $0x4  }
0xf6: {  	v3 =	vmul.f32 $3.276800000e+04, v3;
	_ =	sdelay $0x1  }
0xf7: {  	v3 =	vtrunc.f32 v3  }
0xf8: {  	s1 =	sadd.s32 $0x10, s1;
	v3 =	vcvt.f32.s32 v3  }
0xf9: {  	p0 =	slt.u32 s1, $0x290  }
.Ltmp8:
0xfa: {  	_ = 	snop;
	(pc) =	sbr.rel @p0 .LBB2_19-.Ltmp8, $2  }
0xfb: {  	_ =	sdelay $0x2  }
0xfc: {  	s2 =	sadd.s32 $0x80, s2;
	s29 =	sadd.s32 $0x10, s29;
	[tilespmem:v3+s23+$0x0] =	vst.idx.add.f32.msk $0xffff, v1  }
0xfd: {  	v3 =	vld [tilespmem:s0+$0x1415];
	_ =	sdelay $0x4  }
0xfe: {  	v3 =	vmul.f32 $3.276800000e+04, v3;
	_ =	sdelay $0x1  }
0xff: {  	v3 =	vtrunc.f32 v3  }
0x100: {  	s28 =	sadd.s32 $0x1, s28;
	v3 =	vcvt.f32.s32 v3  }
0x101: {  	p0 =	sne.s32 s28, $0x30  }
.Ltmp9:
0x102: {  	_ = 	snop;
	(pc) =	sbr.rel @p0 .LBB2_16-.Ltmp9, $2  }
0x103: {  	_ =	sdelay $0x2  }
0x104: {  	s26 =	sadd.s32 $0x1, s26;
	[tilespmem:v3+s23+$0x0] =	vst.idx.add.f32.msk vm0, v1  }
0x105: {  	_ =	swait.ge [sflag:s3], $0x9000  }
0x106: {  	s0 =	simm.s32 $0x9000;
	[sflag:s3] =	ssyncset.done $0x0  }
0x107: {  	s19 =	sadd.s32 $0x80, s7;
	s1 =	simm.s32 $0x9400;
	[sflag:s3] =	ssyncadd.s32 $0xFFFF7000  }
0x108: {  	[tilespmem:s0], [sflag:$0x2] =	stream.strided.gather [hbm4b:s7+s21], $0x400, s22, s21, $0x38;
	[tilespmem:$0x1B880] =	vst v63  }
0x109: {  	s20 =	sadd.s32 $0x100, s7;
	s26 =	simm.s32 $0x9800;
	s28 =	sadd.s32 $0x180, s7  }
0x10a: {  	[tilespmem:s1], [sflag:$0x2] =	stream.strided.gather [hbm4b:s19+s21], $0x400, s22, s21, $0x38;
	[tilespmem:$0x1B880] =	vst v63  }
0x10b: {  	s29 =	simm.s32 $0x9C00;
	s30 =	sadd.s32 $0x200, s7;
	s31 =	simm.s32 $0xA000  }
0x10c: {  	[tilespmem:s26], [sflag:$0x2] =	stream.strided.gather [hbm4b:s20+s21], $0x400, s22, s21, $0x38;
	[tilespmem:$0x1B880] =	vst v63  }
0x10d: {  	s2 =	simm.s32 $0xC000;
	s4 =	sadd.s32 $0x280, s7;
	s5 =	simm.s32 $0xA400  }
0x10e: {  	[tilespmem:s29], [sflag:$0x2] =	stream.strided.gather [hbm4b:s28+s21], $0x400, s22, s21, $0x38;
	[tilespmem:$0x1B880] =	vst v63  }
0x10f: {  	s0 =	simm.s32 $0x1800;
	s1 =	sadd.s32 $0x1800, s7;
	s26 =	simm.s32 $0x0  }
0x110: {  	[tilespmem:s31], [sflag:$0x2] =	stream.strided.gather [hbm4b:s30+s21], $0x400, s22, s21, $0x38;
	[tilespmem:$0x1B880] =	vst v63  }
.LBB2_22:
0x111: {  	[tilespmem:s5], [sflag:$0x2] =	stream.strided.gather [hbm4b:s4+s21], $0x400, s22, s21, $0x38;
	[tilespmem:$0x1B880] =	vst v63  }
0x112: {  	s5 =	smov.u32 s0;
	s0 =	smov.u32 s2  }
0x113: {  	s18 =	sadd.s32 $0x6000, s2;
	s0 =	sshra.s32 s0, $0x2;
	s4 =	sadd.s32 $0x9000, s5  }
0x114: {  	[tilespmem:s4], [sflag:$0x2] =	stream.strided.gather [hbm4b:s1+s21], $0x400, s22, s21, $0x38;
	[tilespmem:$0x1B880] =	vst v63  }
0x115: {  	p0 =	sne.s32 s2, $0x1E000;
	s2 =	sadd.s32 $0x80, s1;
	s4 =	sadd.s32 $0x9400, s5  }
0x116: {  	[tilespmem:s4], [sflag:$0x2] =	stream.strided.gather [hbm4b:s2+s21], $0x400, s22, s21, $0x38;
	[tilespmem:$0x1B880] =	vst v63  }
0x117: {  	s2 =	sadd.s32 $0x100, s1;
	s4 =	sadd.s32 $0x9800, s5  }
0x118: {  	[tilespmem:s4], [sflag:$0x2] =	stream.strided.gather [hbm4b:s2+s21], $0x400, s22, s21, $0x38;
	[tilespmem:$0x1B880] =	vst v63  }
.Ltmp10:
0x119: {  	s2 =	sadd.s32 $0x180, s1;
	s4 =	sadd.s32 $0x9C00, s5;
	(pc) =	sbr.rel @p0 .LBB2_22-.Ltmp10, $4  }
0x11a: {  	[tilespmem:s4], [sflag:$0x2] =	stream.strided.gather [hbm4b:s2+s21], $0x400, s22, s21, $0x38;
	[tilespmem:$0x1B880] =	vst v63  }
0x11b: {  	s2 =	sadd.s32 $0x200, s1;
	s4 =	sadd.s32 $0xA000, s5;
	s5 =	sadd.s32 $0xA400, s5  }
0x11c: {  	[tilespmem:s4], [sflag:$0x2] =	stream.strided.gather [hbm4b:s2+s21], $0x400, s22, s21, $0x38;
	[tilespmem:$0x1B880] =	vst v63  }
0x11d: {  	s4 =	sadd.s32 $0x280, s1;
	s1 =	sadd.s32 $0x1800, s1;
	s2 =	smov.u32 s18  }
0x11e: {  	[tilespmem:s5], [sflag:$0x2] =	stream.strided.gather [hbm4b:s4+s21], $0x400, s22, s21, $0x38;
	[tilespmem:$0x1B880] =	vst v63  }
0x11f: {  	s2 =	sadd.s32 $0x9000, s0  }
0x120: {  	[tilespmem:s2], [sflag:$0x2] =	stream.strided.gather [hbm4b:s1+s21], $0x400, s22, s21, $0x38;
	[tilespmem:$0x1B880] =	vst v63  }
0x121: {  	s30 =	sadd.s32 $0x80, s1;
	s31 =	sadd.s32 $0x9400, s0  }
0x122: {  	[tilespmem:s31], [sflag:$0x2] =	stream.strided.gather [hbm4b:s30+s21], $0x400, s22, s21, $0x38;
	[tilespmem:$0x1B880] =	vst v63  }
0x123: {  	s5 =	sadd.s32 $0x100, s1;
	s6 =	sadd.s32 $0x9800, s0  }
0x124: {  	[tilespmem:s6], [sflag:$0x2] =	stream.strided.gather [hbm4b:s5+s21], $0x400, s22, s21, $0x38;
	[tilespmem:$0x1B880] =	vst v63  }
0x125: {  	s18 =	sadd.s32 $0x180, s1;
	s19 =	sadd.s32 $0x9C00, s0  }
0x126: {  	[tilespmem:s19], [sflag:$0x2] =	stream.strided.gather [hbm4b:s18+s21], $0x400, s22, s21, $0x38;
	[tilespmem:$0x1B880] =	vst v63  }
0x127: {  	s20 =	sadd.s32 $0x200, s1;
	s29 =	sadd.s32 $0xA000, s0  }
0x128: {  	[tilespmem:s29], [sflag:$0x2] =	stream.strided.gather [hbm4b:s20+s21], $0x400, s22, s21, $0x38;
	[tilespmem:$0x1B880] =	vst v63  }
0x129: {  	s28 =	simm.s32 $0x0;
	s30 =	sadd.s32 $0x280, s1;
	s31 =	sadd.s32 $0xA400, s0  }
0x12a: {  	[tilespmem:s31], [sflag:$0x2] =	stream.strided.gather [hbm4b:s30+s21], $0x400, s22, s21, $0x38;
	[tilespmem:$0x1B880] =	vst v63  }
.LBB2_24:
0x12b: {  	s2 =	sshll.u32 s28, $0x7  }
0x12c: {  	s0 =	sshrl.u32 s28, $0x3;
	s30 =	sand.u32 $0x380, s2  }
0x12d: {  	s1 =	sand.u32 $0x7, s26;
	s0 =	smul.u32 $0x6000, s0;
	v3 =	vmov s30  }
0x12e: {  	s4 =	simm.s32 $0x0;
	s5 =	simm.s32 $0x0;
	s1 =	sshll.u32 s1, $0x9  }
0x12f: {  	s1 =	sor.u32 s1, s0;
	s31 =	sshra.s32 s0, $0x2;
	s0 =	sand.u32 $0x1C00, s4  }
0x130: {  	s29 =	sshra.s32 s1, $0x2;
	s1 =	sand.u32 $0x40, s5;
	s0 =	sadd.s32 s0, s31  }
0x131: {  	s0 =	sadd.s32 s1, s0  }
0x132: {  	v4 =	vld.idx.msk [tilespmem:v3+s0+$0x30 ss:$0x1], $0xffff  }
0x133: {  	s6 =	simm.s32 $0x200;
	v5 =	vld.idx.msk [tilespmem:v3+s0+$0x0 ss:$0x1], $0xffff  }
0x134: {  	s18 =	simm.s32 $0x40;
	s1 =	sand.u32 $0x1C00, s6;
	v6 =	vld.idx.msk [tilespmem:v3+s0+$0x10 ss:$0x1], $0xffff  }
0x135: {  	s1 =	sadd.s32 s1, s31;
	v7 =	vld.idx.msk [tilespmem:v3+s0+$0x20 ss:$0x1], $0xffff;
	s0 =	sand.u32 $0x40, s18  }
0x136: {  	s0 =	sadd.s32 s0, s1  }
0x137: {  	v10 =	vld.idx.msk [tilespmem:v3+s0+$0x10 ss:$0x1], $0xffff;
	_ =	sdelay $0x1  }
0x138: {  	v8 =	vld.idx.msk [tilespmem:v3+s0+$0x30 ss:$0x1], $0xffff;
	v4 =	vmul.f32 $3.276800000e+04, v4;
	_ =	sdelay $0x1  }
0x139: {  	v7 =	vmul.f32 $3.276800000e+04, v7;
	v4 =	vtrunc.f32 v4  }
0x13a: {  	v10 =	vmul.f32 $3.276800000e+04, v10;
	v9 =	vcvt.f32.s32 v4  }
0x13b: {  	s19 =	simm.s32 $0x400;
	v4 =	vmul.f32 $3.276800000e+04, v5;
	v5 =	vmul.f32 $3.276800000e+04, v6;
	v6 =	vld.idx.msk [tilespmem:v3+s0+$0x0 ss:$0x1], $0xffff  }
0x13c: {  	s1 =	sand.u32 $0x1C00, s19;
	v11 =	vld.idx.msk [tilespmem:v3+s0+$0x20 ss:$0x1], $0xffff;
	v8 =	vmul.f32 $3.276800000e+04, v8;
	s0 =	simm.s32 $0x80;
	v15 =	vtrunc.f32 v10  }
0x13d: {  	s1 =	sadd.s32 s1, s31;
	s20 =	sand.u32 $0x40, s0;
	v4 =	vtrunc.f32 v4;
	v5 =	vtrunc.f32 v5  }
0x13e: {  	s1 =	sadd.s32 s20, s1;
	v14 =	vcvt.f32.s32 v4;
	v4 =	vtrunc.f32 v7  }
0x13f: {  	v5 =	vcvt.f32.s32 v5;
	v7 =	vld.idx.msk [tilespmem:v3+s1+$0x30 ss:$0x1], $0xffff;
	v4 =	vcvt.f32.s32 v4  }
0x140: {  	v10 =	vld.idx.msk [tilespmem:v3+s1+$0x20 ss:$0x1], $0xffff;
	v12 =	vmul.f32 $3.276800000e+04, v6;
	v6 =	vtrunc.f32 v8  }
0x141: {  	v11 =	vmul.f32 $3.276800000e+04, v11;
	v8 =	vld.idx.msk [tilespmem:v3+s1+$0x0 ss:$0x1], $0xffff;
	v6 =	vcvt.f32.s32 v6  }
0x142: {  	[tilespmem:v9+s23+$0x0] =	vst.idx.add.f32.msk $0xffff, v1;
	v12 =	vtrunc.f32 v12  }
0x143: {  	v9 =	vld.idx.msk [tilespmem:v3+s1+$0x10 ss:$0x1], $0xffff;
	v13 =	vcvt.f32.s32 v12;
	v12 =	vtrunc.f32 v11  }
0x144: {  	s1 =	simm.s32 $0x600;
	v11 =	vcvt.f32.s32 v15;
	v12 =	vcvt.f32.s32 v12;
	[tilespmem:v14+s23+$0x0] =	vst.idx.add.f32.msk $0xffff, v1  }
.LBB2_25:
0x145: {  	s0 =	sadd.s32 $0x40, s0;
	s2 =	sand.u32 $0x1C00, s1;
	[tilespmem:v5+s23+$0x0] =	vst.idx.add.f32.msk $0xffff, v1;
	v14 =	vmov v13  }
0x146: {  	v13 =	vmul.f32 $3.276800000e+04, v7;
	s4 =	sand.u32 $0x40, s0;
	s2 =	sadd.s32 s2, s31;
	p0 =	slt.u32 s0, $0x240;
	[tilespmem:v4+s23+$0x0] =	vst.idx.add.f32.msk $0xffff, v1;
	v5 =	vmov v11;
	v4 =	vmov v12  }
0x147: {  	v11 =	vmul.f32 $3.276800000e+04, v8;
	s2 =	sadd.s32 s4, s2;
	[tilespmem:v6+s23+$0x0] =	vst.idx.add.f32.msk $0xffff, v1  }
.Ltmp11:
0x148: {  	v12 =	vmul.f32 $3.276800000e+04, v9;
	v6 =	vtrunc.f32 v13;
	v7 =	vld.idx.msk [tilespmem:v3+s2+$0x30 ss:$0x1], $0xffff;
	(pc) =	sbr.rel @p0 .LBB2_25-.Ltmp11, $4  }
0x149: {  	v15 =	vmul.f32 $3.276800000e+04, v10;
	v6 =	vcvt.f32.s32 v6;
	v8 =	vld.idx.msk [tilespmem:v3+s2+$0x0 ss:$0x1], $0xffff  }
0x14a: {  	v11 =	vtrunc.f32 v11;
	v12 =	vtrunc.f32 v12;
	v9 =	vld.idx.msk [tilespmem:v3+s2+$0x10 ss:$0x1], $0xffff  }
0x14b: {  	v13 =	vcvt.f32.s32 v11;
	v15 =	vtrunc.f32 v15;
	v10 =	vld.idx.msk [tilespmem:v3+s2+$0x20 ss:$0x1], $0xffff  }
0x14c: {  	s1 =	sadd.s32 $0x200, s1;
	v11 =	vcvt.f32.s32 v12;
	v12 =	vcvt.f32.s32 v15;
	[tilespmem:v14+s23+$0x0] =	vst.idx.add.f32.msk $0xffff, v1  }
0x14d: {  	_ = 	snop  }
0x14e: {  	v3 =	vmul.f32 $3.276800000e+04, v7  }
0x14f: {  	v58 =	vmul.f32 $3.276800000e+04, v8;
	v59 =	vmul.f32 $3.276800000e+04, v9  }
0x150: {  	v3 =	vtrunc.f32 v3;
	v60 =	vmul.f32 $3.276800000e+04, v10  }
0x151: {  	[tilespmem:v5+s23+$0x0] =	vst.idx.add.f32.msk $0xffff, v1;
	v3 =	vcvt.f32.s32 v3;
	v61 =	vtrunc.f32 v58  }
0x152: {  	[tilespmem:v4+s23+$0x0] =	vst.idx.add.f32.msk $0xffff, v1;
	v62 =	vtrunc.f32 v59;
	v5 =	vcvt.f32.s32 v61  }
0x153: {  	[tilespmem:v6+s23+$0x0] =	vst.idx.add.f32.msk $0xffff, v1;
	v63 =	vtrunc.f32 v60;
	v4 =	vcvt.f32.s32 v62  }
0x154: {  	[tilespmem:v13+s23+$0x0] =	vst.idx.add.f32.msk $0xffff, v1;
	v6 =	vcvt.f32.s32 v63  }
0x155: {  	[tilespmem:v11+s23+$0x0] =	vst.idx.add.f32.msk $0xffff, v1  }
0x156: {  	[tilespmem:v12+s23+$0x0] =	vst.idx.add.f32.msk $0xffff, v1  }
0x157: {  	[tilespmem:v3+s23+$0x0] =	vst.idx.add.f32.msk $0xffff, v1  }
0x158: {  	[tilespmem:v5+s23+$0x0] =	vst.idx.add.f32.msk $0xffff, v1  }
0x159: {  	[tilespmem:v4+s23+$0x0] =	vst.idx.add.f32.msk $0xffff, v1  }
0x15a: {  	s0 =	sadd.s32 s30, s31;
	s1 =	simm.s32 $0x270;
	s2 =	simm.s32 $0x1400;
	[tilespmem:v6+s23+$0x0] =	vst.idx.add.f32.msk $0xffff, v1  }
.LBB2_27:
0x15b: {  	s4 =	sand.u32 $0x3FFFFC00, s2  }
0x15c: {  	s4 =	sadd.s32 s4, s29  }
0x15d: {  	v3 =	vld [tilespmem:s4+$0x0];
	_ =	sdelay $0x4  }
0x15e: {  	v3 =	vmul.f32 $3.276800000e+04, v3;
	_ =	sdelay $0x1  }
0x15f: {  	v3 =	vtrunc.f32 v3  }
0x160: {  	s1 =	sadd.s32 $0x10, s1;
	v3 =	vcvt.f32.s32 v3  }
0x161: {  	p0 =	slt.u32 s1, $0x290  }
.Ltmp12:
0x162: {  	_ = 	snop;
	(pc) =	sbr.rel @p0 .LBB2_27-.Ltmp12, $2  }
0x163: {  	_ =	sdelay $0x2  }
0x164: {  	s2 =	sadd.s32 $0x80, s2;
	s29 =	sadd.s32 $0x10, s29;
	[tilespmem:v3+s23+$0x0] =	vst.idx.add.f32.msk $0xffff, v1  }
0x165: {  	v3 =	vld [tilespmem:s0+$0x1415];
	_ =	sdelay $0x4  }
0x166: {  	v3 =	vmul.f32 $3.276800000e+04, v3;
	_ =	sdelay $0x1  }
0x167: {  	v3 =	vtrunc.f32 v3  }
0x168: {  	s28 =	sadd.s32 $0x1, s28;
	v3 =	vcvt.f32.s32 v3  }
0x169: {  	p0 =	sne.s32 s28, $0x30  }
.Ltmp13:
0x16a: {  	_ = 	snop;
	(pc) =	sbr.rel @p0 .LBB2_24-.Ltmp13, $2  }
0x16b: {  	_ =	sdelay $0x2  }
0x16c: {  	s26 =	sadd.s32 $0x1, s26;
	[tilespmem:v3+s23+$0x0] =	vst.idx.add.f32.msk vm0, v1  }
0x16d: {  	_ =	swait.ge [sflag:s24], $0x9000  }
0x16e: {  	[sflag:s24] =	ssyncset.done $0x0  }
0x16f: {  	s0 =	simm.s32 $0x0;
	s19 =	sadd.s32 $0x80, s8;
	[sflag:s24] =	ssyncadd.s32 $0xFFFF7000  }
0x170: {  	[tilespmem:s0], [sflag:$0x1] =	stream.strided.gather [hbm4b:s8+s21], $0x400, s22, s21, $0x38;
	[tilespmem:$0x1B880] =	vst v63  }
0x171: {  	s1 =	simm.s32 $0x400;
	s20 =	sadd.s32 $0x100, s8;
	s26 =	simm.s32 $0x800  }
0x172: {  	[tilespmem:s1], [sflag:$0x1] =	stream.strided.gather [hbm4b:s19+s21], $0x400, s22, s21, $0x38;
	[tilespmem:$0x1B880] =	vst v63  }
0x173: {  	s28 =	sadd.s32 $0x180, s8;
	s29 =	simm.s32 $0xC00;
	s30 =	sadd.s32 $0x200, s8  }
0x174: {  	[tilespmem:s26], [sflag:$0x1] =	stream.strided.gather [hbm4b:s20+s21], $0x400, s22, s21, $0x38;
	[tilespmem:$0x1B880] =	vst v63  }
0x175: {  	s31 =	simm.s32 $0x1000;
	s2 =	sadd.s32 $0x280, s8;
	s4 =	simm.s32 $0x1400  }
0x176: {  	[tilespmem:s29], [sflag:$0x1] =	stream.strided.gather [hbm4b:s28+s21], $0x400, s22, s21, $0x38;
	[tilespmem:$0x1B880] =	vst v63  }
0x177: {  	s0 =	simm.s32 $0x6000;
	s1 =	sadd.s32 $0x1800, s8;
	s26 =	simm.s32 $0x0  }
0x178: {  	[tilespmem:s31], [sflag:$0x1] =	stream.strided.gather [hbm4b:s30+s21], $0x400, s22, s21, $0x38;
	[tilespmem:$0x1B880] =	vst v63  }
.LBB2_30:
0x179: {  	[tilespmem:s4], [sflag:$0x1] =	stream.strided.gather [hbm4b:s2+s21], $0x400, s22, s21, $0x38;
	[tilespmem:$0x1B880] =	vst v63  }
0x17a: {  	s4 =	sshra.s32 s0, $0x2;
	p0 =	sne.s32 s0, $0x1E000;
	s0 =	sadd.s32 $0x6000, s0  }
0x17b: {  	[tilespmem:s4], [sflag:$0x1] =	stream.strided.gather [hbm4b:s1+s21], $0x400, s22, s21, $0x38;
	[tilespmem:$0x1B880] =	vst v63  }
0x17c: {  	s2 =	sadd.s32 $0x80, s1;
	s5 =	sadd.s32 $0x400, s4  }
0x17d: {  	[tilespmem:s5], [sflag:$0x1] =	stream.strided.gather [hbm4b:s2+s21], $0x400, s22, s21, $0x38;
	[tilespmem:$0x1B880] =	vst v63  }
0x17e: {  	s2 =	sadd.s32 $0x100, s1;
	s5 =	sadd.s32 $0x800, s4  }
0x17f: {  	[tilespmem:s5], [sflag:$0x1] =	stream.strided.gather [hbm4b:s2+s21], $0x400, s22, s21, $0x38;
	[tilespmem:$0x1B880] =	vst v63  }
.Ltmp14:
0x180: {  	s2 =	sadd.s32 $0x180, s1;
	s5 =	sadd.s32 $0xC00, s4;
	(pc) =	sbr.rel @p0 .LBB2_30-.Ltmp14, $4  }
0x181: {  	[tilespmem:s5], [sflag:$0x1] =	stream.strided.gather [hbm4b:s2+s21], $0x400, s22, s21, $0x38;
	[tilespmem:$0x1B880] =	vst v63  }
0x182: {  	s2 =	sadd.s32 $0x200, s1;
	s5 =	sadd.s32 $0x1000, s4  }
0x183: {  	[tilespmem:s5], [sflag:$0x1] =	stream.strided.gather [hbm4b:s2+s21], $0x400, s22, s21, $0x38;
	[tilespmem:$0x1B880] =	vst v63  }
0x184: {  	s4 =	sadd.s32 $0x1400, s4;
	s2 =	sadd.s32 $0x280, s1;
	s1 =	sadd.s32 $0x1800, s1  }
0x185: {  	[tilespmem:s4], [sflag:$0x1] =	stream.strided.gather [hbm4b:s2+s21], $0x400, s22, s21, $0x38;
	[tilespmem:$0x1B880] =	vst v63  }
0x186: {  	s28 =	simm.s32 $0x0  }
.LBB2_32:
0x187: {  	s0 =	sshrl.u32 s28, $0x3;
	s2 =	sshll.u32 s28, $0x7  }
0x188: {  	s1 =	sand.u32 $0x7, s26;
	s0 =	smul.u32 $0x6000, s0;
	s30 =	sand.u32 $0x380, s2  }
0x189: {  	s4 =	simm.s32 $0x0;
	s1 =	sshll.u32 s1, $0x9;
	v3 =	vmov s30  }
0x18a: {  	s5 =	simm.s32 $0x0;
	s1 =	sor.u32 s1, s0;
	s0 =	sshra.s32 s0, $0x2  }
0x18b: {  	s1 =	sshra.s32 s1, $0x2;
	s31 =	sadd.s32 $0x9000, s0;
	s0 =	sand.u32 $0x1C00, s4  }
0x18c: {  	s29 =	sadd.s32 $0x9000, s1;
	s1 =	sand.u32 $0x40, s5;
	s0 =	sadd.s32 s0, s31  }
0x18d: {  	s0 =	sadd.s32 s1, s0  }
0x18e: {  	v4 =	vld.idx.msk [tilespmem:v3+s0+$0x30 ss:$0x1], $0xffff  }
0x18f: {  	s6 =	simm.s32 $0x200;
	v5 =	vld.idx.msk [tilespmem:v3+s0+$0x0 ss:$0x1], $0xffff  }
0x190: {  	s18 =	simm.s32 $0x40;
	s1 =	sand.u32 $0x1C00, s6;
	v6 =	vld.idx.msk [tilespmem:v3+s0+$0x10 ss:$0x1], $0xffff  }
0x191: {  	v7 =	vld.idx.msk [tilespmem:v3+s0+$0x20 ss:$0x1], $0xffff;
	s0 =	sand.u32 $0x40, s18;
	s1 =	sadd.s32 s1, s31  }
0x192: {  	s0 =	sadd.s32 s0, s1  }
0x193: {  	v10 =	vld.idx.msk [tilespmem:v3+s0+$0x10 ss:$0x1], $0xffff;
	_ =	sdelay $0x1  }
0x194: {  	v8 =	vld.idx.msk [tilespmem:v3+s0+$0x30 ss:$0x1], $0xffff;
	v4 =	vmul.f32 $3.276800000e+04, v4;
	_ =	sdelay $0x1  }
0x195: {  	v7 =	vmul.f32 $3.276800000e+04, v7;
	v4 =	vtrunc.f32 v4  }
0x196: {  	v10 =	vmul.f32 $3.276800000e+04, v10;
	v9 =	vcvt.f32.s32 v4  }
0x197: {  	s19 =	simm.s32 $0x400;
	v4 =	vmul.f32 $3.276800000e+04, v5;
	v5 =	vmul.f32 $3.276800000e+04, v6;
	v6 =	vld.idx.msk [tilespmem:v3+s0+$0x0 ss:$0x1], $0xffff  }
0x198: {  	s1 =	sand.u32 $0x1C00, s19;
	v11 =	vld.idx.msk [tilespmem:v3+s0+$0x20 ss:$0x1], $0xffff;
	v8 =	vmul.f32 $3.276800000e+04, v8;
	s0 =	simm.s32 $0x80;
	v15 =	vtrunc.f32 v10  }
0x199: {  	s1 =	sadd.s32 s1, s31;
	s20 =	sand.u32 $0x40, s0;
	v4 =	vtrunc.f32 v4;
	v5 =	vtrunc.f32 v5  }
0x19a: {  	s1 =	sadd.s32 s20, s1;
	v14 =	vcvt.f32.s32 v4;
	v4 =	vtrunc.f32 v7  }
0x19b: {  	v5 =	vcvt.f32.s32 v5;
	v7 =	vld.idx.msk [tilespmem:v3+s1+$0x30 ss:$0x1], $0xffff;
	v4 =	vcvt.f32.s32 v4  }
0x19c: {  	v10 =	vld.idx.msk [tilespmem:v3+s1+$0x20 ss:$0x1], $0xffff;
	v12 =	vmul.f32 $3.276800000e+04, v6;
	v6 =	vtrunc.f32 v8  }
0x19d: {  	v11 =	vmul.f32 $3.276800000e+04, v11;
	v8 =	vld.idx.msk [tilespmem:v3+s1+$0x0 ss:$0x1], $0xffff;
	v6 =	vcvt.f32.s32 v6  }
0x19e: {  	[tilespmem:v9+s23+$0x0] =	vst.idx.add.f32.msk $0xffff, v1;
	v12 =	vtrunc.f32 v12  }
0x19f: {  	v9 =	vld.idx.msk [tilespmem:v3+s1+$0x10 ss:$0x1], $0xffff;
	v13 =	vcvt.f32.s32 v12;
	v12 =	vtrunc.f32 v11  }
0x1a0: {  	s1 =	simm.s32 $0x600;
	v11 =	vcvt.f32.s32 v15;
	v12 =	vcvt.f32.s32 v12;
	[tilespmem:v14+s23+$0x0] =	vst.idx.add.f32.msk $0xffff, v1  }
.LBB2_33:
0x1a1: {  	s0 =	sadd.s32 $0x40, s0;
	s2 =	sand.u32 $0x1C00, s1;
	[tilespmem:v5+s23+$0x0] =	vst.idx.add.f32.msk $0xffff, v1;
	v14 =	vmov v13  }
0x1a2: {  	v13 =	vmul.f32 $3.276800000e+04, v7;
	s4 =	sand.u32 $0x40, s0;
	s2 =	sadd.s32 s2, s31;
	p0 =	slt.u32 s0, $0x240;
	[tilespmem:v4+s23+$0x0] =	vst.idx.add.f32.msk $0xffff, v1;
	v5 =	vmov v11;
	v4 =	vmov v12  }
0x1a3: {  	v11 =	vmul.f32 $3.276800000e+04, v8;
	s2 =	sadd.s32 s4, s2;
	[tilespmem:v6+s23+$0x0] =	vst.idx.add.f32.msk $0xffff, v1  }
.Ltmp15:
0x1a4: {  	v12 =	vmul.f32 $3.276800000e+04, v9;
	v6 =	vtrunc.f32 v13;
	v7 =	vld.idx.msk [tilespmem:v3+s2+$0x30 ss:$0x1], $0xffff;
	(pc) =	sbr.rel @p0 .LBB2_33-.Ltmp15, $4  }
0x1a5: {  	v15 =	vmul.f32 $3.276800000e+04, v10;
	v6 =	vcvt.f32.s32 v6;
	v8 =	vld.idx.msk [tilespmem:v3+s2+$0x0 ss:$0x1], $0xffff  }
0x1a6: {  	v11 =	vtrunc.f32 v11;
	v12 =	vtrunc.f32 v12;
	v9 =	vld.idx.msk [tilespmem:v3+s2+$0x10 ss:$0x1], $0xffff  }
0x1a7: {  	v13 =	vcvt.f32.s32 v11;
	v15 =	vtrunc.f32 v15;
	v10 =	vld.idx.msk [tilespmem:v3+s2+$0x20 ss:$0x1], $0xffff  }
0x1a8: {  	s1 =	sadd.s32 $0x200, s1;
	v11 =	vcvt.f32.s32 v12;
	v12 =	vcvt.f32.s32 v15;
	[tilespmem:v14+s23+$0x0] =	vst.idx.add.f32.msk $0xffff, v1  }
0x1a9: {  	_ = 	snop  }
0x1aa: {  	v3 =	vmul.f32 $3.276800000e+04, v7  }
0x1ab: {  	v58 =	vmul.f32 $3.276800000e+04, v8;
	v59 =	vmul.f32 $3.276800000e+04, v9  }
0x1ac: {  	v3 =	vtrunc.f32 v3;
	v60 =	vmul.f32 $3.276800000e+04, v10  }
0x1ad: {  	[tilespmem:v5+s23+$0x0] =	vst.idx.add.f32.msk $0xffff, v1;
	v3 =	vcvt.f32.s32 v3;
	v61 =	vtrunc.f32 v58  }
0x1ae: {  	[tilespmem:v4+s23+$0x0] =	vst.idx.add.f32.msk $0xffff, v1;
	v62 =	vtrunc.f32 v59;
	v5 =	vcvt.f32.s32 v61  }
0x1af: {  	[tilespmem:v6+s23+$0x0] =	vst.idx.add.f32.msk $0xffff, v1;
	v63 =	vtrunc.f32 v60;
	v4 =	vcvt.f32.s32 v62  }
0x1b0: {  	[tilespmem:v13+s23+$0x0] =	vst.idx.add.f32.msk $0xffff, v1;
	v6 =	vcvt.f32.s32 v63  }
0x1b1: {  	[tilespmem:v11+s23+$0x0] =	vst.idx.add.f32.msk $0xffff, v1  }
0x1b2: {  	[tilespmem:v12+s23+$0x0] =	vst.idx.add.f32.msk $0xffff, v1  }
0x1b3: {  	[tilespmem:v3+s23+$0x0] =	vst.idx.add.f32.msk $0xffff, v1  }
0x1b4: {  	[tilespmem:v5+s23+$0x0] =	vst.idx.add.f32.msk $0xffff, v1  }
0x1b5: {  	[tilespmem:v4+s23+$0x0] =	vst.idx.add.f32.msk $0xffff, v1  }
0x1b6: {  	s0 =	sadd.s32 s30, s31;
	s1 =	simm.s32 $0x270;
	s2 =	simm.s32 $0x1400;
	[tilespmem:v6+s23+$0x0] =	vst.idx.add.f32.msk $0xffff, v1  }
.LBB2_35:
0x1b7: {  	s4 =	sand.u32 $0x3FFFFC00, s2  }
0x1b8: {  	s4 =	sadd.s32 s4, s29  }
0x1b9: {  	v3 =	vld [tilespmem:s4+$0x0];
	_ =	sdelay $0x4  }
0x1ba: {  	v3 =	vmul.f32 $3.276800000e+04, v3;
	_ =	sdelay $0x1  }
0x1bb: {  	v3 =	vtrunc.f32 v3  }
0x1bc: {  	s1 =	sadd.s32 $0x10, s1;
	v3 =	vcvt.f32.s32 v3  }
0x1bd: {  	p0 =	slt.u32 s1, $0x290  }
.Ltmp16:
0x1be: {  	_ = 	snop;
	(pc) =	sbr.rel @p0 .LBB2_35-.Ltmp16, $2  }
0x1bf: {  	_ =	sdelay $0x2  }
0x1c0: {  	s2 =	sadd.s32 $0x80, s2;
	s29 =	sadd.s32 $0x10, s29;
	[tilespmem:v3+s23+$0x0] =	vst.idx.add.f32.msk $0xffff, v1  }
0x1c1: {  	v3 =	vld [tilespmem:s0+$0x1415];
	_ =	sdelay $0x4  }
0x1c2: {  	v3 =	vmul.f32 $3.276800000e+04, v3;
	_ =	sdelay $0x1  }
0x1c3: {  	v3 =	vtrunc.f32 v3  }
0x1c4: {  	s28 =	sadd.s32 $0x1, s28;
	v3 =	vcvt.f32.s32 v3  }
0x1c5: {  	p0 =	sne.s32 s28, $0x30  }
.Ltmp17:
0x1c6: {  	_ = 	snop;
	(pc) =	sbr.rel @p0 .LBB2_32-.Ltmp17, $2  }
0x1c7: {  	_ =	sdelay $0x2  }
0x1c8: {  	s26 =	sadd.s32 $0x1, s26;
	[tilespmem:v3+s23+$0x0] =	vst.idx.add.f32.msk vm0, v1  }
0x1c9: {  	_ =	swait.ge [sflag:s3], $0x9000  }
0x1ca: {  	s0 =	simm.s32 $0x9000;
	[sflag:s3] =	ssyncset.done $0x0  }
0x1cb: {  	s19 =	sadd.s32 $0x80, s9;
	s1 =	simm.s32 $0x9400;
	[sflag:s3] =	ssyncadd.s32 $0xFFFF7000  }
0x1cc: {  	[tilespmem:s0], [sflag:$0x2] =	stream.strided.gather [hbm4b:s9+s21], $0x400, s22, s21, $0x38;
	[tilespmem:$0x1B880] =	vst v63  }
0x1cd: {  	s20 =	sadd.s32 $0x100, s9;
	s26 =	simm.s32 $0x9800;
	s28 =	sadd.s32 $0x180, s9  }
0x1ce: {  	[tilespmem:s1], [sflag:$0x2] =	stream.strided.gather [hbm4b:s19+s21], $0x400, s22, s21, $0x38;
	[tilespmem:$0x1B880] =	vst v63  }
0x1cf: {  	s29 =	simm.s32 $0x9C00;
	s30 =	sadd.s32 $0x200, s9;
	s31 =	simm.s32 $0xA000  }
0x1d0: {  	[tilespmem:s26], [sflag:$0x2] =	stream.strided.gather [hbm4b:s20+s21], $0x400, s22, s21, $0x38;
	[tilespmem:$0x1B880] =	vst v63  }
0x1d1: {  	s2 =	simm.s32 $0xC000;
	s4 =	sadd.s32 $0x280, s9;
	s5 =	simm.s32 $0xA400  }
0x1d2: {  	[tilespmem:s29], [sflag:$0x2] =	stream.strided.gather [hbm4b:s28+s21], $0x400, s22, s21, $0x38;
	[tilespmem:$0x1B880] =	vst v63  }
0x1d3: {  	s0 =	simm.s32 $0x1800;
	s1 =	sadd.s32 $0x1800, s9;
	s26 =	simm.s32 $0x0  }
0x1d4: {  	[tilespmem:s31], [sflag:$0x2] =	stream.strided.gather [hbm4b:s30+s21], $0x400, s22, s21, $0x38;
	[tilespmem:$0x1B880] =	vst v63  }
.LBB2_38:
0x1d5: {  	[tilespmem:s5], [sflag:$0x2] =	stream.strided.gather [hbm4b:s4+s21], $0x400, s22, s21, $0x38;
	[tilespmem:$0x1B880] =	vst v63  }
0x1d6: {  	s5 =	smov.u32 s0;
	s0 =	smov.u32 s2  }
0x1d7: {  	s18 =	sadd.s32 $0x6000, s2;
	s0 =	sshra.s32 s0, $0x2;
	s4 =	sadd.s32 $0x9000, s5  }
0x1d8: {  	[tilespmem:s4], [sflag:$0x2] =	stream.strided.gather [hbm4b:s1+s21], $0x400, s22, s21, $0x38;
	[tilespmem:$0x1B880] =	vst v63  }
0x1d9: {  	p0 =	sne.s32 s2, $0x1E000;
	s2 =	sadd.s32 $0x80, s1;
	s4 =	sadd.s32 $0x9400, s5  }
0x1da: {  	[tilespmem:s4], [sflag:$0x2] =	stream.strided.gather [hbm4b:s2+s21], $0x400, s22, s21, $0x38;
	[tilespmem:$0x1B880] =	vst v63  }
0x1db: {  	s2 =	sadd.s32 $0x100, s1;
	s4 =	sadd.s32 $0x9800, s5  }
0x1dc: {  	[tilespmem:s4], [sflag:$0x2] =	stream.strided.gather [hbm4b:s2+s21], $0x400, s22, s21, $0x38;
	[tilespmem:$0x1B880] =	vst v63  }
.Ltmp18:
0x1dd: {  	s2 =	sadd.s32 $0x180, s1;
	s4 =	sadd.s32 $0x9C00, s5;
	(pc) =	sbr.rel @p0 .LBB2_38-.Ltmp18, $4  }
0x1de: {  	[tilespmem:s4], [sflag:$0x2] =	stream.strided.gather [hbm4b:s2+s21], $0x400, s22, s21, $0x38;
	[tilespmem:$0x1B880] =	vst v63  }
0x1df: {  	s2 =	sadd.s32 $0x200, s1;
	s4 =	sadd.s32 $0xA000, s5;
	s5 =	sadd.s32 $0xA400, s5  }
0x1e0: {  	[tilespmem:s4], [sflag:$0x2] =	stream.strided.gather [hbm4b:s2+s21], $0x400, s22, s21, $0x38;
	[tilespmem:$0x1B880] =	vst v63  }
0x1e1: {  	s4 =	sadd.s32 $0x280, s1;
	s1 =	sadd.s32 $0x1800, s1;
	s2 =	smov.u32 s18  }
0x1e2: {  	[tilespmem:s5], [sflag:$0x2] =	stream.strided.gather [hbm4b:s4+s21], $0x400, s22, s21, $0x38;
	[tilespmem:$0x1B880] =	vst v63  }
0x1e3: {  	s2 =	sadd.s32 $0x9000, s0  }
0x1e4: {  	[tilespmem:s2], [sflag:$0x2] =	stream.strided.gather [hbm4b:s1+s21], $0x400, s22, s21, $0x38;
	[tilespmem:$0x1B880] =	vst v63  }
0x1e5: {  	s30 =	sadd.s32 $0x80, s1;
	s31 =	sadd.s32 $0x9400, s0  }
0x1e6: {  	[tilespmem:s31], [sflag:$0x2] =	stream.strided.gather [hbm4b:s30+s21], $0x400, s22, s21, $0x38;
	[tilespmem:$0x1B880] =	vst v63  }
0x1e7: {  	s5 =	sadd.s32 $0x100, s1;
	s6 =	sadd.s32 $0x9800, s0  }
0x1e8: {  	[tilespmem:s6], [sflag:$0x2] =	stream.strided.gather [hbm4b:s5+s21], $0x400, s22, s21, $0x38;
	[tilespmem:$0x1B880] =	vst v63  }
0x1e9: {  	s18 =	sadd.s32 $0x180, s1;
	s19 =	sadd.s32 $0x9C00, s0  }
0x1ea: {  	[tilespmem:s19], [sflag:$0x2] =	stream.strided.gather [hbm4b:s18+s21], $0x400, s22, s21, $0x38;
	[tilespmem:$0x1B880] =	vst v63  }
0x1eb: {  	s20 =	sadd.s32 $0x200, s1;
	s29 =	sadd.s32 $0xA000, s0  }
0x1ec: {  	[tilespmem:s29], [sflag:$0x2] =	stream.strided.gather [hbm4b:s20+s21], $0x400, s22, s21, $0x38;
	[tilespmem:$0x1B880] =	vst v63  }
0x1ed: {  	s28 =	simm.s32 $0x0;
	s30 =	sadd.s32 $0x280, s1;
	s31 =	sadd.s32 $0xA400, s0  }
0x1ee: {  	[tilespmem:s31], [sflag:$0x2] =	stream.strided.gather [hbm4b:s30+s21], $0x400, s22, s21, $0x38;
	[tilespmem:$0x1B880] =	vst v63  }
.LBB2_40:
0x1ef: {  	s2 =	sshll.u32 s28, $0x7  }
0x1f0: {  	s0 =	sshrl.u32 s28, $0x3;
	s30 =	sand.u32 $0x380, s2  }
0x1f1: {  	s1 =	sand.u32 $0x7, s26;
	s0 =	smul.u32 $0x6000, s0;
	v3 =	vmov s30  }
0x1f2: {  	s4 =	simm.s32 $0x0;
	s5 =	simm.s32 $0x0;
	s1 =	sshll.u32 s1, $0x9  }
0x1f3: {  	s1 =	sor.u32 s1, s0;
	s31 =	sshra.s32 s0, $0x2;
	s0 =	sand.u32 $0x1C00, s4  }
0x1f4: {  	s29 =	sshra.s32 s1, $0x2;
	s1 =	sand.u32 $0x40, s5;
	s0 =	sadd.s32 s0, s31  }
0x1f5: {  	s0 =	sadd.s32 s1, s0  }
0x1f6: {  	v4 =	vld.idx.msk [tilespmem:v3+s0+$0x30 ss:$0x1], $0xffff  }
0x1f7: {  	s6 =	simm.s32 $0x200;
	v5 =	vld.idx.msk [tilespmem:v3+s0+$0x0 ss:$0x1], $0xffff  }
0x1f8: {  	s18 =	simm.s32 $0x40;
	s1 =	sand.u32 $0x1C00, s6;
	v6 =	vld.idx.msk [tilespmem:v3+s0+$0x10 ss:$0x1], $0xffff  }
0x1f9: {  	s1 =	sadd.s32 s1, s31;
	v7 =	vld.idx.msk [tilespmem:v3+s0+$0x20 ss:$0x1], $0xffff;
	s0 =	sand.u32 $0x40, s18  }
0x1fa: {  	s0 =	sadd.s32 s0, s1  }
0x1fb: {  	v10 =	vld.idx.msk [tilespmem:v3+s0+$0x10 ss:$0x1], $0xffff;
	_ =	sdelay $0x1  }
0x1fc: {  	v8 =	vld.idx.msk [tilespmem:v3+s0+$0x30 ss:$0x1], $0xffff;
	v4 =	vmul.f32 $3.276800000e+04, v4;
	_ =	sdelay $0x1  }
0x1fd: {  	v7 =	vmul.f32 $3.276800000e+04, v7;
	v4 =	vtrunc.f32 v4  }
0x1fe: {  	v10 =	vmul.f32 $3.276800000e+04, v10;
	v9 =	vcvt.f32.s32 v4  }
0x1ff: {  	s19 =	simm.s32 $0x400;
	v4 =	vmul.f32 $3.276800000e+04, v5;
	v5 =	vmul.f32 $3.276800000e+04, v6;
	v6 =	vld.idx.msk [tilespmem:v3+s0+$0x0 ss:$0x1], $0xffff  }
0x200: {  	s1 =	sand.u32 $0x1C00, s19;
	v11 =	vld.idx.msk [tilespmem:v3+s0+$0x20 ss:$0x1], $0xffff;
	v8 =	vmul.f32 $3.276800000e+04, v8;
	s0 =	simm.s32 $0x80;
	v15 =	vtrunc.f32 v10  }
0x201: {  	s1 =	sadd.s32 s1, s31;
	s20 =	sand.u32 $0x40, s0;
	v4 =	vtrunc.f32 v4;
	v5 =	vtrunc.f32 v5  }
0x202: {  	s1 =	sadd.s32 s20, s1;
	v14 =	vcvt.f32.s32 v4;
	v4 =	vtrunc.f32 v7  }
0x203: {  	v5 =	vcvt.f32.s32 v5;
	v7 =	vld.idx.msk [tilespmem:v3+s1+$0x30 ss:$0x1], $0xffff;
	v4 =	vcvt.f32.s32 v4  }
0x204: {  	v10 =	vld.idx.msk [tilespmem:v3+s1+$0x20 ss:$0x1], $0xffff;
	v12 =	vmul.f32 $3.276800000e+04, v6;
	v6 =	vtrunc.f32 v8  }
0x205: {  	v11 =	vmul.f32 $3.276800000e+04, v11;
	v8 =	vld.idx.msk [tilespmem:v3+s1+$0x0 ss:$0x1], $0xffff;
	v6 =	vcvt.f32.s32 v6  }
0x206: {  	[tilespmem:v9+s23+$0x0] =	vst.idx.add.f32.msk $0xffff, v1;
	v12 =	vtrunc.f32 v12  }
0x207: {  	v9 =	vld.idx.msk [tilespmem:v3+s1+$0x10 ss:$0x1], $0xffff;
	v13 =	vcvt.f32.s32 v12;
	v12 =	vtrunc.f32 v11  }
0x208: {  	s1 =	simm.s32 $0x600;
	v11 =	vcvt.f32.s32 v15;
	v12 =	vcvt.f32.s32 v12;
	[tilespmem:v14+s23+$0x0] =	vst.idx.add.f32.msk $0xffff, v1  }
.LBB2_41:
0x209: {  	s0 =	sadd.s32 $0x40, s0;
	s2 =	sand.u32 $0x1C00, s1;
	[tilespmem:v5+s23+$0x0] =	vst.idx.add.f32.msk $0xffff, v1;
	v14 =	vmov v13  }
0x20a: {  	v13 =	vmul.f32 $3.276800000e+04, v7;
	s4 =	sand.u32 $0x40, s0;
	s2 =	sadd.s32 s2, s31;
	p0 =	slt.u32 s0, $0x240;
	[tilespmem:v4+s23+$0x0] =	vst.idx.add.f32.msk $0xffff, v1;
	v5 =	vmov v11;
	v4 =	vmov v12  }
0x20b: {  	v11 =	vmul.f32 $3.276800000e+04, v8;
	s2 =	sadd.s32 s4, s2;
	[tilespmem:v6+s23+$0x0] =	vst.idx.add.f32.msk $0xffff, v1  }
.Ltmp19:
0x20c: {  	v12 =	vmul.f32 $3.276800000e+04, v9;
	v6 =	vtrunc.f32 v13;
	v7 =	vld.idx.msk [tilespmem:v3+s2+$0x30 ss:$0x1], $0xffff;
	(pc) =	sbr.rel @p0 .LBB2_41-.Ltmp19, $4  }
0x20d: {  	v15 =	vmul.f32 $3.276800000e+04, v10;
	v6 =	vcvt.f32.s32 v6;
	v8 =	vld.idx.msk [tilespmem:v3+s2+$0x0 ss:$0x1], $0xffff  }
0x20e: {  	v11 =	vtrunc.f32 v11;
	v12 =	vtrunc.f32 v12;
	v9 =	vld.idx.msk [tilespmem:v3+s2+$0x10 ss:$0x1], $0xffff  }
0x20f: {  	v13 =	vcvt.f32.s32 v11;
	v15 =	vtrunc.f32 v15;
	v10 =	vld.idx.msk [tilespmem:v3+s2+$0x20 ss:$0x1], $0xffff  }
0x210: {  	s1 =	sadd.s32 $0x200, s1;
	v11 =	vcvt.f32.s32 v12;
	v12 =	vcvt.f32.s32 v15;
	[tilespmem:v14+s23+$0x0] =	vst.idx.add.f32.msk $0xffff, v1  }
0x211: {  	_ = 	snop  }
0x212: {  	v3 =	vmul.f32 $3.276800000e+04, v7  }
0x213: {  	v58 =	vmul.f32 $3.276800000e+04, v8;
	v59 =	vmul.f32 $3.276800000e+04, v9  }
0x214: {  	v3 =	vtrunc.f32 v3;
	v60 =	vmul.f32 $3.276800000e+04, v10  }
0x215: {  	[tilespmem:v5+s23+$0x0] =	vst.idx.add.f32.msk $0xffff, v1;
	v3 =	vcvt.f32.s32 v3;
	v61 =	vtrunc.f32 v58  }
0x216: {  	[tilespmem:v4+s23+$0x0] =	vst.idx.add.f32.msk $0xffff, v1;
	v62 =	vtrunc.f32 v59;
	v5 =	vcvt.f32.s32 v61  }
0x217: {  	[tilespmem:v6+s23+$0x0] =	vst.idx.add.f32.msk $0xffff, v1;
	v63 =	vtrunc.f32 v60;
	v4 =	vcvt.f32.s32 v62  }
0x218: {  	[tilespmem:v13+s23+$0x0] =	vst.idx.add.f32.msk $0xffff, v1;
	v6 =	vcvt.f32.s32 v63  }
0x219: {  	[tilespmem:v11+s23+$0x0] =	vst.idx.add.f32.msk $0xffff, v1  }
0x21a: {  	[tilespmem:v12+s23+$0x0] =	vst.idx.add.f32.msk $0xffff, v1  }
0x21b: {  	[tilespmem:v3+s23+$0x0] =	vst.idx.add.f32.msk $0xffff, v1  }
0x21c: {  	[tilespmem:v5+s23+$0x0] =	vst.idx.add.f32.msk $0xffff, v1  }
0x21d: {  	[tilespmem:v4+s23+$0x0] =	vst.idx.add.f32.msk $0xffff, v1  }
0x21e: {  	s0 =	sadd.s32 s30, s31;
	s1 =	simm.s32 $0x270;
	s2 =	simm.s32 $0x1400;
	[tilespmem:v6+s23+$0x0] =	vst.idx.add.f32.msk $0xffff, v1  }
.LBB2_43:
0x21f: {  	s4 =	sand.u32 $0x3FFFFC00, s2  }
0x220: {  	s4 =	sadd.s32 s4, s29  }
0x221: {  	v3 =	vld [tilespmem:s4+$0x0];
	_ =	sdelay $0x4  }
0x222: {  	v3 =	vmul.f32 $3.276800000e+04, v3;
	_ =	sdelay $0x1  }
0x223: {  	v3 =	vtrunc.f32 v3  }
0x224: {  	s1 =	sadd.s32 $0x10, s1;
	v3 =	vcvt.f32.s32 v3  }
0x225: {  	p0 =	slt.u32 s1, $0x290  }
.Ltmp20:
0x226: {  	_ = 	snop;
	(pc) =	sbr.rel @p0 .LBB2_43-.Ltmp20, $2  }
0x227: {  	_ =	sdelay $0x2  }
0x228: {  	s2 =	sadd.s32 $0x80, s2;
	s29 =	sadd.s32 $0x10, s29;
	[tilespmem:v3+s23+$0x0] =	vst.idx.add.f32.msk $0xffff, v1  }
0x229: {  	v3 =	vld [tilespmem:s0+$0x1415];
	_ =	sdelay $0x4  }
0x22a: {  	v3 =	vmul.f32 $3.276800000e+04, v3;
	_ =	sdelay $0x1  }
0x22b: {  	v3 =	vtrunc.f32 v3  }
0x22c: {  	s28 =	sadd.s32 $0x1, s28;
	v3 =	vcvt.f32.s32 v3  }
0x22d: {  	p0 =	sne.s32 s28, $0x30  }
.Ltmp21:
0x22e: {  	_ = 	snop;
	(pc) =	sbr.rel @p0 .LBB2_40-.Ltmp21, $2  }
0x22f: {  	_ =	sdelay $0x2  }
0x230: {  	s26 =	sadd.s32 $0x1, s26;
	[tilespmem:v3+s23+$0x0] =	vst.idx.add.f32.msk vm0, v1  }
0x231: {  	_ =	swait.ge [sflag:s24], $0x9000  }
0x232: {  	[sflag:s24] =	ssyncset.done $0x0  }
0x233: {  	s0 =	simm.s32 $0x0;
	s19 =	sadd.s32 $0x80, s10;
	[sflag:s24] =	ssyncadd.s32 $0xFFFF7000  }
0x234: {  	[tilespmem:s0], [sflag:$0x1] =	stream.strided.gather [hbm4b:s10+s21], $0x400, s22, s21, $0x38;
	[tilespmem:$0x1B880] =	vst v63  }
0x235: {  	s1 =	simm.s32 $0x400;
	s20 =	sadd.s32 $0x100, s10;
	s26 =	simm.s32 $0x800  }
0x236: {  	[tilespmem:s1], [sflag:$0x1] =	stream.strided.gather [hbm4b:s19+s21], $0x400, s22, s21, $0x38;
	[tilespmem:$0x1B880] =	vst v63  }
0x237: {  	s28 =	sadd.s32 $0x180, s10;
	s29 =	simm.s32 $0xC00;
	s30 =	sadd.s32 $0x200, s10  }
0x238: {  	[tilespmem:s26], [sflag:$0x1] =	stream.strided.gather [hbm4b:s20+s21], $0x400, s22, s21, $0x38;
	[tilespmem:$0x1B880] =	vst v63  }
0x239: {  	s31 =	simm.s32 $0x1000;
	s2 =	sadd.s32 $0x280, s10;
	s4 =	simm.s32 $0x1400  }
0x23a: {  	[tilespmem:s29], [sflag:$0x1] =	stream.strided.gather [hbm4b:s28+s21], $0x400, s22, s21, $0x38;
	[tilespmem:$0x1B880] =	vst v63  }
0x23b: {  	s0 =	simm.s32 $0x6000;
	s1 =	sadd.s32 $0x1800, s10;
	s26 =	simm.s32 $0x0  }
0x23c: {  	[tilespmem:s31], [sflag:$0x1] =	stream.strided.gather [hbm4b:s30+s21], $0x400, s22, s21, $0x38;
	[tilespmem:$0x1B880] =	vst v63  }
.LBB2_46:
0x23d: {  	[tilespmem:s4], [sflag:$0x1] =	stream.strided.gather [hbm4b:s2+s21], $0x400, s22, s21, $0x38;
	[tilespmem:$0x1B880] =	vst v63  }
0x23e: {  	s4 =	sshra.s32 s0, $0x2;
	p0 =	sne.s32 s0, $0x1E000;
	s0 =	sadd.s32 $0x6000, s0  }
0x23f: {  	[tilespmem:s4], [sflag:$0x1] =	stream.strided.gather [hbm4b:s1+s21], $0x400, s22, s21, $0x38;
	[tilespmem:$0x1B880] =	vst v63  }
0x240: {  	s2 =	sadd.s32 $0x80, s1;
	s5 =	sadd.s32 $0x400, s4  }
0x241: {  	[tilespmem:s5], [sflag:$0x1] =	stream.strided.gather [hbm4b:s2+s21], $0x400, s22, s21, $0x38;
	[tilespmem:$0x1B880] =	vst v63  }
0x242: {  	s2 =	sadd.s32 $0x100, s1;
	s5 =	sadd.s32 $0x800, s4  }
0x243: {  	[tilespmem:s5], [sflag:$0x1] =	stream.strided.gather [hbm4b:s2+s21], $0x400, s22, s21, $0x38;
	[tilespmem:$0x1B880] =	vst v63  }
.Ltmp22:
0x244: {  	s2 =	sadd.s32 $0x180, s1;
	s5 =	sadd.s32 $0xC00, s4;
	(pc) =	sbr.rel @p0 .LBB2_46-.Ltmp22, $4  }
0x245: {  	[tilespmem:s5], [sflag:$0x1] =	stream.strided.gather [hbm4b:s2+s21], $0x400, s22, s21, $0x38;
	[tilespmem:$0x1B880] =	vst v63  }
0x246: {  	s2 =	sadd.s32 $0x200, s1;
	s5 =	sadd.s32 $0x1000, s4  }
0x247: {  	[tilespmem:s5], [sflag:$0x1] =	stream.strided.gather [hbm4b:s2+s21], $0x400, s22, s21, $0x38;
	[tilespmem:$0x1B880] =	vst v63  }
0x248: {  	s4 =	sadd.s32 $0x1400, s4;
	s2 =	sadd.s32 $0x280, s1;
	s1 =	sadd.s32 $0x1800, s1  }
0x249: {  	[tilespmem:s4], [sflag:$0x1] =	stream.strided.gather [hbm4b:s2+s21], $0x400, s22, s21, $0x38;
	[tilespmem:$0x1B880] =	vst v63  }
0x24a: {  	s28 =	simm.s32 $0x0  }
.LBB2_48:
0x24b: {  	s0 =	sshrl.u32 s28, $0x3;
	s2 =	sshll.u32 s28, $0x7  }
0x24c: {  	s1 =	sand.u32 $0x7, s26;
	s0 =	smul.u32 $0x6000, s0;
	s30 =	sand.u32 $0x380, s2  }
0x24d: {  	s4 =	simm.s32 $0x0;
	s1 =	sshll.u32 s1, $0x9;
	v3 =	vmov s30  }
0x24e: {  	s5 =	simm.s32 $0x0;
	s1 =	sor.u32 s1, s0;
	s0 =	sshra.s32 s0, $0x2  }
0x24f: {  	s1 =	sshra.s32 s1, $0x2;
	s31 =	sadd.s32 $0x9000, s0;
	s0 =	sand.u32 $0x1C00, s4  }
0x250: {  	s29 =	sadd.s32 $0x9000, s1;
	s1 =	sand.u32 $0x40, s5;
	s0 =	sadd.s32 s0, s31  }
0x251: {  	s0 =	sadd.s32 s1, s0  }
0x252: {  	v4 =	vld.idx.msk [tilespmem:v3+s0+$0x30 ss:$0x1], $0xffff  }
0x253: {  	s6 =	simm.s32 $0x200;
	v5 =	vld.idx.msk [tilespmem:v3+s0+$0x0 ss:$0x1], $0xffff  }
0x254: {  	s18 =	simm.s32 $0x40;
	s1 =	sand.u32 $0x1C00, s6;
	v6 =	vld.idx.msk [tilespmem:v3+s0+$0x10 ss:$0x1], $0xffff  }
0x255: {  	v7 =	vld.idx.msk [tilespmem:v3+s0+$0x20 ss:$0x1], $0xffff;
	s0 =	sand.u32 $0x40, s18;
	s1 =	sadd.s32 s1, s31  }
0x256: {  	s0 =	sadd.s32 s0, s1  }
0x257: {  	v10 =	vld.idx.msk [tilespmem:v3+s0+$0x10 ss:$0x1], $0xffff;
	_ =	sdelay $0x1  }
0x258: {  	v8 =	vld.idx.msk [tilespmem:v3+s0+$0x30 ss:$0x1], $0xffff;
	v4 =	vmul.f32 $3.276800000e+04, v4;
	_ =	sdelay $0x1  }
0x259: {  	v7 =	vmul.f32 $3.276800000e+04, v7;
	v4 =	vtrunc.f32 v4  }
0x25a: {  	v10 =	vmul.f32 $3.276800000e+04, v10;
	v9 =	vcvt.f32.s32 v4  }
0x25b: {  	s19 =	simm.s32 $0x400;
	v4 =	vmul.f32 $3.276800000e+04, v5;
	v5 =	vmul.f32 $3.276800000e+04, v6;
	v6 =	vld.idx.msk [tilespmem:v3+s0+$0x0 ss:$0x1], $0xffff  }
0x25c: {  	s1 =	sand.u32 $0x1C00, s19;
	v11 =	vld.idx.msk [tilespmem:v3+s0+$0x20 ss:$0x1], $0xffff;
	v8 =	vmul.f32 $3.276800000e+04, v8;
	s0 =	simm.s32 $0x80;
	v15 =	vtrunc.f32 v10  }
0x25d: {  	s1 =	sadd.s32 s1, s31;
	s20 =	sand.u32 $0x40, s0;
	v4 =	vtrunc.f32 v4;
	v5 =	vtrunc.f32 v5  }
0x25e: {  	s1 =	sadd.s32 s20, s1;
	v14 =	vcvt.f32.s32 v4;
	v4 =	vtrunc.f32 v7  }
0x25f: {  	v5 =	vcvt.f32.s32 v5;
	v7 =	vld.idx.msk [tilespmem:v3+s1+$0x30 ss:$0x1], $0xffff;
	v4 =	vcvt.f32.s32 v4  }
0x260: {  	v10 =	vld.idx.msk [tilespmem:v3+s1+$0x20 ss:$0x1], $0xffff;
	v12 =	vmul.f32 $3.276800000e+04, v6;
	v6 =	vtrunc.f32 v8  }
0x261: {  	v11 =	vmul.f32 $3.276800000e+04, v11;
	v8 =	vld.idx.msk [tilespmem:v3+s1+$0x0 ss:$0x1], $0xffff;
	v6 =	vcvt.f32.s32 v6  }
0x262: {  	[tilespmem:v9+s23+$0x0] =	vst.idx.add.f32.msk $0xffff, v1;
	v12 =	vtrunc.f32 v12  }
0x263: {  	v9 =	vld.idx.msk [tilespmem:v3+s1+$0x10 ss:$0x1], $0xffff;
	v13 =	vcvt.f32.s32 v12;
	v12 =	vtrunc.f32 v11  }
0x264: {  	s1 =	simm.s32 $0x600;
	v11 =	vcvt.f32.s32 v15;
	v12 =	vcvt.f32.s32 v12;
	[tilespmem:v14+s23+$0x0] =	vst.idx.add.f32.msk $0xffff, v1  }
.LBB2_49:
0x265: {  	s0 =	sadd.s32 $0x40, s0;
	s2 =	sand.u32 $0x1C00, s1;
	[tilespmem:v5+s23+$0x0] =	vst.idx.add.f32.msk $0xffff, v1;
	v14 =	vmov v13  }
0x266: {  	v13 =	vmul.f32 $3.276800000e+04, v7;
	s4 =	sand.u32 $0x40, s0;
	s2 =	sadd.s32 s2, s31;
	p0 =	slt.u32 s0, $0x240;
	[tilespmem:v4+s23+$0x0] =	vst.idx.add.f32.msk $0xffff, v1;
	v5 =	vmov v11;
	v4 =	vmov v12  }
0x267: {  	v11 =	vmul.f32 $3.276800000e+04, v8;
	s2 =	sadd.s32 s4, s2;
	[tilespmem:v6+s23+$0x0] =	vst.idx.add.f32.msk $0xffff, v1  }
.Ltmp23:
0x268: {  	v12 =	vmul.f32 $3.276800000e+04, v9;
	v6 =	vtrunc.f32 v13;
	v7 =	vld.idx.msk [tilespmem:v3+s2+$0x30 ss:$0x1], $0xffff;
	(pc) =	sbr.rel @p0 .LBB2_49-.Ltmp23, $4  }
0x269: {  	v15 =	vmul.f32 $3.276800000e+04, v10;
	v6 =	vcvt.f32.s32 v6;
	v8 =	vld.idx.msk [tilespmem:v3+s2+$0x0 ss:$0x1], $0xffff  }
0x26a: {  	v11 =	vtrunc.f32 v11;
	v12 =	vtrunc.f32 v12;
	v9 =	vld.idx.msk [tilespmem:v3+s2+$0x10 ss:$0x1], $0xffff  }
0x26b: {  	v13 =	vcvt.f32.s32 v11;
	v15 =	vtrunc.f32 v15;
	v10 =	vld.idx.msk [tilespmem:v3+s2+$0x20 ss:$0x1], $0xffff  }
0x26c: {  	s1 =	sadd.s32 $0x200, s1;
	v11 =	vcvt.f32.s32 v12;
	v12 =	vcvt.f32.s32 v15;
	[tilespmem:v14+s23+$0x0] =	vst.idx.add.f32.msk $0xffff, v1  }
0x26d: {  	_ = 	snop  }
0x26e: {  	v3 =	vmul.f32 $3.276800000e+04, v7  }
0x26f: {  	v58 =	vmul.f32 $3.276800000e+04, v8;
	v59 =	vmul.f32 $3.276800000e+04, v9  }
0x270: {  	v3 =	vtrunc.f32 v3;
	v60 =	vmul.f32 $3.276800000e+04, v10  }
0x271: {  	[tilespmem:v5+s23+$0x0] =	vst.idx.add.f32.msk $0xffff, v1;
	v3 =	vcvt.f32.s32 v3;
	v61 =	vtrunc.f32 v58  }
0x272: {  	[tilespmem:v4+s23+$0x0] =	vst.idx.add.f32.msk $0xffff, v1;
	v62 =	vtrunc.f32 v59;
	v5 =	vcvt.f32.s32 v61  }
0x273: {  	[tilespmem:v6+s23+$0x0] =	vst.idx.add.f32.msk $0xffff, v1;
	v63 =	vtrunc.f32 v60;
	v4 =	vcvt.f32.s32 v62  }
0x274: {  	[tilespmem:v13+s23+$0x0] =	vst.idx.add.f32.msk $0xffff, v1;
	v6 =	vcvt.f32.s32 v63  }
0x275: {  	[tilespmem:v11+s23+$0x0] =	vst.idx.add.f32.msk $0xffff, v1  }
0x276: {  	[tilespmem:v12+s23+$0x0] =	vst.idx.add.f32.msk $0xffff, v1  }
0x277: {  	[tilespmem:v3+s23+$0x0] =	vst.idx.add.f32.msk $0xffff, v1  }
0x278: {  	[tilespmem:v5+s23+$0x0] =	vst.idx.add.f32.msk $0xffff, v1  }
0x279: {  	[tilespmem:v4+s23+$0x0] =	vst.idx.add.f32.msk $0xffff, v1  }
0x27a: {  	s0 =	sadd.s32 s30, s31;
	s1 =	simm.s32 $0x270;
	s2 =	simm.s32 $0x1400;
	[tilespmem:v6+s23+$0x0] =	vst.idx.add.f32.msk $0xffff, v1  }
.LBB2_51:
0x27b: {  	s4 =	sand.u32 $0x3FFFFC00, s2  }
0x27c: {  	s4 =	sadd.s32 s4, s29  }
0x27d: {  	v3 =	vld [tilespmem:s4+$0x0];
	_ =	sdelay $0x4  }
0x27e: {  	v3 =	vmul.f32 $3.276800000e+04, v3;
	_ =	sdelay $0x1  }
0x27f: {  	v3 =	vtrunc.f32 v3  }
0x280: {  	s1 =	sadd.s32 $0x10, s1;
	v3 =	vcvt.f32.s32 v3  }
0x281: {  	p0 =	slt.u32 s1, $0x290  }
.Ltmp24:
0x282: {  	_ = 	snop;
	(pc) =	sbr.rel @p0 .LBB2_51-.Ltmp24, $2  }
0x283: {  	_ =	sdelay $0x2  }
0x284: {  	s2 =	sadd.s32 $0x80, s2;
	s29 =	sadd.s32 $0x10, s29;
	[tilespmem:v3+s23+$0x0] =	vst.idx.add.f32.msk $0xffff, v1  }
0x285: {  	v3 =	vld [tilespmem:s0+$0x1415];
	_ =	sdelay $0x4  }
0x286: {  	v3 =	vmul.f32 $3.276800000e+04, v3;
	_ =	sdelay $0x1  }
0x287: {  	v3 =	vtrunc.f32 v3  }
0x288: {  	s28 =	sadd.s32 $0x1, s28;
	v3 =	vcvt.f32.s32 v3  }
0x289: {  	p0 =	sne.s32 s28, $0x30  }
.Ltmp25:
0x28a: {  	_ = 	snop;
	(pc) =	sbr.rel @p0 .LBB2_48-.Ltmp25, $2  }
0x28b: {  	_ =	sdelay $0x2  }
0x28c: {  	s26 =	sadd.s32 $0x1, s26;
	[tilespmem:v3+s23+$0x0] =	vst.idx.add.f32.msk vm0, v1  }
0x28d: {  	_ =	swait.ge [sflag:s3], $0x9000  }
0x28e: {  	s0 =	simm.s32 $0x9000;
	[sflag:s3] =	ssyncset.done $0x0  }
0x28f: {  	s19 =	sadd.s32 $0x80, s11;
	s1 =	simm.s32 $0x9400;
	[sflag:s3] =	ssyncadd.s32 $0xFFFF7000  }
0x290: {  	[tilespmem:s0], [sflag:$0x2] =	stream.strided.gather [hbm4b:s11+s21], $0x400, s22, s21, $0x38;
	[tilespmem:$0x1B880] =	vst v63  }
0x291: {  	s20 =	sadd.s32 $0x100, s11;
	s26 =	simm.s32 $0x9800;
	s28 =	sadd.s32 $0x180, s11  }
0x292: {  	[tilespmem:s1], [sflag:$0x2] =	stream.strided.gather [hbm4b:s19+s21], $0x400, s22, s21, $0x38;
	[tilespmem:$0x1B880] =	vst v63  }
0x293: {  	s29 =	simm.s32 $0x9C00;
	s30 =	sadd.s32 $0x200, s11;
	s31 =	simm.s32 $0xA000  }
0x294: {  	[tilespmem:s26], [sflag:$0x2] =	stream.strided.gather [hbm4b:s20+s21], $0x400, s22, s21, $0x38;
	[tilespmem:$0x1B880] =	vst v63  }
0x295: {  	s2 =	simm.s32 $0xC000;
	s4 =	sadd.s32 $0x280, s11;
	s5 =	simm.s32 $0xA400  }
0x296: {  	[tilespmem:s29], [sflag:$0x2] =	stream.strided.gather [hbm4b:s28+s21], $0x400, s22, s21, $0x38;
	[tilespmem:$0x1B880] =	vst v63  }
0x297: {  	s0 =	simm.s32 $0x1800;
	s1 =	sadd.s32 $0x1800, s11;
	s26 =	simm.s32 $0x0  }
0x298: {  	[tilespmem:s31], [sflag:$0x2] =	stream.strided.gather [hbm4b:s30+s21], $0x400, s22, s21, $0x38;
	[tilespmem:$0x1B880] =	vst v63  }
.LBB2_54:
0x299: {  	[tilespmem:s5], [sflag:$0x2] =	stream.strided.gather [hbm4b:s4+s21], $0x400, s22, s21, $0x38;
	[tilespmem:$0x1B880] =	vst v63  }
0x29a: {  	s5 =	smov.u32 s0;
	s0 =	smov.u32 s2  }
0x29b: {  	s18 =	sadd.s32 $0x6000, s2;
	s0 =	sshra.s32 s0, $0x2;
	s4 =	sadd.s32 $0x9000, s5  }
0x29c: {  	[tilespmem:s4], [sflag:$0x2] =	stream.strided.gather [hbm4b:s1+s21], $0x400, s22, s21, $0x38;
	[tilespmem:$0x1B880] =	vst v63  }
0x29d: {  	p0 =	sne.s32 s2, $0x1E000;
	s2 =	sadd.s32 $0x80, s1;
	s4 =	sadd.s32 $0x9400, s5  }
0x29e: {  	[tilespmem:s4], [sflag:$0x2] =	stream.strided.gather [hbm4b:s2+s21], $0x400, s22, s21, $0x38;
	[tilespmem:$0x1B880] =	vst v63  }
0x29f: {  	s2 =	sadd.s32 $0x100, s1;
	s4 =	sadd.s32 $0x9800, s5  }
0x2a0: {  	[tilespmem:s4], [sflag:$0x2] =	stream.strided.gather [hbm4b:s2+s21], $0x400, s22, s21, $0x38;
	[tilespmem:$0x1B880] =	vst v63  }
.Ltmp26:
0x2a1: {  	s2 =	sadd.s32 $0x180, s1;
	s4 =	sadd.s32 $0x9C00, s5;
	(pc) =	sbr.rel @p0 .LBB2_54-.Ltmp26, $4  }
0x2a2: {  	[tilespmem:s4], [sflag:$0x2] =	stream.strided.gather [hbm4b:s2+s21], $0x400, s22, s21, $0x38;
	[tilespmem:$0x1B880] =	vst v63  }
0x2a3: {  	s2 =	sadd.s32 $0x200, s1;
	s4 =	sadd.s32 $0xA000, s5;
	s5 =	sadd.s32 $0xA400, s5  }
0x2a4: {  	[tilespmem:s4], [sflag:$0x2] =	stream.strided.gather [hbm4b:s2+s21], $0x400, s22, s21, $0x38;
	[tilespmem:$0x1B880] =	vst v63  }
0x2a5: {  	s4 =	sadd.s32 $0x280, s1;
	s1 =	sadd.s32 $0x1800, s1;
	s2 =	smov.u32 s18  }
0x2a6: {  	[tilespmem:s5], [sflag:$0x2] =	stream.strided.gather [hbm4b:s4+s21], $0x400, s22, s21, $0x38;
	[tilespmem:$0x1B880] =	vst v63  }
0x2a7: {  	s2 =	sadd.s32 $0x9000, s0  }
0x2a8: {  	[tilespmem:s2], [sflag:$0x2] =	stream.strided.gather [hbm4b:s1+s21], $0x400, s22, s21, $0x38;
	[tilespmem:$0x1B880] =	vst v63  }
0x2a9: {  	s30 =	sadd.s32 $0x80, s1;
	s31 =	sadd.s32 $0x9400, s0  }
0x2aa: {  	[tilespmem:s31], [sflag:$0x2] =	stream.strided.gather [hbm4b:s30+s21], $0x400, s22, s21, $0x38;
	[tilespmem:$0x1B880] =	vst v63  }
0x2ab: {  	s5 =	sadd.s32 $0x100, s1;
	s6 =	sadd.s32 $0x9800, s0  }
0x2ac: {  	[tilespmem:s6], [sflag:$0x2] =	stream.strided.gather [hbm4b:s5+s21], $0x400, s22, s21, $0x38;
	[tilespmem:$0x1B880] =	vst v63  }
0x2ad: {  	s18 =	sadd.s32 $0x180, s1;
	s19 =	sadd.s32 $0x9C00, s0  }
0x2ae: {  	[tilespmem:s19], [sflag:$0x2] =	stream.strided.gather [hbm4b:s18+s21], $0x400, s22, s21, $0x38;
	[tilespmem:$0x1B880] =	vst v63  }
0x2af: {  	s20 =	sadd.s32 $0x200, s1;
	s29 =	sadd.s32 $0xA000, s0  }
0x2b0: {  	[tilespmem:s29], [sflag:$0x2] =	stream.strided.gather [hbm4b:s20+s21], $0x400, s22, s21, $0x38;
	[tilespmem:$0x1B880] =	vst v63  }
0x2b1: {  	s28 =	simm.s32 $0x0;
	s30 =	sadd.s32 $0x280, s1;
	s31 =	sadd.s32 $0xA400, s0  }
0x2b2: {  	[tilespmem:s31], [sflag:$0x2] =	stream.strided.gather [hbm4b:s30+s21], $0x400, s22, s21, $0x38;
	[tilespmem:$0x1B880] =	vst v63  }
.LBB2_56:
0x2b3: {  	s2 =	sshll.u32 s28, $0x7  }
0x2b4: {  	s0 =	sshrl.u32 s28, $0x3;
	s30 =	sand.u32 $0x380, s2  }
0x2b5: {  	s1 =	sand.u32 $0x7, s26;
	s0 =	smul.u32 $0x6000, s0;
	v3 =	vmov s30  }
0x2b6: {  	s4 =	simm.s32 $0x0;
	s5 =	simm.s32 $0x0;
	s1 =	sshll.u32 s1, $0x9  }
0x2b7: {  	s1 =	sor.u32 s1, s0;
	s31 =	sshra.s32 s0, $0x2;
	s0 =	sand.u32 $0x1C00, s4  }
0x2b8: {  	s29 =	sshra.s32 s1, $0x2;
	s1 =	sand.u32 $0x40, s5;
	s0 =	sadd.s32 s0, s31  }
0x2b9: {  	s0 =	sadd.s32 s1, s0  }
0x2ba: {  	v4 =	vld.idx.msk [tilespmem:v3+s0+$0x30 ss:$0x1], $0xffff  }
0x2bb: {  	s6 =	simm.s32 $0x200;
	v5 =	vld.idx.msk [tilespmem:v3+s0+$0x0 ss:$0x1], $0xffff  }
0x2bc: {  	s18 =	simm.s32 $0x40;
	s1 =	sand.u32 $0x1C00, s6;
	v6 =	vld.idx.msk [tilespmem:v3+s0+$0x10 ss:$0x1], $0xffff  }
0x2bd: {  	s1 =	sadd.s32 s1, s31;
	v7 =	vld.idx.msk [tilespmem:v3+s0+$0x20 ss:$0x1], $0xffff;
	s0 =	sand.u32 $0x40, s18  }
0x2be: {  	s0 =	sadd.s32 s0, s1  }
0x2bf: {  	v10 =	vld.idx.msk [tilespmem:v3+s0+$0x10 ss:$0x1], $0xffff;
	_ =	sdelay $0x1  }
0x2c0: {  	v8 =	vld.idx.msk [tilespmem:v3+s0+$0x30 ss:$0x1], $0xffff;
	v4 =	vmul.f32 $3.276800000e+04, v4;
	_ =	sdelay $0x1  }
0x2c1: {  	v7 =	vmul.f32 $3.276800000e+04, v7;
	v4 =	vtrunc.f32 v4  }
0x2c2: {  	v10 =	vmul.f32 $3.276800000e+04, v10;
	v9 =	vcvt.f32.s32 v4  }
0x2c3: {  	s19 =	simm.s32 $0x400;
	v4 =	vmul.f32 $3.276800000e+04, v5;
	v5 =	vmul.f32 $3.276800000e+04, v6;
	v6 =	vld.idx.msk [tilespmem:v3+s0+$0x0 ss:$0x1], $0xffff  }
0x2c4: {  	s1 =	sand.u32 $0x1C00, s19;
	v11 =	vld.idx.msk [tilespmem:v3+s0+$0x20 ss:$0x1], $0xffff;
	v8 =	vmul.f32 $3.276800000e+04, v8;
	s0 =	simm.s32 $0x80;
	v15 =	vtrunc.f32 v10  }
0x2c5: {  	s1 =	sadd.s32 s1, s31;
	s20 =	sand.u32 $0x40, s0;
	v4 =	vtrunc.f32 v4;
	v5 =	vtrunc.f32 v5  }
0x2c6: {  	s1 =	sadd.s32 s20, s1;
	v14 =	vcvt.f32.s32 v4;
	v4 =	vtrunc.f32 v7  }
0x2c7: {  	v5 =	vcvt.f32.s32 v5;
	v7 =	vld.idx.msk [tilespmem:v3+s1+$0x30 ss:$0x1], $0xffff;
	v4 =	vcvt.f32.s32 v4  }
0x2c8: {  	v10 =	vld.idx.msk [tilespmem:v3+s1+$0x20 ss:$0x1], $0xffff;
	v12 =	vmul.f32 $3.276800000e+04, v6;
	v6 =	vtrunc.f32 v8  }
0x2c9: {  	v11 =	vmul.f32 $3.276800000e+04, v11;
	v8 =	vld.idx.msk [tilespmem:v3+s1+$0x0 ss:$0x1], $0xffff;
	v6 =	vcvt.f32.s32 v6  }
0x2ca: {  	[tilespmem:v9+s23+$0x0] =	vst.idx.add.f32.msk $0xffff, v1;
	v12 =	vtrunc.f32 v12  }
0x2cb: {  	v9 =	vld.idx.msk [tilespmem:v3+s1+$0x10 ss:$0x1], $0xffff;
	v13 =	vcvt.f32.s32 v12;
	v12 =	vtrunc.f32 v11  }
0x2cc: {  	s1 =	simm.s32 $0x600;
	v11 =	vcvt.f32.s32 v15;
	v12 =	vcvt.f32.s32 v12;
	[tilespmem:v14+s23+$0x0] =	vst.idx.add.f32.msk $0xffff, v1  }
.LBB2_57:
0x2cd: {  	s0 =	sadd.s32 $0x40, s0;
	s2 =	sand.u32 $0x1C00, s1;
	[tilespmem:v5+s23+$0x0] =	vst.idx.add.f32.msk $0xffff, v1;
	v14 =	vmov v13  }
0x2ce: {  	v13 =	vmul.f32 $3.276800000e+04, v7;
	s4 =	sand.u32 $0x40, s0;
	s2 =	sadd.s32 s2, s31;
	p0 =	slt.u32 s0, $0x240;
	[tilespmem:v4+s23+$0x0] =	vst.idx.add.f32.msk $0xffff, v1;
	v5 =	vmov v11;
	v4 =	vmov v12  }
0x2cf: {  	v11 =	vmul.f32 $3.276800000e+04, v8;
	s2 =	sadd.s32 s4, s2;
	[tilespmem:v6+s23+$0x0] =	vst.idx.add.f32.msk $0xffff, v1  }
.Ltmp27:
0x2d0: {  	v12 =	vmul.f32 $3.276800000e+04, v9;
	v6 =	vtrunc.f32 v13;
	v7 =	vld.idx.msk [tilespmem:v3+s2+$0x30 ss:$0x1], $0xffff;
	(pc) =	sbr.rel @p0 .LBB2_57-.Ltmp27, $4  }
0x2d1: {  	v15 =	vmul.f32 $3.276800000e+04, v10;
	v6 =	vcvt.f32.s32 v6;
	v8 =	vld.idx.msk [tilespmem:v3+s2+$0x0 ss:$0x1], $0xffff  }
0x2d2: {  	v11 =	vtrunc.f32 v11;
	v12 =	vtrunc.f32 v12;
	v9 =	vld.idx.msk [tilespmem:v3+s2+$0x10 ss:$0x1], $0xffff  }
0x2d3: {  	v13 =	vcvt.f32.s32 v11;
	v15 =	vtrunc.f32 v15;
	v10 =	vld.idx.msk [tilespmem:v3+s2+$0x20 ss:$0x1], $0xffff  }
0x2d4: {  	s1 =	sadd.s32 $0x200, s1;
	v11 =	vcvt.f32.s32 v12;
	v12 =	vcvt.f32.s32 v15;
	[tilespmem:v14+s23+$0x0] =	vst.idx.add.f32.msk $0xffff, v1  }
0x2d5: {  	_ = 	snop  }
0x2d6: {  	v3 =	vmul.f32 $3.276800000e+04, v7  }
0x2d7: {  	v58 =	vmul.f32 $3.276800000e+04, v8;
	v59 =	vmul.f32 $3.276800000e+04, v9  }
0x2d8: {  	v3 =	vtrunc.f32 v3;
	v60 =	vmul.f32 $3.276800000e+04, v10  }
0x2d9: {  	[tilespmem:v5+s23+$0x0] =	vst.idx.add.f32.msk $0xffff, v1;
	v3 =	vcvt.f32.s32 v3;
	v61 =	vtrunc.f32 v58  }
0x2da: {  	[tilespmem:v4+s23+$0x0] =	vst.idx.add.f32.msk $0xffff, v1;
	v62 =	vtrunc.f32 v59;
	v5 =	vcvt.f32.s32 v61  }
0x2db: {  	[tilespmem:v6+s23+$0x0] =	vst.idx.add.f32.msk $0xffff, v1;
	v63 =	vtrunc.f32 v60;
	v4 =	vcvt.f32.s32 v62  }
0x2dc: {  	[tilespmem:v13+s23+$0x0] =	vst.idx.add.f32.msk $0xffff, v1;
	v6 =	vcvt.f32.s32 v63  }
0x2dd: {  	[tilespmem:v11+s23+$0x0] =	vst.idx.add.f32.msk $0xffff, v1  }
0x2de: {  	[tilespmem:v12+s23+$0x0] =	vst.idx.add.f32.msk $0xffff, v1  }
0x2df: {  	[tilespmem:v3+s23+$0x0] =	vst.idx.add.f32.msk $0xffff, v1  }
0x2e0: {  	[tilespmem:v5+s23+$0x0] =	vst.idx.add.f32.msk $0xffff, v1  }
0x2e1: {  	[tilespmem:v4+s23+$0x0] =	vst.idx.add.f32.msk $0xffff, v1  }
0x2e2: {  	s0 =	sadd.s32 s30, s31;
	s1 =	simm.s32 $0x270;
	s2 =	simm.s32 $0x1400;
	[tilespmem:v6+s23+$0x0] =	vst.idx.add.f32.msk $0xffff, v1  }
.LBB2_59:
0x2e3: {  	s4 =	sand.u32 $0x3FFFFC00, s2  }
0x2e4: {  	s4 =	sadd.s32 s4, s29  }
0x2e5: {  	v3 =	vld [tilespmem:s4+$0x0];
	_ =	sdelay $0x4  }
0x2e6: {  	v3 =	vmul.f32 $3.276800000e+04, v3;
	_ =	sdelay $0x1  }
0x2e7: {  	v3 =	vtrunc.f32 v3  }
0x2e8: {  	s1 =	sadd.s32 $0x10, s1;
	v3 =	vcvt.f32.s32 v3  }
0x2e9: {  	p0 =	slt.u32 s1, $0x290  }
.Ltmp28:
0x2ea: {  	_ = 	snop;
	(pc) =	sbr.rel @p0 .LBB2_59-.Ltmp28, $2  }
0x2eb: {  	_ =	sdelay $0x2  }
0x2ec: {  	s2 =	sadd.s32 $0x80, s2;
	s29 =	sadd.s32 $0x10, s29;
	[tilespmem:v3+s23+$0x0] =	vst.idx.add.f32.msk $0xffff, v1  }
0x2ed: {  	v3 =	vld [tilespmem:s0+$0x1415];
	_ =	sdelay $0x4  }
0x2ee: {  	v3 =	vmul.f32 $3.276800000e+04, v3;
	_ =	sdelay $0x1  }
0x2ef: {  	v3 =	vtrunc.f32 v3  }
0x2f0: {  	s28 =	sadd.s32 $0x1, s28;
	v3 =	vcvt.f32.s32 v3  }
0x2f1: {  	p0 =	sne.s32 s28, $0x30  }
.Ltmp29:
0x2f2: {  	_ = 	snop;
	(pc) =	sbr.rel @p0 .LBB2_56-.Ltmp29, $2  }
0x2f3: {  	_ =	sdelay $0x2  }
0x2f4: {  	s26 =	sadd.s32 $0x1, s26;
	[tilespmem:v3+s23+$0x0] =	vst.idx.add.f32.msk vm0, v1  }
0x2f5: {  	_ =	swait.ge [sflag:s24], $0x9000  }
0x2f6: {  	[sflag:s24] =	ssyncset.done $0x0  }
0x2f7: {  	s0 =	simm.s32 $0x0;
	s19 =	sadd.s32 $0x80, s12;
	[sflag:s24] =	ssyncadd.s32 $0xFFFF7000  }
0x2f8: {  	[tilespmem:s0], [sflag:$0x1] =	stream.strided.gather [hbm4b:s12+s21], $0x400, s22, s21, $0x38;
	[tilespmem:$0x1B880] =	vst v63  }
0x2f9: {  	s1 =	simm.s32 $0x400;
	s20 =	sadd.s32 $0x100, s12;
	s26 =	simm.s32 $0x800  }
0x2fa: {  	[tilespmem:s1], [sflag:$0x1] =	stream.strided.gather [hbm4b:s19+s21], $0x400, s22, s21, $0x38;
	[tilespmem:$0x1B880] =	vst v63  }
0x2fb: {  	s28 =	sadd.s32 $0x180, s12;
	s29 =	simm.s32 $0xC00;
	s30 =	sadd.s32 $0x200, s12  }
0x2fc: {  	[tilespmem:s26], [sflag:$0x1] =	stream.strided.gather [hbm4b:s20+s21], $0x400, s22, s21, $0x38;
	[tilespmem:$0x1B880] =	vst v63  }
0x2fd: {  	s31 =	simm.s32 $0x1000;
	s2 =	sadd.s32 $0x280, s12;
	s4 =	simm.s32 $0x1400  }
0x2fe: {  	[tilespmem:s29], [sflag:$0x1] =	stream.strided.gather [hbm4b:s28+s21], $0x400, s22, s21, $0x38;
	[tilespmem:$0x1B880] =	vst v63  }
0x2ff: {  	s0 =	simm.s32 $0x6000;
	s1 =	sadd.s32 $0x1800, s12;
	s26 =	simm.s32 $0x0  }
0x300: {  	[tilespmem:s31], [sflag:$0x1] =	stream.strided.gather [hbm4b:s30+s21], $0x400, s22, s21, $0x38;
	[tilespmem:$0x1B880] =	vst v63  }
.LBB2_62:
0x301: {  	[tilespmem:s4], [sflag:$0x1] =	stream.strided.gather [hbm4b:s2+s21], $0x400, s22, s21, $0x38;
	[tilespmem:$0x1B880] =	vst v63  }
0x302: {  	s4 =	sshra.s32 s0, $0x2;
	p0 =	sne.s32 s0, $0x1E000;
	s0 =	sadd.s32 $0x6000, s0  }
0x303: {  	[tilespmem:s4], [sflag:$0x1] =	stream.strided.gather [hbm4b:s1+s21], $0x400, s22, s21, $0x38;
	[tilespmem:$0x1B880] =	vst v63  }
0x304: {  	s2 =	sadd.s32 $0x80, s1;
	s5 =	sadd.s32 $0x400, s4  }
0x305: {  	[tilespmem:s5], [sflag:$0x1] =	stream.strided.gather [hbm4b:s2+s21], $0x400, s22, s21, $0x38;
	[tilespmem:$0x1B880] =	vst v63  }
0x306: {  	s2 =	sadd.s32 $0x100, s1;
	s5 =	sadd.s32 $0x800, s4  }
0x307: {  	[tilespmem:s5], [sflag:$0x1] =	stream.strided.gather [hbm4b:s2+s21], $0x400, s22, s21, $0x38;
	[tilespmem:$0x1B880] =	vst v63  }
.Ltmp30:
0x308: {  	s2 =	sadd.s32 $0x180, s1;
	s5 =	sadd.s32 $0xC00, s4;
	(pc) =	sbr.rel @p0 .LBB2_62-.Ltmp30, $4  }
0x309: {  	[tilespmem:s5], [sflag:$0x1] =	stream.strided.gather [hbm4b:s2+s21], $0x400, s22, s21, $0x38;
	[tilespmem:$0x1B880] =	vst v63  }
0x30a: {  	s2 =	sadd.s32 $0x200, s1;
	s5 =	sadd.s32 $0x1000, s4  }
0x30b: {  	[tilespmem:s5], [sflag:$0x1] =	stream.strided.gather [hbm4b:s2+s21], $0x400, s22, s21, $0x38;
	[tilespmem:$0x1B880] =	vst v63  }
0x30c: {  	s4 =	sadd.s32 $0x1400, s4;
	s2 =	sadd.s32 $0x280, s1;
	s1 =	sadd.s32 $0x1800, s1  }
0x30d: {  	[tilespmem:s4], [sflag:$0x1] =	stream.strided.gather [hbm4b:s2+s21], $0x400, s22, s21, $0x38;
	[tilespmem:$0x1B880] =	vst v63  }
0x30e: {  	s28 =	simm.s32 $0x0  }
.LBB2_64:
0x30f: {  	s0 =	sshrl.u32 s28, $0x3;
	s2 =	sshll.u32 s28, $0x7  }
0x310: {  	s1 =	sand.u32 $0x7, s26;
	s0 =	smul.u32 $0x6000, s0;
	s30 =	sand.u32 $0x380, s2  }
0x311: {  	s4 =	simm.s32 $0x0;
	s1 =	sshll.u32 s1, $0x9;
	v3 =	vmov s30  }
0x312: {  	s5 =	simm.s32 $0x0;
	s1 =	sor.u32 s1, s0;
	s0 =	sshra.s32 s0, $0x2  }
0x313: {  	s1 =	sshra.s32 s1, $0x2;
	s31 =	sadd.s32 $0x9000, s0;
	s0 =	sand.u32 $0x1C00, s4  }
0x314: {  	s29 =	sadd.s32 $0x9000, s1;
	s1 =	sand.u32 $0x40, s5;
	s0 =	sadd.s32 s0, s31  }
0x315: {  	s0 =	sadd.s32 s1, s0  }
0x316: {  	v4 =	vld.idx.msk [tilespmem:v3+s0+$0x30 ss:$0x1], $0xffff  }
0x317: {  	s6 =	simm.s32 $0x200;
	v5 =	vld.idx.msk [tilespmem:v3+s0+$0x0 ss:$0x1], $0xffff  }
0x318: {  	s18 =	simm.s32 $0x40;
	s1 =	sand.u32 $0x1C00, s6;
	v6 =	vld.idx.msk [tilespmem:v3+s0+$0x10 ss:$0x1], $0xffff  }
0x319: {  	v7 =	vld.idx.msk [tilespmem:v3+s0+$0x20 ss:$0x1], $0xffff;
	s0 =	sand.u32 $0x40, s18;
	s1 =	sadd.s32 s1, s31  }
0x31a: {  	s0 =	sadd.s32 s0, s1  }
0x31b: {  	v10 =	vld.idx.msk [tilespmem:v3+s0+$0x10 ss:$0x1], $0xffff;
	_ =	sdelay $0x1  }
0x31c: {  	v8 =	vld.idx.msk [tilespmem:v3+s0+$0x30 ss:$0x1], $0xffff;
	v4 =	vmul.f32 $3.276800000e+04, v4;
	_ =	sdelay $0x1  }
0x31d: {  	v7 =	vmul.f32 $3.276800000e+04, v7;
	v4 =	vtrunc.f32 v4  }
0x31e: {  	v10 =	vmul.f32 $3.276800000e+04, v10;
	v9 =	vcvt.f32.s32 v4  }
0x31f: {  	s19 =	simm.s32 $0x400;
	v4 =	vmul.f32 $3.276800000e+04, v5;
	v5 =	vmul.f32 $3.276800000e+04, v6;
	v6 =	vld.idx.msk [tilespmem:v3+s0+$0x0 ss:$0x1], $0xffff  }
0x320: {  	s1 =	sand.u32 $0x1C00, s19;
	v11 =	vld.idx.msk [tilespmem:v3+s0+$0x20 ss:$0x1], $0xffff;
	v8 =	vmul.f32 $3.276800000e+04, v8;
	s0 =	simm.s32 $0x80;
	v15 =	vtrunc.f32 v10  }
0x321: {  	s1 =	sadd.s32 s1, s31;
	s20 =	sand.u32 $0x40, s0;
	v4 =	vtrunc.f32 v4;
	v5 =	vtrunc.f32 v5  }
0x322: {  	s1 =	sadd.s32 s20, s1;
	v14 =	vcvt.f32.s32 v4;
	v4 =	vtrunc.f32 v7  }
0x323: {  	v5 =	vcvt.f32.s32 v5;
	v7 =	vld.idx.msk [tilespmem:v3+s1+$0x30 ss:$0x1], $0xffff;
	v4 =	vcvt.f32.s32 v4  }
0x324: {  	v10 =	vld.idx.msk [tilespmem:v3+s1+$0x20 ss:$0x1], $0xffff;
	v12 =	vmul.f32 $3.276800000e+04, v6;
	v6 =	vtrunc.f32 v8  }
0x325: {  	v11 =	vmul.f32 $3.276800000e+04, v11;
	v8 =	vld.idx.msk [tilespmem:v3+s1+$0x0 ss:$0x1], $0xffff;
	v6 =	vcvt.f32.s32 v6  }
0x326: {  	[tilespmem:v9+s23+$0x0] =	vst.idx.add.f32.msk $0xffff, v1;
	v12 =	vtrunc.f32 v12  }
0x327: {  	v9 =	vld.idx.msk [tilespmem:v3+s1+$0x10 ss:$0x1], $0xffff;
	v13 =	vcvt.f32.s32 v12;
	v12 =	vtrunc.f32 v11  }
0x328: {  	s1 =	simm.s32 $0x600;
	v11 =	vcvt.f32.s32 v15;
	v12 =	vcvt.f32.s32 v12;
	[tilespmem:v14+s23+$0x0] =	vst.idx.add.f32.msk $0xffff, v1  }
.LBB2_65:
0x329: {  	s0 =	sadd.s32 $0x40, s0;
	s2 =	sand.u32 $0x1C00, s1;
	[tilespmem:v5+s23+$0x0] =	vst.idx.add.f32.msk $0xffff, v1;
	v14 =	vmov v13  }
0x32a: {  	v13 =	vmul.f32 $3.276800000e+04, v7;
	s4 =	sand.u32 $0x40, s0;
	s2 =	sadd.s32 s2, s31;
	p0 =	slt.u32 s0, $0x240;
	[tilespmem:v4+s23+$0x0] =	vst.idx.add.f32.msk $0xffff, v1;
	v5 =	vmov v11;
	v4 =	vmov v12  }
0x32b: {  	v11 =	vmul.f32 $3.276800000e+04, v8;
	s2 =	sadd.s32 s4, s2;
	[tilespmem:v6+s23+$0x0] =	vst.idx.add.f32.msk $0xffff, v1  }
.Ltmp31:
0x32c: {  	v12 =	vmul.f32 $3.276800000e+04, v9;
	v6 =	vtrunc.f32 v13;
	v7 =	vld.idx.msk [tilespmem:v3+s2+$0x30 ss:$0x1], $0xffff;
	(pc) =	sbr.rel @p0 .LBB2_65-.Ltmp31, $4  }
0x32d: {  	v15 =	vmul.f32 $3.276800000e+04, v10;
	v6 =	vcvt.f32.s32 v6;
	v8 =	vld.idx.msk [tilespmem:v3+s2+$0x0 ss:$0x1], $0xffff  }
0x32e: {  	v11 =	vtrunc.f32 v11;
	v12 =	vtrunc.f32 v12;
	v9 =	vld.idx.msk [tilespmem:v3+s2+$0x10 ss:$0x1], $0xffff  }
0x32f: {  	v13 =	vcvt.f32.s32 v11;
	v15 =	vtrunc.f32 v15;
	v10 =	vld.idx.msk [tilespmem:v3+s2+$0x20 ss:$0x1], $0xffff  }
0x330: {  	s1 =	sadd.s32 $0x200, s1;
	v11 =	vcvt.f32.s32 v12;
	v12 =	vcvt.f32.s32 v15;
	[tilespmem:v14+s23+$0x0] =	vst.idx.add.f32.msk $0xffff, v1  }
0x331: {  	_ = 	snop  }
0x332: {  	v3 =	vmul.f32 $3.276800000e+04, v7  }
0x333: {  	v58 =	vmul.f32 $3.276800000e+04, v8;
	v59 =	vmul.f32 $3.276800000e+04, v9  }
0x334: {  	v3 =	vtrunc.f32 v3;
	v60 =	vmul.f32 $3.276800000e+04, v10  }
0x335: {  	[tilespmem:v5+s23+$0x0] =	vst.idx.add.f32.msk $0xffff, v1;
	v3 =	vcvt.f32.s32 v3;
	v61 =	vtrunc.f32 v58  }
0x336: {  	[tilespmem:v4+s23+$0x0] =	vst.idx.add.f32.msk $0xffff, v1;
	v62 =	vtrunc.f32 v59;
	v5 =	vcvt.f32.s32 v61  }
0x337: {  	[tilespmem:v6+s23+$0x0] =	vst.idx.add.f32.msk $0xffff, v1;
	v63 =	vtrunc.f32 v60;
	v4 =	vcvt.f32.s32 v62  }
0x338: {  	[tilespmem:v13+s23+$0x0] =	vst.idx.add.f32.msk $0xffff, v1;
	v6 =	vcvt.f32.s32 v63  }
0x339: {  	[tilespmem:v11+s23+$0x0] =	vst.idx.add.f32.msk $0xffff, v1  }
0x33a: {  	[tilespmem:v12+s23+$0x0] =	vst.idx.add.f32.msk $0xffff, v1  }
0x33b: {  	[tilespmem:v3+s23+$0x0] =	vst.idx.add.f32.msk $0xffff, v1  }
0x33c: {  	[tilespmem:v5+s23+$0x0] =	vst.idx.add.f32.msk $0xffff, v1  }
0x33d: {  	[tilespmem:v4+s23+$0x0] =	vst.idx.add.f32.msk $0xffff, v1  }
0x33e: {  	s0 =	sadd.s32 s30, s31;
	s1 =	simm.s32 $0x270;
	s2 =	simm.s32 $0x1400;
	[tilespmem:v6+s23+$0x0] =	vst.idx.add.f32.msk $0xffff, v1  }
.LBB2_67:
0x33f: {  	s4 =	sand.u32 $0x3FFFFC00, s2  }
0x340: {  	s4 =	sadd.s32 s4, s29  }
0x341: {  	v3 =	vld [tilespmem:s4+$0x0];
	_ =	sdelay $0x4  }
0x342: {  	v3 =	vmul.f32 $3.276800000e+04, v3;
	_ =	sdelay $0x1  }
0x343: {  	v3 =	vtrunc.f32 v3  }
0x344: {  	s1 =	sadd.s32 $0x10, s1;
	v3 =	vcvt.f32.s32 v3  }
0x345: {  	p0 =	slt.u32 s1, $0x290  }
.Ltmp32:
0x346: {  	_ = 	snop;
	(pc) =	sbr.rel @p0 .LBB2_67-.Ltmp32, $2  }
0x347: {  	_ =	sdelay $0x2  }
0x348: {  	s2 =	sadd.s32 $0x80, s2;
	s29 =	sadd.s32 $0x10, s29;
	[tilespmem:v3+s23+$0x0] =	vst.idx.add.f32.msk $0xffff, v1  }
0x349: {  	v3 =	vld [tilespmem:s0+$0x1415];
	_ =	sdelay $0x4  }
0x34a: {  	v3 =	vmul.f32 $3.276800000e+04, v3;
	_ =	sdelay $0x1  }
0x34b: {  	v3 =	vtrunc.f32 v3  }
0x34c: {  	s28 =	sadd.s32 $0x1, s28;
	v3 =	vcvt.f32.s32 v3  }
0x34d: {  	p0 =	sne.s32 s28, $0x30  }
.Ltmp33:
0x34e: {  	_ = 	snop;
	(pc) =	sbr.rel @p0 .LBB2_64-.Ltmp33, $2  }
0x34f: {  	_ =	sdelay $0x2  }
0x350: {  	s26 =	sadd.s32 $0x1, s26;
	[tilespmem:v3+s23+$0x0] =	vst.idx.add.f32.msk vm0, v1  }
0x351: {  	_ =	swait.ge [sflag:s3], $0x9000  }
0x352: {  	s0 =	simm.s32 $0x9000;
	[sflag:s3] =	ssyncset.done $0x0  }
0x353: {  	s19 =	sadd.s32 $0x80, s13;
	s1 =	simm.s32 $0x9400;
	[sflag:s3] =	ssyncadd.s32 $0xFFFF7000  }
0x354: {  	[tilespmem:s0], [sflag:$0x2] =	stream.strided.gather [hbm4b:s13+s21], $0x400, s22, s21, $0x38;
	[tilespmem:$0x1B880] =	vst v63  }
0x355: {  	s20 =	sadd.s32 $0x100, s13;
	s26 =	simm.s32 $0x9800;
	s28 =	sadd.s32 $0x180, s13  }
0x356: {  	[tilespmem:s1], [sflag:$0x2] =	stream.strided.gather [hbm4b:s19+s21], $0x400, s22, s21, $0x38;
	[tilespmem:$0x1B880] =	vst v63  }
0x357: {  	s29 =	simm.s32 $0x9C00;
	s30 =	sadd.s32 $0x200, s13;
	s31 =	simm.s32 $0xA000  }
0x358: {  	[tilespmem:s26], [sflag:$0x2] =	stream.strided.gather [hbm4b:s20+s21], $0x400, s22, s21, $0x38;
	[tilespmem:$0x1B880] =	vst v63  }
0x359: {  	s2 =	simm.s32 $0xC000;
	s4 =	sadd.s32 $0x280, s13;
	s5 =	simm.s32 $0xA400  }
0x35a: {  	[tilespmem:s29], [sflag:$0x2] =	stream.strided.gather [hbm4b:s28+s21], $0x400, s22, s21, $0x38;
	[tilespmem:$0x1B880] =	vst v63  }
0x35b: {  	s0 =	simm.s32 $0x1800;
	s1 =	sadd.s32 $0x1800, s13;
	s26 =	simm.s32 $0x0  }
0x35c: {  	[tilespmem:s31], [sflag:$0x2] =	stream.strided.gather [hbm4b:s30+s21], $0x400, s22, s21, $0x38;
	[tilespmem:$0x1B880] =	vst v63  }
.LBB2_70:
0x35d: {  	[tilespmem:s5], [sflag:$0x2] =	stream.strided.gather [hbm4b:s4+s21], $0x400, s22, s21, $0x38;
	[tilespmem:$0x1B880] =	vst v63  }
0x35e: {  	s5 =	smov.u32 s0;
	s0 =	smov.u32 s2  }
0x35f: {  	s18 =	sadd.s32 $0x6000, s2;
	s0 =	sshra.s32 s0, $0x2;
	s4 =	sadd.s32 $0x9000, s5  }
0x360: {  	[tilespmem:s4], [sflag:$0x2] =	stream.strided.gather [hbm4b:s1+s21], $0x400, s22, s21, $0x38;
	[tilespmem:$0x1B880] =	vst v63  }
0x361: {  	p0 =	sne.s32 s2, $0x1E000;
	s2 =	sadd.s32 $0x80, s1;
	s4 =	sadd.s32 $0x9400, s5  }
0x362: {  	[tilespmem:s4], [sflag:$0x2] =	stream.strided.gather [hbm4b:s2+s21], $0x400, s22, s21, $0x38;
	[tilespmem:$0x1B880] =	vst v63  }
0x363: {  	s2 =	sadd.s32 $0x100, s1;
	s4 =	sadd.s32 $0x9800, s5  }
0x364: {  	[tilespmem:s4], [sflag:$0x2] =	stream.strided.gather [hbm4b:s2+s21], $0x400, s22, s21, $0x38;
	[tilespmem:$0x1B880] =	vst v63  }
.Ltmp34:
0x365: {  	s2 =	sadd.s32 $0x180, s1;
	s4 =	sadd.s32 $0x9C00, s5;
	(pc) =	sbr.rel @p0 .LBB2_70-.Ltmp34, $4  }
0x366: {  	[tilespmem:s4], [sflag:$0x2] =	stream.strided.gather [hbm4b:s2+s21], $0x400, s22, s21, $0x38;
	[tilespmem:$0x1B880] =	vst v63  }
0x367: {  	s2 =	sadd.s32 $0x200, s1;
	s4 =	sadd.s32 $0xA000, s5;
	s5 =	sadd.s32 $0xA400, s5  }
0x368: {  	[tilespmem:s4], [sflag:$0x2] =	stream.strided.gather [hbm4b:s2+s21], $0x400, s22, s21, $0x38;
	[tilespmem:$0x1B880] =	vst v63  }
0x369: {  	s4 =	sadd.s32 $0x280, s1;
	s1 =	sadd.s32 $0x1800, s1;
	s2 =	smov.u32 s18  }
0x36a: {  	[tilespmem:s5], [sflag:$0x2] =	stream.strided.gather [hbm4b:s4+s21], $0x400, s22, s21, $0x38;
	[tilespmem:$0x1B880] =	vst v63  }
0x36b: {  	s2 =	sadd.s32 $0x9000, s0  }
0x36c: {  	[tilespmem:s2], [sflag:$0x2] =	stream.strided.gather [hbm4b:s1+s21], $0x400, s22, s21, $0x38;
	[tilespmem:$0x1B880] =	vst v63  }
0x36d: {  	s30 =	sadd.s32 $0x80, s1;
	s31 =	sadd.s32 $0x9400, s0  }
0x36e: {  	[tilespmem:s31], [sflag:$0x2] =	stream.strided.gather [hbm4b:s30+s21], $0x400, s22, s21, $0x38;
	[tilespmem:$0x1B880] =	vst v63  }
0x36f: {  	s5 =	sadd.s32 $0x100, s1;
	s6 =	sadd.s32 $0x9800, s0  }
0x370: {  	[tilespmem:s6], [sflag:$0x2] =	stream.strided.gather [hbm4b:s5+s21], $0x400, s22, s21, $0x38;
	[tilespmem:$0x1B880] =	vst v63  }
0x371: {  	s18 =	sadd.s32 $0x180, s1;
	s19 =	sadd.s32 $0x9C00, s0  }
0x372: {  	[tilespmem:s19], [sflag:$0x2] =	stream.strided.gather [hbm4b:s18+s21], $0x400, s22, s21, $0x38;
	[tilespmem:$0x1B880] =	vst v63  }
0x373: {  	s20 =	sadd.s32 $0x200, s1;
	s29 =	sadd.s32 $0xA000, s0  }
0x374: {  	[tilespmem:s29], [sflag:$0x2] =	stream.strided.gather [hbm4b:s20+s21], $0x400, s22, s21, $0x38;
	[tilespmem:$0x1B880] =	vst v63  }
0x375: {  	s28 =	simm.s32 $0x0;
	s30 =	sadd.s32 $0x280, s1;
	s31 =	sadd.s32 $0xA400, s0  }
0x376: {  	[tilespmem:s31], [sflag:$0x2] =	stream.strided.gather [hbm4b:s30+s21], $0x400, s22, s21, $0x38;
	[tilespmem:$0x1B880] =	vst v63  }
.LBB2_72:
0x377: {  	s2 =	sshll.u32 s28, $0x7  }
0x378: {  	s0 =	sshrl.u32 s28, $0x3;
	s30 =	sand.u32 $0x380, s2  }
0x379: {  	s1 =	sand.u32 $0x7, s26;
	s0 =	smul.u32 $0x6000, s0;
	v3 =	vmov s30  }
0x37a: {  	s4 =	simm.s32 $0x0;
	s5 =	simm.s32 $0x0;
	s1 =	sshll.u32 s1, $0x9  }
0x37b: {  	s1 =	sor.u32 s1, s0;
	s31 =	sshra.s32 s0, $0x2;
	s0 =	sand.u32 $0x1C00, s4  }
0x37c: {  	s29 =	sshra.s32 s1, $0x2;
	s1 =	sand.u32 $0x40, s5;
	s0 =	sadd.s32 s0, s31  }
0x37d: {  	s0 =	sadd.s32 s1, s0  }
0x37e: {  	v4 =	vld.idx.msk [tilespmem:v3+s0+$0x30 ss:$0x1], $0xffff  }
0x37f: {  	s6 =	simm.s32 $0x200;
	v5 =	vld.idx.msk [tilespmem:v3+s0+$0x0 ss:$0x1], $0xffff  }
0x380: {  	s18 =	simm.s32 $0x40;
	s1 =	sand.u32 $0x1C00, s6;
	v6 =	vld.idx.msk [tilespmem:v3+s0+$0x10 ss:$0x1], $0xffff  }
0x381: {  	s1 =	sadd.s32 s1, s31;
	v7 =	vld.idx.msk [tilespmem:v3+s0+$0x20 ss:$0x1], $0xffff;
	s0 =	sand.u32 $0x40, s18  }
0x382: {  	s0 =	sadd.s32 s0, s1  }
0x383: {  	v10 =	vld.idx.msk [tilespmem:v3+s0+$0x10 ss:$0x1], $0xffff;
	_ =	sdelay $0x1  }
0x384: {  	v8 =	vld.idx.msk [tilespmem:v3+s0+$0x30 ss:$0x1], $0xffff;
	v4 =	vmul.f32 $3.276800000e+04, v4;
	_ =	sdelay $0x1  }
0x385: {  	v7 =	vmul.f32 $3.276800000e+04, v7;
	v4 =	vtrunc.f32 v4  }
0x386: {  	v10 =	vmul.f32 $3.276800000e+04, v10;
	v9 =	vcvt.f32.s32 v4  }
0x387: {  	s19 =	simm.s32 $0x400;
	v4 =	vmul.f32 $3.276800000e+04, v5;
	v5 =	vmul.f32 $3.276800000e+04, v6;
	v6 =	vld.idx.msk [tilespmem:v3+s0+$0x0 ss:$0x1], $0xffff  }
0x388: {  	s1 =	sand.u32 $0x1C00, s19;
	v11 =	vld.idx.msk [tilespmem:v3+s0+$0x20 ss:$0x1], $0xffff;
	v8 =	vmul.f32 $3.276800000e+04, v8;
	s0 =	simm.s32 $0x80;
	v15 =	vtrunc.f32 v10  }
0x389: {  	s1 =	sadd.s32 s1, s31;
	s20 =	sand.u32 $0x40, s0;
	v4 =	vtrunc.f32 v4;
	v5 =	vtrunc.f32 v5  }
0x38a: {  	s1 =	sadd.s32 s20, s1;
	v14 =	vcvt.f32.s32 v4;
	v4 =	vtrunc.f32 v7  }
0x38b: {  	v5 =	vcvt.f32.s32 v5;
	v7 =	vld.idx.msk [tilespmem:v3+s1+$0x30 ss:$0x1], $0xffff;
	v4 =	vcvt.f32.s32 v4  }
0x38c: {  	v10 =	vld.idx.msk [tilespmem:v3+s1+$0x20 ss:$0x1], $0xffff;
	v12 =	vmul.f32 $3.276800000e+04, v6;
	v6 =	vtrunc.f32 v8  }
0x38d: {  	v11 =	vmul.f32 $3.276800000e+04, v11;
	v8 =	vld.idx.msk [tilespmem:v3+s1+$0x0 ss:$0x1], $0xffff;
	v6 =	vcvt.f32.s32 v6  }
0x38e: {  	[tilespmem:v9+s23+$0x0] =	vst.idx.add.f32.msk $0xffff, v1;
	v12 =	vtrunc.f32 v12  }
0x38f: {  	v9 =	vld.idx.msk [tilespmem:v3+s1+$0x10 ss:$0x1], $0xffff;
	v13 =	vcvt.f32.s32 v12;
	v12 =	vtrunc.f32 v11  }
0x390: {  	s1 =	simm.s32 $0x600;
	v11 =	vcvt.f32.s32 v15;
	v12 =	vcvt.f32.s32 v12;
	[tilespmem:v14+s23+$0x0] =	vst.idx.add.f32.msk $0xffff, v1  }
.LBB2_73:
0x391: {  	s0 =	sadd.s32 $0x40, s0;
	s2 =	sand.u32 $0x1C00, s1;
	[tilespmem:v5+s23+$0x0] =	vst.idx.add.f32.msk $0xffff, v1;
	v14 =	vmov v13  }
0x392: {  	v13 =	vmul.f32 $3.276800000e+04, v7;
	s4 =	sand.u32 $0x40, s0;
	s2 =	sadd.s32 s2, s31;
	p0 =	slt.u32 s0, $0x240;
	[tilespmem:v4+s23+$0x0] =	vst.idx.add.f32.msk $0xffff, v1;
	v5 =	vmov v11;
	v4 =	vmov v12  }
0x393: {  	v11 =	vmul.f32 $3.276800000e+04, v8;
	s2 =	sadd.s32 s4, s2;
	[tilespmem:v6+s23+$0x0] =	vst.idx.add.f32.msk $0xffff, v1  }
.Ltmp35:
0x394: {  	v12 =	vmul.f32 $3.276800000e+04, v9;
	v6 =	vtrunc.f32 v13;
	v7 =	vld.idx.msk [tilespmem:v3+s2+$0x30 ss:$0x1], $0xffff;
	(pc) =	sbr.rel @p0 .LBB2_73-.Ltmp35, $4  }
0x395: {  	v15 =	vmul.f32 $3.276800000e+04, v10;
	v6 =	vcvt.f32.s32 v6;
	v8 =	vld.idx.msk [tilespmem:v3+s2+$0x0 ss:$0x1], $0xffff  }
0x396: {  	v11 =	vtrunc.f32 v11;
	v12 =	vtrunc.f32 v12;
	v9 =	vld.idx.msk [tilespmem:v3+s2+$0x10 ss:$0x1], $0xffff  }
0x397: {  	v13 =	vcvt.f32.s32 v11;
	v15 =	vtrunc.f32 v15;
	v10 =	vld.idx.msk [tilespmem:v3+s2+$0x20 ss:$0x1], $0xffff  }
0x398: {  	s1 =	sadd.s32 $0x200, s1;
	v11 =	vcvt.f32.s32 v12;
	v12 =	vcvt.f32.s32 v15;
	[tilespmem:v14+s23+$0x0] =	vst.idx.add.f32.msk $0xffff, v1  }
0x399: {  	_ = 	snop  }
0x39a: {  	v3 =	vmul.f32 $3.276800000e+04, v7  }
0x39b: {  	v58 =	vmul.f32 $3.276800000e+04, v8;
	v59 =	vmul.f32 $3.276800000e+04, v9  }
0x39c: {  	v3 =	vtrunc.f32 v3;
	v60 =	vmul.f32 $3.276800000e+04, v10  }
0x39d: {  	[tilespmem:v5+s23+$0x0] =	vst.idx.add.f32.msk $0xffff, v1;
	v3 =	vcvt.f32.s32 v3;
	v61 =	vtrunc.f32 v58  }
0x39e: {  	[tilespmem:v4+s23+$0x0] =	vst.idx.add.f32.msk $0xffff, v1;
	v62 =	vtrunc.f32 v59;
	v5 =	vcvt.f32.s32 v61  }
0x39f: {  	[tilespmem:v6+s23+$0x0] =	vst.idx.add.f32.msk $0xffff, v1;
	v63 =	vtrunc.f32 v60;
	v4 =	vcvt.f32.s32 v62  }
0x3a0: {  	[tilespmem:v13+s23+$0x0] =	vst.idx.add.f32.msk $0xffff, v1;
	v6 =	vcvt.f32.s32 v63  }
0x3a1: {  	[tilespmem:v11+s23+$0x0] =	vst.idx.add.f32.msk $0xffff, v1  }
0x3a2: {  	[tilespmem:v12+s23+$0x0] =	vst.idx.add.f32.msk $0xffff, v1  }
0x3a3: {  	[tilespmem:v3+s23+$0x0] =	vst.idx.add.f32.msk $0xffff, v1  }
0x3a4: {  	[tilespmem:v5+s23+$0x0] =	vst.idx.add.f32.msk $0xffff, v1  }
0x3a5: {  	[tilespmem:v4+s23+$0x0] =	vst.idx.add.f32.msk $0xffff, v1  }
0x3a6: {  	s0 =	sadd.s32 s30, s31;
	s1 =	simm.s32 $0x270;
	s2 =	simm.s32 $0x1400;
	[tilespmem:v6+s23+$0x0] =	vst.idx.add.f32.msk $0xffff, v1  }
.LBB2_75:
0x3a7: {  	s4 =	sand.u32 $0x3FFFFC00, s2  }
0x3a8: {  	s4 =	sadd.s32 s4, s29  }
0x3a9: {  	v3 =	vld [tilespmem:s4+$0x0];
	_ =	sdelay $0x4  }
0x3aa: {  	v3 =	vmul.f32 $3.276800000e+04, v3;
	_ =	sdelay $0x1  }
0x3ab: {  	v3 =	vtrunc.f32 v3  }
0x3ac: {  	s1 =	sadd.s32 $0x10, s1;
	v3 =	vcvt.f32.s32 v3  }
0x3ad: {  	p0 =	slt.u32 s1, $0x290  }
.Ltmp36:
0x3ae: {  	_ = 	snop;
	(pc) =	sbr.rel @p0 .LBB2_75-.Ltmp36, $2  }
0x3af: {  	_ =	sdelay $0x2  }
0x3b0: {  	s2 =	sadd.s32 $0x80, s2;
	s29 =	sadd.s32 $0x10, s29;
	[tilespmem:v3+s23+$0x0] =	vst.idx.add.f32.msk $0xffff, v1  }
0x3b1: {  	v3 =	vld [tilespmem:s0+$0x1415];
	_ =	sdelay $0x4  }
0x3b2: {  	v3 =	vmul.f32 $3.276800000e+04, v3;
	_ =	sdelay $0x1  }
0x3b3: {  	v3 =	vtrunc.f32 v3  }
0x3b4: {  	s28 =	sadd.s32 $0x1, s28;
	v3 =	vcvt.f32.s32 v3  }
0x3b5: {  	p0 =	sne.s32 s28, $0x30  }
.Ltmp37:
0x3b6: {  	_ = 	snop;
	(pc) =	sbr.rel @p0 .LBB2_72-.Ltmp37, $2  }
0x3b7: {  	_ =	sdelay $0x2  }
0x3b8: {  	s26 =	sadd.s32 $0x1, s26;
	[tilespmem:v3+s23+$0x0] =	vst.idx.add.f32.msk vm0, v1  }
0x3b9: {  	_ =	swait.ge [sflag:s24], $0x9000  }
0x3ba: {  	[sflag:s24] =	ssyncset.done $0x0  }
0x3bb: {  	s0 =	simm.s32 $0x0;
	s19 =	sadd.s32 $0x80, s14;
	[sflag:s24] =	ssyncadd.s32 $0xFFFF7000  }
0x3bc: {  	[tilespmem:s0], [sflag:$0x1] =	stream.strided.gather [hbm4b:s14+s21], $0x400, s22, s21, $0x38;
	[tilespmem:$0x1B880] =	vst v63  }
0x3bd: {  	s1 =	simm.s32 $0x400;
	s20 =	sadd.s32 $0x100, s14;
	s26 =	simm.s32 $0x800  }
0x3be: {  	[tilespmem:s1], [sflag:$0x1] =	stream.strided.gather [hbm4b:s19+s21], $0x400, s22, s21, $0x38;
	[tilespmem:$0x1B880] =	vst v63  }
0x3bf: {  	s28 =	sadd.s32 $0x180, s14;
	s29 =	simm.s32 $0xC00;
	s30 =	sadd.s32 $0x200, s14  }
0x3c0: {  	[tilespmem:s26], [sflag:$0x1] =	stream.strided.gather [hbm4b:s20+s21], $0x400, s22, s21, $0x38;
	[tilespmem:$0x1B880] =	vst v63  }
0x3c1: {  	s31 =	simm.s32 $0x1000;
	s2 =	sadd.s32 $0x280, s14;
	s4 =	simm.s32 $0x1400  }
0x3c2: {  	[tilespmem:s29], [sflag:$0x1] =	stream.strided.gather [hbm4b:s28+s21], $0x400, s22, s21, $0x38;
	[tilespmem:$0x1B880] =	vst v63  }
0x3c3: {  	s0 =	simm.s32 $0x6000;
	s1 =	sadd.s32 $0x1800, s14;
	s26 =	simm.s32 $0x0  }
0x3c4: {  	[tilespmem:s31], [sflag:$0x1] =	stream.strided.gather [hbm4b:s30+s21], $0x400, s22, s21, $0x38;
	[tilespmem:$0x1B880] =	vst v63  }
.LBB2_78:
0x3c5: {  	[tilespmem:s4], [sflag:$0x1] =	stream.strided.gather [hbm4b:s2+s21], $0x400, s22, s21, $0x38;
	[tilespmem:$0x1B880] =	vst v63  }
0x3c6: {  	s4 =	sshra.s32 s0, $0x2;
	p0 =	sne.s32 s0, $0x1E000;
	s0 =	sadd.s32 $0x6000, s0  }
0x3c7: {  	[tilespmem:s4], [sflag:$0x1] =	stream.strided.gather [hbm4b:s1+s21], $0x400, s22, s21, $0x38;
	[tilespmem:$0x1B880] =	vst v63  }
0x3c8: {  	s2 =	sadd.s32 $0x80, s1;
	s5 =	sadd.s32 $0x400, s4  }
0x3c9: {  	[tilespmem:s5], [sflag:$0x1] =	stream.strided.gather [hbm4b:s2+s21], $0x400, s22, s21, $0x38;
	[tilespmem:$0x1B880] =	vst v63  }
0x3ca: {  	s2 =	sadd.s32 $0x100, s1;
	s5 =	sadd.s32 $0x800, s4  }
0x3cb: {  	[tilespmem:s5], [sflag:$0x1] =	stream.strided.gather [hbm4b:s2+s21], $0x400, s22, s21, $0x38;
	[tilespmem:$0x1B880] =	vst v63  }
.Ltmp38:
0x3cc: {  	s2 =	sadd.s32 $0x180, s1;
	s5 =	sadd.s32 $0xC00, s4;
	(pc) =	sbr.rel @p0 .LBB2_78-.Ltmp38, $4  }
0x3cd: {  	[tilespmem:s5], [sflag:$0x1] =	stream.strided.gather [hbm4b:s2+s21], $0x400, s22, s21, $0x38;
	[tilespmem:$0x1B880] =	vst v63  }
0x3ce: {  	s2 =	sadd.s32 $0x200, s1;
	s5 =	sadd.s32 $0x1000, s4  }
0x3cf: {  	[tilespmem:s5], [sflag:$0x1] =	stream.strided.gather [hbm4b:s2+s21], $0x400, s22, s21, $0x38;
	[tilespmem:$0x1B880] =	vst v63  }
0x3d0: {  	s4 =	sadd.s32 $0x1400, s4;
	s2 =	sadd.s32 $0x280, s1;
	s1 =	sadd.s32 $0x1800, s1  }
0x3d1: {  	[tilespmem:s4], [sflag:$0x1] =	stream.strided.gather [hbm4b:s2+s21], $0x400, s22, s21, $0x38;
	[tilespmem:$0x1B880] =	vst v63  }
0x3d2: {  	s28 =	simm.s32 $0x0  }
.LBB2_80:
0x3d3: {  	s0 =	sshrl.u32 s28, $0x3;
	s2 =	sshll.u32 s28, $0x7  }
0x3d4: {  	s1 =	sand.u32 $0x7, s26;
	s0 =	smul.u32 $0x6000, s0;
	s30 =	sand.u32 $0x380, s2  }
0x3d5: {  	s4 =	simm.s32 $0x0;
	s1 =	sshll.u32 s1, $0x9;
	v3 =	vmov s30  }
0x3d6: {  	s5 =	simm.s32 $0x0;
	s1 =	sor.u32 s1, s0;
	s0 =	sshra.s32 s0, $0x2  }
0x3d7: {  	s1 =	sshra.s32 s1, $0x2;
	s31 =	sadd.s32 $0x9000, s0;
	s0 =	sand.u32 $0x1C00, s4  }
0x3d8: {  	s29 =	sadd.s32 $0x9000, s1;
	s1 =	sand.u32 $0x40, s5;
	s0 =	sadd.s32 s0, s31  }
0x3d9: {  	s0 =	sadd.s32 s1, s0  }
0x3da: {  	v4 =	vld.idx.msk [tilespmem:v3+s0+$0x30 ss:$0x1], $0xffff  }
0x3db: {  	s6 =	simm.s32 $0x200;
	v5 =	vld.idx.msk [tilespmem:v3+s0+$0x0 ss:$0x1], $0xffff  }
0x3dc: {  	s18 =	simm.s32 $0x40;
	s1 =	sand.u32 $0x1C00, s6;
	v6 =	vld.idx.msk [tilespmem:v3+s0+$0x10 ss:$0x1], $0xffff  }
0x3dd: {  	v7 =	vld.idx.msk [tilespmem:v3+s0+$0x20 ss:$0x1], $0xffff;
	s0 =	sand.u32 $0x40, s18;
	s1 =	sadd.s32 s1, s31  }
0x3de: {  	s0 =	sadd.s32 s0, s1  }
0x3df: {  	v10 =	vld.idx.msk [tilespmem:v3+s0+$0x10 ss:$0x1], $0xffff;
	_ =	sdelay $0x1  }
0x3e0: {  	v8 =	vld.idx.msk [tilespmem:v3+s0+$0x30 ss:$0x1], $0xffff;
	v4 =	vmul.f32 $3.276800000e+04, v4;
	_ =	sdelay $0x1  }
0x3e1: {  	v7 =	vmul.f32 $3.276800000e+04, v7;
	v4 =	vtrunc.f32 v4  }
0x3e2: {  	v10 =	vmul.f32 $3.276800000e+04, v10;
	v9 =	vcvt.f32.s32 v4  }
0x3e3: {  	s19 =	simm.s32 $0x400;
	v4 =	vmul.f32 $3.276800000e+04, v5;
	v5 =	vmul.f32 $3.276800000e+04, v6;
	v6 =	vld.idx.msk [tilespmem:v3+s0+$0x0 ss:$0x1], $0xffff  }
0x3e4: {  	s1 =	sand.u32 $0x1C00, s19;
	v11 =	vld.idx.msk [tilespmem:v3+s0+$0x20 ss:$0x1], $0xffff;
	v8 =	vmul.f32 $3.276800000e+04, v8;
	s0 =	simm.s32 $0x80;
	v15 =	vtrunc.f32 v10  }
0x3e5: {  	s1 =	sadd.s32 s1, s31;
	s20 =	sand.u32 $0x40, s0;
	v4 =	vtrunc.f32 v4;
	v5 =	vtrunc.f32 v5  }
0x3e6: {  	s1 =	sadd.s32 s20, s1;
	v14 =	vcvt.f32.s32 v4;
	v4 =	vtrunc.f32 v7  }
0x3e7: {  	v5 =	vcvt.f32.s32 v5;
	v7 =	vld.idx.msk [tilespmem:v3+s1+$0x30 ss:$0x1], $0xffff;
	v4 =	vcvt.f32.s32 v4  }
0x3e8: {  	v10 =	vld.idx.msk [tilespmem:v3+s1+$0x20 ss:$0x1], $0xffff;
	v12 =	vmul.f32 $3.276800000e+04, v6;
	v6 =	vtrunc.f32 v8  }
0x3e9: {  	v11 =	vmul.f32 $3.276800000e+04, v11;
	v8 =	vld.idx.msk [tilespmem:v3+s1+$0x0 ss:$0x1], $0xffff;
	v6 =	vcvt.f32.s32 v6  }
0x3ea: {  	[tilespmem:v9+s23+$0x0] =	vst.idx.add.f32.msk $0xffff, v1;
	v12 =	vtrunc.f32 v12  }
0x3eb: {  	v9 =	vld.idx.msk [tilespmem:v3+s1+$0x10 ss:$0x1], $0xffff;
	v13 =	vcvt.f32.s32 v12;
	v12 =	vtrunc.f32 v11  }
0x3ec: {  	s1 =	simm.s32 $0x600;
	v11 =	vcvt.f32.s32 v15;
	v12 =	vcvt.f32.s32 v12;
	[tilespmem:v14+s23+$0x0] =	vst.idx.add.f32.msk $0xffff, v1  }
.LBB2_81:
0x3ed: {  	s0 =	sadd.s32 $0x40, s0;
	s2 =	sand.u32 $0x1C00, s1;
	[tilespmem:v5+s23+$0x0] =	vst.idx.add.f32.msk $0xffff, v1;
	v14 =	vmov v13  }
0x3ee: {  	v13 =	vmul.f32 $3.276800000e+04, v7;
	s4 =	sand.u32 $0x40, s0;
	s2 =	sadd.s32 s2, s31;
	p0 =	slt.u32 s0, $0x240;
	[tilespmem:v4+s23+$0x0] =	vst.idx.add.f32.msk $0xffff, v1;
	v5 =	vmov v11;
	v4 =	vmov v12  }
0x3ef: {  	v11 =	vmul.f32 $3.276800000e+04, v8;
	s2 =	sadd.s32 s4, s2;
	[tilespmem:v6+s23+$0x0] =	vst.idx.add.f32.msk $0xffff, v1  }
.Ltmp39:
0x3f0: {  	v12 =	vmul.f32 $3.276800000e+04, v9;
	v6 =	vtrunc.f32 v13;
	v7 =	vld.idx.msk [tilespmem:v3+s2+$0x30 ss:$0x1], $0xffff;
	(pc) =	sbr.rel @p0 .LBB2_81-.Ltmp39, $4  }
0x3f1: {  	v15 =	vmul.f32 $3.276800000e+04, v10;
	v6 =	vcvt.f32.s32 v6;
	v8 =	vld.idx.msk [tilespmem:v3+s2+$0x0 ss:$0x1], $0xffff  }
0x3f2: {  	v11 =	vtrunc.f32 v11;
	v12 =	vtrunc.f32 v12;
	v9 =	vld.idx.msk [tilespmem:v3+s2+$0x10 ss:$0x1], $0xffff  }
0x3f3: {  	v13 =	vcvt.f32.s32 v11;
	v15 =	vtrunc.f32 v15;
	v10 =	vld.idx.msk [tilespmem:v3+s2+$0x20 ss:$0x1], $0xffff  }
0x3f4: {  	s1 =	sadd.s32 $0x200, s1;
	v11 =	vcvt.f32.s32 v12;
	v12 =	vcvt.f32.s32 v15;
	[tilespmem:v14+s23+$0x0] =	vst.idx.add.f32.msk $0xffff, v1  }
0x3f5: {  	_ = 	snop  }
0x3f6: {  	v3 =	vmul.f32 $3.276800000e+04, v7  }
0x3f7: {  	v58 =	vmul.f32 $3.276800000e+04, v8;
	v59 =	vmul.f32 $3.276800000e+04, v9  }
0x3f8: {  	v3 =	vtrunc.f32 v3;
	v60 =	vmul.f32 $3.276800000e+04, v10  }
0x3f9: {  	[tilespmem:v5+s23+$0x0] =	vst.idx.add.f32.msk $0xffff, v1;
	v3 =	vcvt.f32.s32 v3;
	v61 =	vtrunc.f32 v58  }
0x3fa: {  	[tilespmem:v4+s23+$0x0] =	vst.idx.add.f32.msk $0xffff, v1;
	v62 =	vtrunc.f32 v59;
	v5 =	vcvt.f32.s32 v61  }
0x3fb: {  	[tilespmem:v6+s23+$0x0] =	vst.idx.add.f32.msk $0xffff, v1;
	v63 =	vtrunc.f32 v60;
	v4 =	vcvt.f32.s32 v62  }
0x3fc: {  	[tilespmem:v13+s23+$0x0] =	vst.idx.add.f32.msk $0xffff, v1;
	v6 =	vcvt.f32.s32 v63  }
0x3fd: {  	[tilespmem:v11+s23+$0x0] =	vst.idx.add.f32.msk $0xffff, v1  }
0x3fe: {  	[tilespmem:v12+s23+$0x0] =	vst.idx.add.f32.msk $0xffff, v1  }
0x3ff: {  	[tilespmem:v3+s23+$0x0] =	vst.idx.add.f32.msk $0xffff, v1  }
0x400: {  	[tilespmem:v5+s23+$0x0] =	vst.idx.add.f32.msk $0xffff, v1  }
0x401: {  	[tilespmem:v4+s23+$0x0] =	vst.idx.add.f32.msk $0xffff, v1  }
0x402: {  	s0 =	sadd.s32 s30, s31;
	s1 =	simm.s32 $0x270;
	s2 =	simm.s32 $0x1400;
	[tilespmem:v6+s23+$0x0] =	vst.idx.add.f32.msk $0xffff, v1  }
.LBB2_83:
0x403: {  	s4 =	sand.u32 $0x3FFFFC00, s2  }
0x404: {  	s4 =	sadd.s32 s4, s29  }
0x405: {  	v3 =	vld [tilespmem:s4+$0x0];
	_ =	sdelay $0x4  }
0x406: {  	v3 =	vmul.f32 $3.276800000e+04, v3;
	_ =	sdelay $0x1  }
0x407: {  	v3 =	vtrunc.f32 v3  }
0x408: {  	s1 =	sadd.s32 $0x10, s1;
	v3 =	vcvt.f32.s32 v3  }
0x409: {  	p0 =	slt.u32 s1, $0x290  }
.Ltmp40:
0x40a: {  	_ = 	snop;
	(pc) =	sbr.rel @p0 .LBB2_83-.Ltmp40, $2  }
0x40b: {  	_ =	sdelay $0x2  }
0x40c: {  	s2 =	sadd.s32 $0x80, s2;
	s29 =	sadd.s32 $0x10, s29;
	[tilespmem:v3+s23+$0x0] =	vst.idx.add.f32.msk $0xffff, v1  }
0x40d: {  	v3 =	vld [tilespmem:s0+$0x1415];
	_ =	sdelay $0x4  }
0x40e: {  	v3 =	vmul.f32 $3.276800000e+04, v3;
	_ =	sdelay $0x1  }
0x40f: {  	v3 =	vtrunc.f32 v3  }
0x410: {  	s28 =	sadd.s32 $0x1, s28;
	v3 =	vcvt.f32.s32 v3  }
0x411: {  	p0 =	sne.s32 s28, $0x30  }
.Ltmp41:
0x412: {  	_ = 	snop;
	(pc) =	sbr.rel @p0 .LBB2_80-.Ltmp41, $2  }
0x413: {  	_ =	sdelay $0x2  }
0x414: {  	s26 =	sadd.s32 $0x1, s26;
	[tilespmem:v3+s23+$0x0] =	vst.idx.add.f32.msk vm0, v1  }
0x415: {  	_ =	swait.ge [sflag:s3], $0x9000  }
0x416: {  	s0 =	simm.s32 $0x9000;
	[sflag:s3] =	ssyncset.done $0x0  }
0x417: {  	s19 =	sadd.s32 $0x80, s15;
	s1 =	simm.s32 $0x9400;
	[sflag:s3] =	ssyncadd.s32 $0xFFFF7000  }
0x418: {  	[tilespmem:s0], [sflag:$0x2] =	stream.strided.gather [hbm4b:s15+s21], $0x400, s22, s21, $0x38;
	[tilespmem:$0x1B880] =	vst v63  }
0x419: {  	s20 =	sadd.s32 $0x100, s15;
	s26 =	simm.s32 $0x9800;
	s28 =	sadd.s32 $0x180, s15  }
0x41a: {  	[tilespmem:s1], [sflag:$0x2] =	stream.strided.gather [hbm4b:s19+s21], $0x400, s22, s21, $0x38;
	[tilespmem:$0x1B880] =	vst v63  }
0x41b: {  	s29 =	simm.s32 $0x9C00;
	s30 =	sadd.s32 $0x200, s15;
	s31 =	simm.s32 $0xA000  }
0x41c: {  	[tilespmem:s26], [sflag:$0x2] =	stream.strided.gather [hbm4b:s20+s21], $0x400, s22, s21, $0x38;
	[tilespmem:$0x1B880] =	vst v63  }
0x41d: {  	s2 =	simm.s32 $0xC000;
	s4 =	sadd.s32 $0x280, s15;
	s5 =	simm.s32 $0xA400  }
0x41e: {  	[tilespmem:s29], [sflag:$0x2] =	stream.strided.gather [hbm4b:s28+s21], $0x400, s22, s21, $0x38;
	[tilespmem:$0x1B880] =	vst v63  }
0x41f: {  	s0 =	simm.s32 $0x1800;
	s1 =	sadd.s32 $0x1800, s15;
	s26 =	simm.s32 $0x0  }
0x420: {  	[tilespmem:s31], [sflag:$0x2] =	stream.strided.gather [hbm4b:s30+s21], $0x400, s22, s21, $0x38;
	[tilespmem:$0x1B880] =	vst v63  }
.LBB2_86:
0x421: {  	[tilespmem:s5], [sflag:$0x2] =	stream.strided.gather [hbm4b:s4+s21], $0x400, s22, s21, $0x38;
	[tilespmem:$0x1B880] =	vst v63  }
0x422: {  	s5 =	smov.u32 s0;
	s0 =	smov.u32 s2  }
0x423: {  	s18 =	sadd.s32 $0x6000, s2;
	s0 =	sshra.s32 s0, $0x2;
	s4 =	sadd.s32 $0x9000, s5  }
0x424: {  	[tilespmem:s4], [sflag:$0x2] =	stream.strided.gather [hbm4b:s1+s21], $0x400, s22, s21, $0x38;
	[tilespmem:$0x1B880] =	vst v63  }
0x425: {  	p0 =	sne.s32 s2, $0x1E000;
	s2 =	sadd.s32 $0x80, s1;
	s4 =	sadd.s32 $0x9400, s5  }
0x426: {  	[tilespmem:s4], [sflag:$0x2] =	stream.strided.gather [hbm4b:s2+s21], $0x400, s22, s21, $0x38;
	[tilespmem:$0x1B880] =	vst v63  }
0x427: {  	s2 =	sadd.s32 $0x100, s1;
	s4 =	sadd.s32 $0x9800, s5  }
0x428: {  	[tilespmem:s4], [sflag:$0x2] =	stream.strided.gather [hbm4b:s2+s21], $0x400, s22, s21, $0x38;
	[tilespmem:$0x1B880] =	vst v63  }
.Ltmp42:
0x429: {  	s2 =	sadd.s32 $0x180, s1;
	s4 =	sadd.s32 $0x9C00, s5;
	(pc) =	sbr.rel @p0 .LBB2_86-.Ltmp42, $4  }
0x42a: {  	[tilespmem:s4], [sflag:$0x2] =	stream.strided.gather [hbm4b:s2+s21], $0x400, s22, s21, $0x38;
	[tilespmem:$0x1B880] =	vst v63  }
0x42b: {  	s2 =	sadd.s32 $0x200, s1;
	s4 =	sadd.s32 $0xA000, s5;
	s5 =	sadd.s32 $0xA400, s5  }
0x42c: {  	[tilespmem:s4], [sflag:$0x2] =	stream.strided.gather [hbm4b:s2+s21], $0x400, s22, s21, $0x38;
	[tilespmem:$0x1B880] =	vst v63  }
0x42d: {  	s4 =	sadd.s32 $0x280, s1;
	s1 =	sadd.s32 $0x1800, s1;
	s2 =	smov.u32 s18  }
0x42e: {  	[tilespmem:s5], [sflag:$0x2] =	stream.strided.gather [hbm4b:s4+s21], $0x400, s22, s21, $0x38;
	[tilespmem:$0x1B880] =	vst v63  }
0x42f: {  	s2 =	sadd.s32 $0x9000, s0  }
0x430: {  	[tilespmem:s2], [sflag:$0x2] =	stream.strided.gather [hbm4b:s1+s21], $0x400, s22, s21, $0x38;
	[tilespmem:$0x1B880] =	vst v63  }
0x431: {  	s30 =	sadd.s32 $0x80, s1;
	s31 =	sadd.s32 $0x9400, s0  }
0x432: {  	[tilespmem:s31], [sflag:$0x2] =	stream.strided.gather [hbm4b:s30+s21], $0x400, s22, s21, $0x38;
	[tilespmem:$0x1B880] =	vst v63  }
0x433: {  	s5 =	sadd.s32 $0x100, s1;
	s6 =	sadd.s32 $0x9800, s0  }
0x434: {  	[tilespmem:s6], [sflag:$0x2] =	stream.strided.gather [hbm4b:s5+s21], $0x400, s22, s21, $0x38;
	[tilespmem:$0x1B880] =	vst v63  }
0x435: {  	s18 =	sadd.s32 $0x180, s1;
	s19 =	sadd.s32 $0x9C00, s0  }
0x436: {  	[tilespmem:s19], [sflag:$0x2] =	stream.strided.gather [hbm4b:s18+s21], $0x400, s22, s21, $0x38;
	[tilespmem:$0x1B880] =	vst v63  }
0x437: {  	s20 =	sadd.s32 $0x200, s1;
	s29 =	sadd.s32 $0xA000, s0  }
0x438: {  	[tilespmem:s29], [sflag:$0x2] =	stream.strided.gather [hbm4b:s20+s21], $0x400, s22, s21, $0x38;
	[tilespmem:$0x1B880] =	vst v63  }
0x439: {  	s28 =	simm.s32 $0x0;
	s30 =	sadd.s32 $0x280, s1;
	s31 =	sadd.s32 $0xA400, s0  }
0x43a: {  	[tilespmem:s31], [sflag:$0x2] =	stream.strided.gather [hbm4b:s30+s21], $0x400, s22, s21, $0x38;
	[tilespmem:$0x1B880] =	vst v63  }
.LBB2_88:
0x43b: {  	s2 =	sshll.u32 s28, $0x7  }
0x43c: {  	s0 =	sshrl.u32 s28, $0x3;
	s30 =	sand.u32 $0x380, s2  }
0x43d: {  	s1 =	sand.u32 $0x7, s26;
	s0 =	smul.u32 $0x6000, s0;
	v3 =	vmov s30  }
0x43e: {  	s4 =	simm.s32 $0x0;
	s5 =	simm.s32 $0x0;
	s1 =	sshll.u32 s1, $0x9  }
0x43f: {  	s1 =	sor.u32 s1, s0;
	s31 =	sshra.s32 s0, $0x2;
	s0 =	sand.u32 $0x1C00, s4  }
0x440: {  	s29 =	sshra.s32 s1, $0x2;
	s1 =	sand.u32 $0x40, s5;
	s0 =	sadd.s32 s0, s31  }
0x441: {  	s0 =	sadd.s32 s1, s0  }
0x442: {  	v4 =	vld.idx.msk [tilespmem:v3+s0+$0x30 ss:$0x1], $0xffff  }
0x443: {  	s6 =	simm.s32 $0x200;
	v5 =	vld.idx.msk [tilespmem:v3+s0+$0x0 ss:$0x1], $0xffff  }
0x444: {  	s18 =	simm.s32 $0x40;
	s1 =	sand.u32 $0x1C00, s6;
	v6 =	vld.idx.msk [tilespmem:v3+s0+$0x10 ss:$0x1], $0xffff  }
0x445: {  	s1 =	sadd.s32 s1, s31;
	v7 =	vld.idx.msk [tilespmem:v3+s0+$0x20 ss:$0x1], $0xffff;
	s0 =	sand.u32 $0x40, s18  }
0x446: {  	s0 =	sadd.s32 s0, s1  }
0x447: {  	v10 =	vld.idx.msk [tilespmem:v3+s0+$0x10 ss:$0x1], $0xffff;
	_ =	sdelay $0x1  }
0x448: {  	v8 =	vld.idx.msk [tilespmem:v3+s0+$0x30 ss:$0x1], $0xffff;
	v4 =	vmul.f32 $3.276800000e+04, v4;
	_ =	sdelay $0x1  }
0x449: {  	v7 =	vmul.f32 $3.276800000e+04, v7;
	v4 =	vtrunc.f32 v4  }
0x44a: {  	v10 =	vmul.f32 $3.276800000e+04, v10;
	v9 =	vcvt.f32.s32 v4  }
0x44b: {  	s19 =	simm.s32 $0x400;
	v4 =	vmul.f32 $3.276800000e+04, v5;
	v5 =	vmul.f32 $3.276800000e+04, v6;
	v6 =	vld.idx.msk [tilespmem:v3+s0+$0x0 ss:$0x1], $0xffff  }
0x44c: {  	s1 =	sand.u32 $0x1C00, s19;
	v11 =	vld.idx.msk [tilespmem:v3+s0+$0x20 ss:$0x1], $0xffff;
	v8 =	vmul.f32 $3.276800000e+04, v8;
	s0 =	simm.s32 $0x80;
	v15 =	vtrunc.f32 v10  }
0x44d: {  	s1 =	sadd.s32 s1, s31;
	s20 =	sand.u32 $0x40, s0;
	v4 =	vtrunc.f32 v4;
	v5 =	vtrunc.f32 v5  }
0x44e: {  	s1 =	sadd.s32 s20, s1;
	v14 =	vcvt.f32.s32 v4;
	v4 =	vtrunc.f32 v7  }
0x44f: {  	v5 =	vcvt.f32.s32 v5;
	v7 =	vld.idx.msk [tilespmem:v3+s1+$0x30 ss:$0x1], $0xffff;
	v4 =	vcvt.f32.s32 v4  }
0x450: {  	v10 =	vld.idx.msk [tilespmem:v3+s1+$0x20 ss:$0x1], $0xffff;
	v12 =	vmul.f32 $3.276800000e+04, v6;
	v6 =	vtrunc.f32 v8  }
0x451: {  	v11 =	vmul.f32 $3.276800000e+04, v11;
	v8 =	vld.idx.msk [tilespmem:v3+s1+$0x0 ss:$0x1], $0xffff;
	v6 =	vcvt.f32.s32 v6  }
0x452: {  	[tilespmem:v9+s23+$0x0] =	vst.idx.add.f32.msk $0xffff, v1;
	v12 =	vtrunc.f32 v12  }
0x453: {  	v9 =	vld.idx.msk [tilespmem:v3+s1+$0x10 ss:$0x1], $0xffff;
	v13 =	vcvt.f32.s32 v12;
	v12 =	vtrunc.f32 v11  }
0x454: {  	s1 =	simm.s32 $0x600;
	v11 =	vcvt.f32.s32 v15;
	v12 =	vcvt.f32.s32 v12;
	[tilespmem:v14+s23+$0x0] =	vst.idx.add.f32.msk $0xffff, v1  }
.LBB2_89:
0x455: {  	s0 =	sadd.s32 $0x40, s0;
	s2 =	sand.u32 $0x1C00, s1;
	[tilespmem:v5+s23+$0x0] =	vst.idx.add.f32.msk $0xffff, v1;
	v14 =	vmov v13  }
0x456: {  	v13 =	vmul.f32 $3.276800000e+04, v7;
	s4 =	sand.u32 $0x40, s0;
	s2 =	sadd.s32 s2, s31;
	p0 =	slt.u32 s0, $0x240;
	[tilespmem:v4+s23+$0x0] =	vst.idx.add.f32.msk $0xffff, v1;
	v5 =	vmov v11;
	v4 =	vmov v12  }
0x457: {  	v11 =	vmul.f32 $3.276800000e+04, v8;
	s2 =	sadd.s32 s4, s2;
	[tilespmem:v6+s23+$0x0] =	vst.idx.add.f32.msk $0xffff, v1  }
.Ltmp43:
0x458: {  	v12 =	vmul.f32 $3.276800000e+04, v9;
	v6 =	vtrunc.f32 v13;
	v7 =	vld.idx.msk [tilespmem:v3+s2+$0x30 ss:$0x1], $0xffff;
	(pc) =	sbr.rel @p0 .LBB2_89-.Ltmp43, $4  }
0x459: {  	v15 =	vmul.f32 $3.276800000e+04, v10;
	v6 =	vcvt.f32.s32 v6;
	v8 =	vld.idx.msk [tilespmem:v3+s2+$0x0 ss:$0x1], $0xffff  }
0x45a: {  	v11 =	vtrunc.f32 v11;
	v12 =	vtrunc.f32 v12;
	v9 =	vld.idx.msk [tilespmem:v3+s2+$0x10 ss:$0x1], $0xffff  }
0x45b: {  	v13 =	vcvt.f32.s32 v11;
	v15 =	vtrunc.f32 v15;
	v10 =	vld.idx.msk [tilespmem:v3+s2+$0x20 ss:$0x1], $0xffff  }
0x45c: {  	s1 =	sadd.s32 $0x200, s1;
	v11 =	vcvt.f32.s32 v12;
	v12 =	vcvt.f32.s32 v15;
	[tilespmem:v14+s23+$0x0] =	vst.idx.add.f32.msk $0xffff, v1  }
0x45d: {  	_ = 	snop  }
0x45e: {  	v3 =	vmul.f32 $3.276800000e+04, v7  }
0x45f: {  	v58 =	vmul.f32 $3.276800000e+04, v8;
	v59 =	vmul.f32 $3.276800000e+04, v9  }
0x460: {  	v3 =	vtrunc.f32 v3;
	v60 =	vmul.f32 $3.276800000e+04, v10  }
0x461: {  	[tilespmem:v5+s23+$0x0] =	vst.idx.add.f32.msk $0xffff, v1;
	v3 =	vcvt.f32.s32 v3;
	v61 =	vtrunc.f32 v58  }
0x462: {  	[tilespmem:v4+s23+$0x0] =	vst.idx.add.f32.msk $0xffff, v1;
	v62 =	vtrunc.f32 v59;
	v5 =	vcvt.f32.s32 v61  }
0x463: {  	[tilespmem:v6+s23+$0x0] =	vst.idx.add.f32.msk $0xffff, v1;
	v63 =	vtrunc.f32 v60;
	v4 =	vcvt.f32.s32 v62  }
0x464: {  	[tilespmem:v13+s23+$0x0] =	vst.idx.add.f32.msk $0xffff, v1;
	v6 =	vcvt.f32.s32 v63  }
0x465: {  	[tilespmem:v11+s23+$0x0] =	vst.idx.add.f32.msk $0xffff, v1  }
0x466: {  	[tilespmem:v12+s23+$0x0] =	vst.idx.add.f32.msk $0xffff, v1  }
0x467: {  	[tilespmem:v3+s23+$0x0] =	vst.idx.add.f32.msk $0xffff, v1  }
0x468: {  	[tilespmem:v5+s23+$0x0] =	vst.idx.add.f32.msk $0xffff, v1  }
0x469: {  	[tilespmem:v4+s23+$0x0] =	vst.idx.add.f32.msk $0xffff, v1  }
0x46a: {  	s0 =	sadd.s32 s30, s31;
	s1 =	simm.s32 $0x270;
	s2 =	simm.s32 $0x1400;
	[tilespmem:v6+s23+$0x0] =	vst.idx.add.f32.msk $0xffff, v1  }
.LBB2_91:
0x46b: {  	s4 =	sand.u32 $0x3FFFFC00, s2  }
0x46c: {  	s4 =	sadd.s32 s4, s29  }
0x46d: {  	v3 =	vld [tilespmem:s4+$0x0];
	_ =	sdelay $0x4  }
0x46e: {  	v3 =	vmul.f32 $3.276800000e+04, v3;
	_ =	sdelay $0x1  }
0x46f: {  	v3 =	vtrunc.f32 v3  }
0x470: {  	s1 =	sadd.s32 $0x10, s1;
	v3 =	vcvt.f32.s32 v3  }
0x471: {  	p0 =	slt.u32 s1, $0x290  }
.Ltmp44:
0x472: {  	_ = 	snop;
	(pc) =	sbr.rel @p0 .LBB2_91-.Ltmp44, $2  }
0x473: {  	_ =	sdelay $0x2  }
0x474: {  	s2 =	sadd.s32 $0x80, s2;
	s29 =	sadd.s32 $0x10, s29;
	[tilespmem:v3+s23+$0x0] =	vst.idx.add.f32.msk $0xffff, v1  }
0x475: {  	v3 =	vld [tilespmem:s0+$0x1415];
	_ =	sdelay $0x4  }
0x476: {  	v3 =	vmul.f32 $3.276800000e+04, v3;
	_ =	sdelay $0x1  }
0x477: {  	v3 =	vtrunc.f32 v3  }
0x478: {  	s28 =	sadd.s32 $0x1, s28;
	v3 =	vcvt.f32.s32 v3  }
0x479: {  	p0 =	sne.s32 s28, $0x30  }
.Ltmp45:
0x47a: {  	_ = 	snop;
	(pc) =	sbr.rel @p0 .LBB2_88-.Ltmp45, $2  }
0x47b: {  	_ =	sdelay $0x2  }
0x47c: {  	s26 =	sadd.s32 $0x1, s26;
	[tilespmem:v3+s23+$0x0] =	vst.idx.add.f32.msk vm0, v1  }
0x47d: {  	_ =	swait.ge [sflag:s24], $0x9000  }
0x47e: {  	[sflag:s24] =	ssyncset.done $0x0  }
0x47f: {  	s0 =	simm.s32 $0x0;
	s19 =	sadd.s32 $0x80, s16;
	[sflag:s24] =	ssyncadd.s32 $0xFFFF7000  }
0x480: {  	[tilespmem:s0], [sflag:$0x1] =	stream.strided.gather [hbm4b:s16+s21], $0x400, s22, s21, $0x38;
	[tilespmem:$0x1B880] =	vst v63  }
0x481: {  	s1 =	simm.s32 $0x400;
	s20 =	sadd.s32 $0x100, s16;
	s26 =	simm.s32 $0x800  }
0x482: {  	[tilespmem:s1], [sflag:$0x1] =	stream.strided.gather [hbm4b:s19+s21], $0x400, s22, s21, $0x38;
	[tilespmem:$0x1B880] =	vst v63  }
0x483: {  	s28 =	sadd.s32 $0x180, s16;
	s29 =	simm.s32 $0xC00;
	s30 =	sadd.s32 $0x200, s16  }
0x484: {  	[tilespmem:s26], [sflag:$0x1] =	stream.strided.gather [hbm4b:s20+s21], $0x400, s22, s21, $0x38;
	[tilespmem:$0x1B880] =	vst v63  }
0x485: {  	s31 =	simm.s32 $0x1000;
	s2 =	sadd.s32 $0x280, s16;
	s4 =	simm.s32 $0x1400  }
0x486: {  	[tilespmem:s29], [sflag:$0x1] =	stream.strided.gather [hbm4b:s28+s21], $0x400, s22, s21, $0x38;
	[tilespmem:$0x1B880] =	vst v63  }
0x487: {  	s0 =	simm.s32 $0x6000;
	s1 =	sadd.s32 $0x1800, s16;
	s26 =	simm.s32 $0x0  }
0x488: {  	[tilespmem:s31], [sflag:$0x1] =	stream.strided.gather [hbm4b:s30+s21], $0x400, s22, s21, $0x38;
	[tilespmem:$0x1B880] =	vst v63  }
.LBB2_94:
0x489: {  	[tilespmem:s4], [sflag:$0x1] =	stream.strided.gather [hbm4b:s2+s21], $0x400, s22, s21, $0x38;
	[tilespmem:$0x1B880] =	vst v63  }
0x48a: {  	s4 =	sshra.s32 s0, $0x2;
	p0 =	sne.s32 s0, $0x1E000;
	s0 =	sadd.s32 $0x6000, s0  }
0x48b: {  	[tilespmem:s4], [sflag:$0x1] =	stream.strided.gather [hbm4b:s1+s21], $0x400, s22, s21, $0x38;
	[tilespmem:$0x1B880] =	vst v63  }
0x48c: {  	s2 =	sadd.s32 $0x80, s1;
	s5 =	sadd.s32 $0x400, s4  }
0x48d: {  	[tilespmem:s5], [sflag:$0x1] =	stream.strided.gather [hbm4b:s2+s21], $0x400, s22, s21, $0x38;
	[tilespmem:$0x1B880] =	vst v63  }
0x48e: {  	s2 =	sadd.s32 $0x100, s1;
	s5 =	sadd.s32 $0x800, s4  }
0x48f: {  	[tilespmem:s5], [sflag:$0x1] =	stream.strided.gather [hbm4b:s2+s21], $0x400, s22, s21, $0x38;
	[tilespmem:$0x1B880] =	vst v63  }
.Ltmp46:
0x490: {  	s2 =	sadd.s32 $0x180, s1;
	s5 =	sadd.s32 $0xC00, s4;
	(pc) =	sbr.rel @p0 .LBB2_94-.Ltmp46, $4  }
0x491: {  	[tilespmem:s5], [sflag:$0x1] =	stream.strided.gather [hbm4b:s2+s21], $0x400, s22, s21, $0x38;
	[tilespmem:$0x1B880] =	vst v63  }
0x492: {  	s2 =	sadd.s32 $0x200, s1;
	s5 =	sadd.s32 $0x1000, s4  }
0x493: {  	[tilespmem:s5], [sflag:$0x1] =	stream.strided.gather [hbm4b:s2+s21], $0x400, s22, s21, $0x38;
	[tilespmem:$0x1B880] =	vst v63  }
0x494: {  	s4 =	sadd.s32 $0x1400, s4;
	s2 =	sadd.s32 $0x280, s1;
	s1 =	sadd.s32 $0x1800, s1  }
0x495: {  	[tilespmem:s4], [sflag:$0x1] =	stream.strided.gather [hbm4b:s2+s21], $0x400, s22, s21, $0x38;
	[tilespmem:$0x1B880] =	vst v63  }
0x496: {  	s28 =	simm.s32 $0x0  }
.LBB2_96:
0x497: {  	s0 =	sshrl.u32 s28, $0x3;
	s2 =	sshll.u32 s28, $0x7  }
0x498: {  	s1 =	sand.u32 $0x7, s26;
	s0 =	smul.u32 $0x6000, s0;
	s30 =	sand.u32 $0x380, s2  }
0x499: {  	s4 =	simm.s32 $0x0;
	s1 =	sshll.u32 s1, $0x9;
	v3 =	vmov s30  }
0x49a: {  	s5 =	simm.s32 $0x0;
	s1 =	sor.u32 s1, s0;
	s0 =	sshra.s32 s0, $0x2  }
0x49b: {  	s1 =	sshra.s32 s1, $0x2;
	s31 =	sadd.s32 $0x9000, s0;
	s0 =	sand.u32 $0x1C00, s4  }
0x49c: {  	s29 =	sadd.s32 $0x9000, s1;
	s1 =	sand.u32 $0x40, s5;
	s0 =	sadd.s32 s0, s31  }
0x49d: {  	s0 =	sadd.s32 s1, s0  }
0x49e: {  	v4 =	vld.idx.msk [tilespmem:v3+s0+$0x30 ss:$0x1], $0xffff  }
0x49f: {  	s6 =	simm.s32 $0x200;
	v5 =	vld.idx.msk [tilespmem:v3+s0+$0x0 ss:$0x1], $0xffff  }
0x4a0: {  	s18 =	simm.s32 $0x40;
	s1 =	sand.u32 $0x1C00, s6;
	v6 =	vld.idx.msk [tilespmem:v3+s0+$0x10 ss:$0x1], $0xffff  }
0x4a1: {  	v7 =	vld.idx.msk [tilespmem:v3+s0+$0x20 ss:$0x1], $0xffff;
	s0 =	sand.u32 $0x40, s18;
	s1 =	sadd.s32 s1, s31  }
0x4a2: {  	s0 =	sadd.s32 s0, s1  }
0x4a3: {  	v10 =	vld.idx.msk [tilespmem:v3+s0+$0x10 ss:$0x1], $0xffff;
	_ =	sdelay $0x1  }
0x4a4: {  	v8 =	vld.idx.msk [tilespmem:v3+s0+$0x30 ss:$0x1], $0xffff;
	v4 =	vmul.f32 $3.276800000e+04, v4;
	_ =	sdelay $0x1  }
0x4a5: {  	v7 =	vmul.f32 $3.276800000e+04, v7;
	v4 =	vtrunc.f32 v4  }
0x4a6: {  	v10 =	vmul.f32 $3.276800000e+04, v10;
	v9 =	vcvt.f32.s32 v4  }
0x4a7: {  	s19 =	simm.s32 $0x400;
	v4 =	vmul.f32 $3.276800000e+04, v5;
	v5 =	vmul.f32 $3.276800000e+04, v6;
	v6 =	vld.idx.msk [tilespmem:v3+s0+$0x0 ss:$0x1], $0xffff  }
0x4a8: {  	s1 =	sand.u32 $0x1C00, s19;
	v11 =	vld.idx.msk [tilespmem:v3+s0+$0x20 ss:$0x1], $0xffff;
	v8 =	vmul.f32 $3.276800000e+04, v8;
	s0 =	simm.s32 $0x80;
	v15 =	vtrunc.f32 v10  }
0x4a9: {  	s1 =	sadd.s32 s1, s31;
	s20 =	sand.u32 $0x40, s0;
	v4 =	vtrunc.f32 v4;
	v5 =	vtrunc.f32 v5  }
0x4aa: {  	s1 =	sadd.s32 s20, s1;
	v14 =	vcvt.f32.s32 v4;
	v4 =	vtrunc.f32 v7  }
0x4ab: {  	v5 =	vcvt.f32.s32 v5;
	v7 =	vld.idx.msk [tilespmem:v3+s1+$0x30 ss:$0x1], $0xffff;
	v4 =	vcvt.f32.s32 v4  }
0x4ac: {  	v10 =	vld.idx.msk [tilespmem:v3+s1+$0x20 ss:$0x1], $0xffff;
	v12 =	vmul.f32 $3.276800000e+04, v6;
	v6 =	vtrunc.f32 v8  }
0x4ad: {  	v11 =	vmul.f32 $3.276800000e+04, v11;
	v8 =	vld.idx.msk [tilespmem:v3+s1+$0x0 ss:$0x1], $0xffff;
	v6 =	vcvt.f32.s32 v6  }
0x4ae: {  	[tilespmem:v9+s23+$0x0] =	vst.idx.add.f32.msk $0xffff, v1;
	v12 =	vtrunc.f32 v12  }
0x4af: {  	v9 =	vld.idx.msk [tilespmem:v3+s1+$0x10 ss:$0x1], $0xffff;
	v13 =	vcvt.f32.s32 v12;
	v12 =	vtrunc.f32 v11  }
0x4b0: {  	s1 =	simm.s32 $0x600;
	v11 =	vcvt.f32.s32 v15;
	v12 =	vcvt.f32.s32 v12;
	[tilespmem:v14+s23+$0x0] =	vst.idx.add.f32.msk $0xffff, v1  }
.LBB2_97:
0x4b1: {  	s0 =	sadd.s32 $0x40, s0;
	s2 =	sand.u32 $0x1C00, s1;
	[tilespmem:v5+s23+$0x0] =	vst.idx.add.f32.msk $0xffff, v1;
	v14 =	vmov v13  }
0x4b2: {  	v13 =	vmul.f32 $3.276800000e+04, v7;
	s4 =	sand.u32 $0x40, s0;
	s2 =	sadd.s32 s2, s31;
	p0 =	slt.u32 s0, $0x240;
	[tilespmem:v4+s23+$0x0] =	vst.idx.add.f32.msk $0xffff, v1;
	v5 =	vmov v11;
	v4 =	vmov v12  }
0x4b3: {  	v11 =	vmul.f32 $3.276800000e+04, v8;
	s2 =	sadd.s32 s4, s2;
	[tilespmem:v6+s23+$0x0] =	vst.idx.add.f32.msk $0xffff, v1  }
.Ltmp47:
0x4b4: {  	v12 =	vmul.f32 $3.276800000e+04, v9;
	v6 =	vtrunc.f32 v13;
	v7 =	vld.idx.msk [tilespmem:v3+s2+$0x30 ss:$0x1], $0xffff;
	(pc) =	sbr.rel @p0 .LBB2_97-.Ltmp47, $4  }
0x4b5: {  	v15 =	vmul.f32 $3.276800000e+04, v10;
	v6 =	vcvt.f32.s32 v6;
	v8 =	vld.idx.msk [tilespmem:v3+s2+$0x0 ss:$0x1], $0xffff  }
0x4b6: {  	v11 =	vtrunc.f32 v11;
	v12 =	vtrunc.f32 v12;
	v9 =	vld.idx.msk [tilespmem:v3+s2+$0x10 ss:$0x1], $0xffff  }
0x4b7: {  	v13 =	vcvt.f32.s32 v11;
	v15 =	vtrunc.f32 v15;
	v10 =	vld.idx.msk [tilespmem:v3+s2+$0x20 ss:$0x1], $0xffff  }
0x4b8: {  	s1 =	sadd.s32 $0x200, s1;
	v11 =	vcvt.f32.s32 v12;
	v12 =	vcvt.f32.s32 v15;
	[tilespmem:v14+s23+$0x0] =	vst.idx.add.f32.msk $0xffff, v1  }
0x4b9: {  	_ = 	snop  }
0x4ba: {  	v3 =	vmul.f32 $3.276800000e+04, v7  }
0x4bb: {  	v58 =	vmul.f32 $3.276800000e+04, v8;
	v59 =	vmul.f32 $3.276800000e+04, v9  }
0x4bc: {  	v3 =	vtrunc.f32 v3;
	v60 =	vmul.f32 $3.276800000e+04, v10  }
0x4bd: {  	[tilespmem:v5+s23+$0x0] =	vst.idx.add.f32.msk $0xffff, v1;
	v3 =	vcvt.f32.s32 v3;
	v61 =	vtrunc.f32 v58  }
0x4be: {  	[tilespmem:v4+s23+$0x0] =	vst.idx.add.f32.msk $0xffff, v1;
	v62 =	vtrunc.f32 v59;
	v5 =	vcvt.f32.s32 v61  }
0x4bf: {  	[tilespmem:v6+s23+$0x0] =	vst.idx.add.f32.msk $0xffff, v1;
	v63 =	vtrunc.f32 v60;
	v4 =	vcvt.f32.s32 v62  }
0x4c0: {  	[tilespmem:v13+s23+$0x0] =	vst.idx.add.f32.msk $0xffff, v1;
	v6 =	vcvt.f32.s32 v63  }
0x4c1: {  	[tilespmem:v11+s23+$0x0] =	vst.idx.add.f32.msk $0xffff, v1  }
0x4c2: {  	[tilespmem:v12+s23+$0x0] =	vst.idx.add.f32.msk $0xffff, v1  }
0x4c3: {  	[tilespmem:v3+s23+$0x0] =	vst.idx.add.f32.msk $0xffff, v1  }
0x4c4: {  	[tilespmem:v5+s23+$0x0] =	vst.idx.add.f32.msk $0xffff, v1  }
0x4c5: {  	[tilespmem:v4+s23+$0x0] =	vst.idx.add.f32.msk $0xffff, v1  }
0x4c6: {  	s0 =	sadd.s32 s30, s31;
	s1 =	simm.s32 $0x270;
	s2 =	simm.s32 $0x1400;
	[tilespmem:v6+s23+$0x0] =	vst.idx.add.f32.msk $0xffff, v1  }
.LBB2_99:
0x4c7: {  	s4 =	sand.u32 $0x3FFFFC00, s2  }
0x4c8: {  	s4 =	sadd.s32 s4, s29  }
0x4c9: {  	v3 =	vld [tilespmem:s4+$0x0];
	_ =	sdelay $0x4  }
0x4ca: {  	v3 =	vmul.f32 $3.276800000e+04, v3;
	_ =	sdelay $0x1  }
0x4cb: {  	v3 =	vtrunc.f32 v3  }
0x4cc: {  	s1 =	sadd.s32 $0x10, s1;
	v3 =	vcvt.f32.s32 v3  }
0x4cd: {  	p0 =	slt.u32 s1, $0x290  }
.Ltmp48:
0x4ce: {  	_ = 	snop;
	(pc) =	sbr.rel @p0 .LBB2_99-.Ltmp48, $2  }
0x4cf: {  	_ =	sdelay $0x2  }
0x4d0: {  	s2 =	sadd.s32 $0x80, s2;
	s29 =	sadd.s32 $0x10, s29;
	[tilespmem:v3+s23+$0x0] =	vst.idx.add.f32.msk $0xffff, v1  }
0x4d1: {  	v3 =	vld [tilespmem:s0+$0x1415];
	_ =	sdelay $0x4  }
0x4d2: {  	v3 =	vmul.f32 $3.276800000e+04, v3;
	_ =	sdelay $0x1  }
0x4d3: {  	v3 =	vtrunc.f32 v3  }
0x4d4: {  	s28 =	sadd.s32 $0x1, s28;
	v3 =	vcvt.f32.s32 v3  }
0x4d5: {  	p0 =	sne.s32 s28, $0x30  }
.Ltmp49:
0x4d6: {  	_ = 	snop;
	(pc) =	sbr.rel @p0 .LBB2_96-.Ltmp49, $2  }
0x4d7: {  	_ =	sdelay $0x2  }
0x4d8: {  	s26 =	sadd.s32 $0x1, s26;
	[tilespmem:v3+s23+$0x0] =	vst.idx.add.f32.msk vm0, v1  }
0x4d9: {  	_ =	swait.ge [sflag:s3], $0x9000  }
0x4da: {  	s0 =	simm.s32 $0x9000;
	[sflag:s3] =	ssyncset.done $0x0  }
0x4db: {  	s19 =	sadd.s32 $0x80, s17;
	s1 =	simm.s32 $0x9400;
	[sflag:s3] =	ssyncadd.s32 $0xFFFF7000  }
0x4dc: {  	[tilespmem:s0], [sflag:$0x2] =	stream.strided.gather [hbm4b:s17+s21], $0x400, s22, s21, $0x38;
	[tilespmem:$0x1B880] =	vst v63  }
0x4dd: {  	s20 =	sadd.s32 $0x100, s17;
	s26 =	simm.s32 $0x9800;
	s28 =	sadd.s32 $0x180, s17  }
0x4de: {  	[tilespmem:s1], [sflag:$0x2] =	stream.strided.gather [hbm4b:s19+s21], $0x400, s22, s21, $0x38;
	[tilespmem:$0x1B880] =	vst v63  }
0x4df: {  	s29 =	simm.s32 $0x9C00;
	s30 =	sadd.s32 $0x200, s17;
	s31 =	simm.s32 $0xA000  }
0x4e0: {  	[tilespmem:s26], [sflag:$0x2] =	stream.strided.gather [hbm4b:s20+s21], $0x400, s22, s21, $0x38;
	[tilespmem:$0x1B880] =	vst v63  }
0x4e1: {  	s2 =	simm.s32 $0xC000;
	s4 =	sadd.s32 $0x280, s17;
	s5 =	simm.s32 $0xA400  }
0x4e2: {  	[tilespmem:s29], [sflag:$0x2] =	stream.strided.gather [hbm4b:s28+s21], $0x400, s22, s21, $0x38;
	[tilespmem:$0x1B880] =	vst v63  }
0x4e3: {  	s0 =	simm.s32 $0x1800;
	s1 =	sadd.s32 $0x1800, s17;
	s26 =	simm.s32 $0x0  }
0x4e4: {  	[tilespmem:s31], [sflag:$0x2] =	stream.strided.gather [hbm4b:s30+s21], $0x400, s22, s21, $0x38;
	[tilespmem:$0x1B880] =	vst v63  }
.LBB2_102:
0x4e5: {  	[tilespmem:s5], [sflag:$0x2] =	stream.strided.gather [hbm4b:s4+s21], $0x400, s22, s21, $0x38;
	[tilespmem:$0x1B880] =	vst v63  }
0x4e6: {  	s5 =	smov.u32 s0;
	s0 =	smov.u32 s2  }
0x4e7: {  	s18 =	sadd.s32 $0x6000, s2;
	s0 =	sshra.s32 s0, $0x2;
	s4 =	sadd.s32 $0x9000, s5  }
0x4e8: {  	[tilespmem:s4], [sflag:$0x2] =	stream.strided.gather [hbm4b:s1+s21], $0x400, s22, s21, $0x38;
	[tilespmem:$0x1B880] =	vst v63  }
0x4e9: {  	p0 =	sne.s32 s2, $0x1E000;
	s2 =	sadd.s32 $0x80, s1;
	s4 =	sadd.s32 $0x9400, s5  }
0x4ea: {  	[tilespmem:s4], [sflag:$0x2] =	stream.strided.gather [hbm4b:s2+s21], $0x400, s22, s21, $0x38;
	[tilespmem:$0x1B880] =	vst v63  }
0x4eb: {  	s2 =	sadd.s32 $0x100, s1;
	s4 =	sadd.s32 $0x9800, s5  }
0x4ec: {  	[tilespmem:s4], [sflag:$0x2] =	stream.strided.gather [hbm4b:s2+s21], $0x400, s22, s21, $0x38;
	[tilespmem:$0x1B880] =	vst v63  }
.Ltmp50:
0x4ed: {  	s2 =	sadd.s32 $0x180, s1;
	s4 =	sadd.s32 $0x9C00, s5;
	(pc) =	sbr.rel @p0 .LBB2_102-.Ltmp50, $4  }
0x4ee: {  	[tilespmem:s4], [sflag:$0x2] =	stream.strided.gather [hbm4b:s2+s21], $0x400, s22, s21, $0x38;
	[tilespmem:$0x1B880] =	vst v63  }
0x4ef: {  	s2 =	sadd.s32 $0x200, s1;
	s4 =	sadd.s32 $0xA000, s5;
	s5 =	sadd.s32 $0xA400, s5  }
0x4f0: {  	[tilespmem:s4], [sflag:$0x2] =	stream.strided.gather [hbm4b:s2+s21], $0x400, s22, s21, $0x38;
	[tilespmem:$0x1B880] =	vst v63  }
0x4f1: {  	s4 =	sadd.s32 $0x280, s1;
	s1 =	sadd.s32 $0x1800, s1;
	s2 =	smov.u32 s18  }
0x4f2: {  	[tilespmem:s5], [sflag:$0x2] =	stream.strided.gather [hbm4b:s4+s21], $0x400, s22, s21, $0x38;
	[tilespmem:$0x1B880] =	vst v63  }
0x4f3: {  	s2 =	sadd.s32 $0x9000, s0  }
0x4f4: {  	[tilespmem:s2], [sflag:$0x2] =	stream.strided.gather [hbm4b:s1+s21], $0x400, s22, s21, $0x38;
	[tilespmem:$0x1B880] =	vst v63  }
0x4f5: {  	s30 =	sadd.s32 $0x80, s1;
	s31 =	sadd.s32 $0x9400, s0  }
0x4f6: {  	[tilespmem:s31], [sflag:$0x2] =	stream.strided.gather [hbm4b:s30+s21], $0x400, s22, s21, $0x38;
	[tilespmem:$0x1B880] =	vst v63  }
0x4f7: {  	s5 =	sadd.s32 $0x100, s1;
	s6 =	sadd.s32 $0x9800, s0  }
0x4f8: {  	[tilespmem:s6], [sflag:$0x2] =	stream.strided.gather [hbm4b:s5+s21], $0x400, s22, s21, $0x38;
	[tilespmem:$0x1B880] =	vst v63  }
0x4f9: {  	s18 =	sadd.s32 $0x180, s1;
	s19 =	sadd.s32 $0x9C00, s0  }
0x4fa: {  	[tilespmem:s19], [sflag:$0x2] =	stream.strided.gather [hbm4b:s18+s21], $0x400, s22, s21, $0x38;
	[tilespmem:$0x1B880] =	vst v63  }
0x4fb: {  	s20 =	sadd.s32 $0x200, s1;
	s29 =	sadd.s32 $0xA000, s0  }
0x4fc: {  	[tilespmem:s29], [sflag:$0x2] =	stream.strided.gather [hbm4b:s20+s21], $0x400, s22, s21, $0x38;
	[tilespmem:$0x1B880] =	vst v63  }
0x4fd: {  	s28 =	simm.s32 $0x0;
	s30 =	sadd.s32 $0x280, s1;
	s31 =	sadd.s32 $0xA400, s0  }
0x4fe: {  	[tilespmem:s31], [sflag:$0x2] =	stream.strided.gather [hbm4b:s30+s21], $0x400, s22, s21, $0x38;
	[tilespmem:$0x1B880] =	vst v63  }
.LBB2_104:
0x4ff: {  	s2 =	sshll.u32 s28, $0x7  }
0x500: {  	s0 =	sshrl.u32 s28, $0x3;
	s30 =	sand.u32 $0x380, s2  }
0x501: {  	s1 =	sand.u32 $0x7, s26;
	s0 =	smul.u32 $0x6000, s0;
	v3 =	vmov s30  }
0x502: {  	s4 =	simm.s32 $0x0;
	s5 =	simm.s32 $0x0;
	s1 =	sshll.u32 s1, $0x9  }
0x503: {  	s1 =	sor.u32 s1, s0;
	s31 =	sshra.s32 s0, $0x2;
	s0 =	sand.u32 $0x1C00, s4  }
0x504: {  	s29 =	sshra.s32 s1, $0x2;
	s1 =	sand.u32 $0x40, s5;
	s0 =	sadd.s32 s0, s31  }
0x505: {  	s0 =	sadd.s32 s1, s0  }
0x506: {  	v4 =	vld.idx.msk [tilespmem:v3+s0+$0x30 ss:$0x1], $0xffff  }
0x507: {  	s6 =	simm.s32 $0x200;
	v5 =	vld.idx.msk [tilespmem:v3+s0+$0x0 ss:$0x1], $0xffff  }
0x508: {  	s18 =	simm.s32 $0x40;
	s1 =	sand.u32 $0x1C00, s6;
	v6 =	vld.idx.msk [tilespmem:v3+s0+$0x10 ss:$0x1], $0xffff  }
0x509: {  	s1 =	sadd.s32 s1, s31;
	v7 =	vld.idx.msk [tilespmem:v3+s0+$0x20 ss:$0x1], $0xffff;
	s0 =	sand.u32 $0x40, s18  }
0x50a: {  	s0 =	sadd.s32 s0, s1  }
0x50b: {  	v10 =	vld.idx.msk [tilespmem:v3+s0+$0x10 ss:$0x1], $0xffff;
	_ =	sdelay $0x1  }
0x50c: {  	v8 =	vld.idx.msk [tilespmem:v3+s0+$0x30 ss:$0x1], $0xffff;
	v4 =	vmul.f32 $3.276800000e+04, v4;
	_ =	sdelay $0x1  }
0x50d: {  	v7 =	vmul.f32 $3.276800000e+04, v7;
	v4 =	vtrunc.f32 v4  }
0x50e: {  	v10 =	vmul.f32 $3.276800000e+04, v10;
	v9 =	vcvt.f32.s32 v4  }
0x50f: {  	s19 =	simm.s32 $0x400;
	v4 =	vmul.f32 $3.276800000e+04, v5;
	v5 =	vmul.f32 $3.276800000e+04, v6;
	v6 =	vld.idx.msk [tilespmem:v3+s0+$0x0 ss:$0x1], $0xffff  }
0x510: {  	s1 =	sand.u32 $0x1C00, s19;
	v11 =	vld.idx.msk [tilespmem:v3+s0+$0x20 ss:$0x1], $0xffff;
	v8 =	vmul.f32 $3.276800000e+04, v8;
	s0 =	simm.s32 $0x80;
	v15 =	vtrunc.f32 v10  }
0x511: {  	s1 =	sadd.s32 s1, s31;
	s20 =	sand.u32 $0x40, s0;
	v4 =	vtrunc.f32 v4;
	v5 =	vtrunc.f32 v5  }
0x512: {  	s1 =	sadd.s32 s20, s1;
	v14 =	vcvt.f32.s32 v4;
	v4 =	vtrunc.f32 v7  }
0x513: {  	v5 =	vcvt.f32.s32 v5;
	v7 =	vld.idx.msk [tilespmem:v3+s1+$0x30 ss:$0x1], $0xffff;
	v4 =	vcvt.f32.s32 v4  }
0x514: {  	v10 =	vld.idx.msk [tilespmem:v3+s1+$0x20 ss:$0x1], $0xffff;
	v12 =	vmul.f32 $3.276800000e+04, v6;
	v6 =	vtrunc.f32 v8  }
0x515: {  	v11 =	vmul.f32 $3.276800000e+04, v11;
	v8 =	vld.idx.msk [tilespmem:v3+s1+$0x0 ss:$0x1], $0xffff;
	v6 =	vcvt.f32.s32 v6  }
0x516: {  	[tilespmem:v9+s23+$0x0] =	vst.idx.add.f32.msk $0xffff, v1;
	v12 =	vtrunc.f32 v12  }
0x517: {  	v9 =	vld.idx.msk [tilespmem:v3+s1+$0x10 ss:$0x1], $0xffff;
	v13 =	vcvt.f32.s32 v12;
	v12 =	vtrunc.f32 v11  }
0x518: {  	s1 =	simm.s32 $0x600;
	v11 =	vcvt.f32.s32 v15;
	v12 =	vcvt.f32.s32 v12;
	[tilespmem:v14+s23+$0x0] =	vst.idx.add.f32.msk $0xffff, v1  }
.LBB2_105:
0x519: {  	s0 =	sadd.s32 $0x40, s0;
	s2 =	sand.u32 $0x1C00, s1;
	[tilespmem:v5+s23+$0x0] =	vst.idx.add.f32.msk $0xffff, v1;
	v14 =	vmov v13  }
0x51a: {  	v13 =	vmul.f32 $3.276800000e+04, v7;
	s4 =	sand.u32 $0x40, s0;
	s2 =	sadd.s32 s2, s31;
	p0 =	slt.u32 s0, $0x240;
	[tilespmem:v4+s23+$0x0] =	vst.idx.add.f32.msk $0xffff, v1;
	v5 =	vmov v11;
	v4 =	vmov v12  }
0x51b: {  	v11 =	vmul.f32 $3.276800000e+04, v8;
	s2 =	sadd.s32 s4, s2;
	[tilespmem:v6+s23+$0x0] =	vst.idx.add.f32.msk $0xffff, v1  }
.Ltmp51:
0x51c: {  	v12 =	vmul.f32 $3.276800000e+04, v9;
	v6 =	vtrunc.f32 v13;
	v7 =	vld.idx.msk [tilespmem:v3+s2+$0x30 ss:$0x1], $0xffff;
	(pc) =	sbr.rel @p0 .LBB2_105-.Ltmp51, $4  }
0x51d: {  	v15 =	vmul.f32 $3.276800000e+04, v10;
	v6 =	vcvt.f32.s32 v6;
	v8 =	vld.idx.msk [tilespmem:v3+s2+$0x0 ss:$0x1], $0xffff  }
0x51e: {  	v11 =	vtrunc.f32 v11;
	v12 =	vtrunc.f32 v12;
	v9 =	vld.idx.msk [tilespmem:v3+s2+$0x10 ss:$0x1], $0xffff  }
0x51f: {  	v13 =	vcvt.f32.s32 v11;
	v15 =	vtrunc.f32 v15;
	v10 =	vld.idx.msk [tilespmem:v3+s2+$0x20 ss:$0x1], $0xffff  }
0x520: {  	s1 =	sadd.s32 $0x200, s1;
	v11 =	vcvt.f32.s32 v12;
	v12 =	vcvt.f32.s32 v15;
	[tilespmem:v14+s23+$0x0] =	vst.idx.add.f32.msk $0xffff, v1  }
0x521: {  	_ = 	snop  }
0x522: {  	v3 =	vmul.f32 $3.276800000e+04, v7  }
0x523: {  	v58 =	vmul.f32 $3.276800000e+04, v8;
	v59 =	vmul.f32 $3.276800000e+04, v9  }
0x524: {  	v3 =	vtrunc.f32 v3;
	v60 =	vmul.f32 $3.276800000e+04, v10  }
0x525: {  	[tilespmem:v5+s23+$0x0] =	vst.idx.add.f32.msk $0xffff, v1;
	v3 =	vcvt.f32.s32 v3;
	v61 =	vtrunc.f32 v58  }
0x526: {  	[tilespmem:v4+s23+$0x0] =	vst.idx.add.f32.msk $0xffff, v1;
	v62 =	vtrunc.f32 v59;
	v5 =	vcvt.f32.s32 v61  }
0x527: {  	[tilespmem:v6+s23+$0x0] =	vst.idx.add.f32.msk $0xffff, v1;
	v63 =	vtrunc.f32 v60;
	v4 =	vcvt.f32.s32 v62  }
0x528: {  	[tilespmem:v13+s23+$0x0] =	vst.idx.add.f32.msk $0xffff, v1;
	v6 =	vcvt.f32.s32 v63  }
0x529: {  	[tilespmem:v11+s23+$0x0] =	vst.idx.add.f32.msk $0xffff, v1  }
0x52a: {  	[tilespmem:v12+s23+$0x0] =	vst.idx.add.f32.msk $0xffff, v1  }
0x52b: {  	[tilespmem:v3+s23+$0x0] =	vst.idx.add.f32.msk $0xffff, v1  }
0x52c: {  	[tilespmem:v5+s23+$0x0] =	vst.idx.add.f32.msk $0xffff, v1  }
0x52d: {  	[tilespmem:v4+s23+$0x0] =	vst.idx.add.f32.msk $0xffff, v1  }
0x52e: {  	s0 =	sadd.s32 s30, s31;
	s1 =	simm.s32 $0x270;
	s2 =	simm.s32 $0x1400;
	[tilespmem:v6+s23+$0x0] =	vst.idx.add.f32.msk $0xffff, v1  }
.LBB2_107:
0x52f: {  	s4 =	sand.u32 $0x3FFFFC00, s2  }
0x530: {  	s4 =	sadd.s32 s4, s29  }
0x531: {  	v3 =	vld [tilespmem:s4+$0x0];
	_ =	sdelay $0x4  }
0x532: {  	v3 =	vmul.f32 $3.276800000e+04, v3;
	_ =	sdelay $0x1  }
0x533: {  	v3 =	vtrunc.f32 v3  }
0x534: {  	s1 =	sadd.s32 $0x10, s1;
	v3 =	vcvt.f32.s32 v3  }
0x535: {  	p0 =	slt.u32 s1, $0x290  }
.Ltmp52:
0x536: {  	_ = 	snop;
	(pc) =	sbr.rel @p0 .LBB2_107-.Ltmp52, $2  }
0x537: {  	_ =	sdelay $0x2  }
0x538: {  	s2 =	sadd.s32 $0x80, s2;
	s29 =	sadd.s32 $0x10, s29;
	[tilespmem:v3+s23+$0x0] =	vst.idx.add.f32.msk $0xffff, v1  }
0x539: {  	v3 =	vld [tilespmem:s0+$0x1415];
	_ =	sdelay $0x4  }
0x53a: {  	v3 =	vmul.f32 $3.276800000e+04, v3;
	_ =	sdelay $0x1  }
0x53b: {  	v3 =	vtrunc.f32 v3  }
0x53c: {  	s28 =	sadd.s32 $0x1, s28;
	v3 =	vcvt.f32.s32 v3  }
0x53d: {  	p0 =	sne.s32 s28, $0x30  }
.Ltmp53:
0x53e: {  	_ = 	snop;
	(pc) =	sbr.rel @p0 .LBB2_104-.Ltmp53, $2  }
0x53f: {  	_ =	sdelay $0x2  }
0x540: {  	s26 =	sadd.s32 $0x1, s26;
	[tilespmem:v3+s23+$0x0] =	vst.idx.add.f32.msk vm0, v1  }
0x541: {  	_ =	swait.ge [sflag:s24], $0x9000  }
0x542: {  	[sflag:s24] =	ssyncset.done $0x0  }
0x543: {  	s0 =	simm.s32 $0x12000;
	s1 =	rddreg [dreg:$0x6];
	[sflag:s24] =	ssyncadd.s32 $0xFFFF7000  }
0x544: {  	[tilespmem:s0], [sflag:$0x1] =	stream.strided.gather [hbm4b:s1+s21], $0x280, s22, s21, $0x38;
	[tilespmem:$0x1B880] =	vst v63  }
0x545: {  	s2 =	simm.s32 $0x12400;
	s4 =	sadd.s32 $0x80, s1  }
0x546: {  	[tilespmem:s2], [sflag:$0x1] =	stream.strided.gather [hbm4b:s4+s21], $0x280, s22, s21, $0x38;
	[tilespmem:$0x1B880] =	vst v63  }
0x547: {  	s6 =	simm.s32 $0x12800;
	s5 =	sadd.s32 $0x100, s1  }
0x548: {  	[tilespmem:s6], [sflag:$0x1] =	stream.strided.gather [hbm4b:s5+s21], $0x280, s22, s21, $0x38;
	[tilespmem:$0x1B880] =	vst v63  }
0x549: {  	s19 =	simm.s32 $0x12C00;
	s26 =	simm.s32 $0x13000;
	s18 =	sadd.s32 $0x180, s1  }
0x54a: {  	[tilespmem:s19], [sflag:$0x1] =	stream.strided.gather [hbm4b:s18+s21], $0x280, s22, s21, $0x38;
	[tilespmem:$0x1B880] =	vst v63  }
0x54b: {  	s31 =	simm.s32 $0x13400;
	s28 =	simm.s32 $0x0;
	s20 =	sadd.s32 $0x200, s1  }
0x54c: {  	[tilespmem:s26], [sflag:$0x1] =	stream.strided.gather [hbm4b:s20+s21], $0x280, s22, s21, $0x38;
	[tilespmem:$0x1B880] =	vst v63  }
0x54d: {  	s29 =	simm.s32 $0x0;
	s30 =	sadd.s32 $0x280, s1;
	s26 =	simm.s32 $0x0  }
0x54e: {  	[tilespmem:s31], [sflag:$0x1] =	stream.strided.gather [hbm4b:s30+s21], $0x280, s22, s21, $0x38;
	[tilespmem:$0x1B880] =	vst v63  }
.LBB2_110:
0x54f: {  	s0 =	sshrl.u32 s29, $0x3  }
0x550: {  	s1 =	sand.u32 $0x7, s28;
	s2 =	sshll.u32 s29, $0x7;
	s0 =	smul.u32 $0x6000, s0  }
0x551: {  	s1 =	sshll.u32 s1, $0x9;
	s31 =	sand.u32 $0x380, s2  }
0x552: {  	v3 =	vmov s31;
	s1 =	sor.u32 s1, s0  }
0x553: {  	s5 =	simm.s32 $0x0;
	s0 =	sshra.s32 s0, $0x2;
	s1 =	sshra.s32 s1, $0x2  }
0x554: {  	s6 =	sand.u32 $0x1C00, s26;
	s30 =	sadd.s32 $0x9000, s1;
	s1 =	sadd.s32 $0x9000, s0  }
0x555: {  	s0 =	sand.u32 $0x40, s5;
	s2 =	sadd.s32 s6, s1  }
0x556: {  	s0 =	sadd.s32 s0, s2  }
0x557: {  	v4 =	vld.idx.msk [tilespmem:v3+s0+$0x30 ss:$0x1], $0xffff  }
0x558: {  	s18 =	simm.s32 $0x200;
	v5 =	vld.idx.msk [tilespmem:v3+s0+$0x0 ss:$0x1], $0xffff  }
0x559: {  	s19 =	simm.s32 $0x40;
	s2 =	sand.u32 $0x1C00, s18;
	v6 =	vld.idx.msk [tilespmem:v3+s0+$0x10 ss:$0x1], $0xffff  }
0x55a: {  	v7 =	vld.idx.msk [tilespmem:v3+s0+$0x20 ss:$0x1], $0xffff;
	s0 =	sand.u32 $0x40, s19;
	s2 =	sadd.s32 s2, s1  }
0x55b: {  	s0 =	sadd.s32 s0, s2  }
0x55c: {  	v10 =	vld.idx.msk [tilespmem:v3+s0+$0x10 ss:$0x1], $0xffff;
	_ =	sdelay $0x1  }
0x55d: {  	v8 =	vld.idx.msk [tilespmem:v3+s0+$0x30 ss:$0x1], $0xffff;
	v4 =	vmul.f32 $3.276800000e+04, v4;
	_ =	sdelay $0x1  }
0x55e: {  	v7 =	vmul.f32 $3.276800000e+04, v7;
	v4 =	vtrunc.f32 v4  }
0x55f: {  	v10 =	vmul.f32 $3.276800000e+04, v10;
	v9 =	vcvt.f32.s32 v4  }
0x560: {  	s20 =	simm.s32 $0x400;
	v4 =	vmul.f32 $3.276800000e+04, v5;
	v5 =	vmul.f32 $3.276800000e+04, v6;
	v6 =	vld.idx.msk [tilespmem:v3+s0+$0x0 ss:$0x1], $0xffff  }
0x561: {  	s2 =	sand.u32 $0x1C00, s20;
	v11 =	vld.idx.msk [tilespmem:v3+s0+$0x20 ss:$0x1], $0xffff;
	v8 =	vmul.f32 $3.276800000e+04, v8;
	s0 =	simm.s32 $0x80;
	v15 =	vtrunc.f32 v10  }
0x562: {  	s2 =	sadd.s32 s2, s1;
	s4 =	sand.u32 $0x40, s0;
	v4 =	vtrunc.f32 v4;
	v5 =	vtrunc.f32 v5  }
0x563: {  	s2 =	sadd.s32 s4, s2;
	v14 =	vcvt.f32.s32 v4;
	v4 =	vtrunc.f32 v7  }
0x564: {  	v5 =	vcvt.f32.s32 v5;
	v7 =	vld.idx.msk [tilespmem:v3+s2+$0x30 ss:$0x1], $0xffff;
	v4 =	vcvt.f32.s32 v4  }
0x565: {  	v10 =	vld.idx.msk [tilespmem:v3+s2+$0x20 ss:$0x1], $0xffff;
	v12 =	vmul.f32 $3.276800000e+04, v6;
	v6 =	vtrunc.f32 v8  }
0x566: {  	v11 =	vmul.f32 $3.276800000e+04, v11;
	v8 =	vld.idx.msk [tilespmem:v3+s2+$0x0 ss:$0x1], $0xffff;
	v6 =	vcvt.f32.s32 v6  }
0x567: {  	[tilespmem:v9+s23+$0x0] =	vst.idx.add.f32.msk $0xffff, v1;
	v12 =	vtrunc.f32 v12  }
0x568: {  	v9 =	vld.idx.msk [tilespmem:v3+s2+$0x10 ss:$0x1], $0xffff;
	v13 =	vcvt.f32.s32 v12;
	v12 =	vtrunc.f32 v11  }
0x569: {  	s2 =	simm.s32 $0x600;
	v11 =	vcvt.f32.s32 v15;
	v12 =	vcvt.f32.s32 v12;
	[tilespmem:v14+s23+$0x0] =	vst.idx.add.f32.msk $0xffff, v1  }
.LBB2_111:
0x56a: {  	s0 =	sadd.s32 $0x40, s0;
	s4 =	sand.u32 $0x1C00, s2;
	[tilespmem:v5+s23+$0x0] =	vst.idx.add.f32.msk $0xffff, v1;
	v14 =	vmov v13  }
0x56b: {  	v13 =	vmul.f32 $3.276800000e+04, v7;
	s5 =	sand.u32 $0x40, s0;
	s4 =	sadd.s32 s4, s1;
	p0 =	slt.u32 s0, $0x240;
	[tilespmem:v4+s23+$0x0] =	vst.idx.add.f32.msk $0xffff, v1;
	v5 =	vmov v11;
	v4 =	vmov v12  }
0x56c: {  	v11 =	vmul.f32 $3.276800000e+04, v8;
	s4 =	sadd.s32 s5, s4;
	[tilespmem:v6+s23+$0x0] =	vst.idx.add.f32.msk $0xffff, v1  }
.Ltmp54:
0x56d: {  	v12 =	vmul.f32 $3.276800000e+04, v9;
	v6 =	vtrunc.f32 v13;
	v7 =	vld.idx.msk [tilespmem:v3+s4+$0x30 ss:$0x1], $0xffff;
	(pc) =	sbr.rel @p0 .LBB2_111-.Ltmp54, $4  }
0x56e: {  	v15 =	vmul.f32 $3.276800000e+04, v10;
	v6 =	vcvt.f32.s32 v6;
	v8 =	vld.idx.msk [tilespmem:v3+s4+$0x0 ss:$0x1], $0xffff  }
0x56f: {  	v11 =	vtrunc.f32 v11;
	v12 =	vtrunc.f32 v12;
	v9 =	vld.idx.msk [tilespmem:v3+s4+$0x10 ss:$0x1], $0xffff  }
0x570: {  	v13 =	vcvt.f32.s32 v11;
	v15 =	vtrunc.f32 v15;
	v10 =	vld.idx.msk [tilespmem:v3+s4+$0x20 ss:$0x1], $0xffff  }
0x571: {  	s2 =	sadd.s32 $0x200, s2;
	v11 =	vcvt.f32.s32 v12;
	v12 =	vcvt.f32.s32 v15;
	[tilespmem:v14+s23+$0x0] =	vst.idx.add.f32.msk $0xffff, v1  }
0x572: {  	_ = 	snop  }
0x573: {  	v3 =	vmul.f32 $3.276800000e+04, v7  }
0x574: {  	v58 =	vmul.f32 $3.276800000e+04, v8;
	v59 =	vmul.f32 $3.276800000e+04, v9  }
0x575: {  	v3 =	vtrunc.f32 v3;
	v60 =	vmul.f32 $3.276800000e+04, v10  }
0x576: {  	[tilespmem:v5+s23+$0x0] =	vst.idx.add.f32.msk $0xffff, v1;
	v3 =	vcvt.f32.s32 v3;
	v61 =	vtrunc.f32 v58  }
0x577: {  	[tilespmem:v4+s23+$0x0] =	vst.idx.add.f32.msk $0xffff, v1;
	v62 =	vtrunc.f32 v59;
	v5 =	vcvt.f32.s32 v61  }
0x578: {  	[tilespmem:v6+s23+$0x0] =	vst.idx.add.f32.msk $0xffff, v1;
	v63 =	vtrunc.f32 v60;
	v4 =	vcvt.f32.s32 v62  }
0x579: {  	[tilespmem:v13+s23+$0x0] =	vst.idx.add.f32.msk $0xffff, v1;
	v6 =	vcvt.f32.s32 v63  }
0x57a: {  	[tilespmem:v11+s23+$0x0] =	vst.idx.add.f32.msk $0xffff, v1  }
0x57b: {  	[tilespmem:v12+s23+$0x0] =	vst.idx.add.f32.msk $0xffff, v1  }
0x57c: {  	[tilespmem:v3+s23+$0x0] =	vst.idx.add.f32.msk $0xffff, v1  }
0x57d: {  	[tilespmem:v5+s23+$0x0] =	vst.idx.add.f32.msk $0xffff, v1  }
0x57e: {  	[tilespmem:v4+s23+$0x0] =	vst.idx.add.f32.msk $0xffff, v1  }
0x57f: {  	s0 =	sadd.s32 s31, s1;
	s1 =	simm.s32 $0x270;
	s2 =	simm.s32 $0x1400;
	[tilespmem:v6+s23+$0x0] =	vst.idx.add.f32.msk $0xffff, v1  }
.LBB2_113:
0x580: {  	s4 =	sand.u32 $0x3FFFFC00, s2  }
0x581: {  	s4 =	sadd.s32 s4, s30  }
0x582: {  	v3 =	vld [tilespmem:s4+$0x0];
	_ =	sdelay $0x4  }
0x583: {  	v3 =	vmul.f32 $3.276800000e+04, v3;
	_ =	sdelay $0x1  }
0x584: {  	v3 =	vtrunc.f32 v3  }
0x585: {  	s1 =	sadd.s32 $0x10, s1;
	v3 =	vcvt.f32.s32 v3  }
0x586: {  	p0 =	slt.u32 s1, $0x290  }
.Ltmp55:
0x587: {  	_ = 	snop;
	(pc) =	sbr.rel @p0 .LBB2_113-.Ltmp55, $2  }
0x588: {  	_ =	sdelay $0x2  }
0x589: {  	s2 =	sadd.s32 $0x80, s2;
	s30 =	sadd.s32 $0x10, s30;
	[tilespmem:v3+s23+$0x0] =	vst.idx.add.f32.msk $0xffff, v1  }
0x58a: {  	v3 =	vld [tilespmem:s0+$0x1415];
	_ =	sdelay $0x4  }
0x58b: {  	v3 =	vmul.f32 $3.276800000e+04, v3;
	_ =	sdelay $0x1  }
0x58c: {  	v3 =	vtrunc.f32 v3  }
0x58d: {  	s29 =	sadd.s32 $0x1, s29;
	v3 =	vcvt.f32.s32 v3  }
0x58e: {  	p0 =	sne.s32 s29, $0x30  }
.Ltmp56:
0x58f: {  	_ = 	snop;
	(pc) =	sbr.rel @p0 .LBB2_110-.Ltmp56, $2  }
0x590: {  	_ =	sdelay $0x2  }
0x591: {  	s28 =	sadd.s32 $0x1, s28;
	[tilespmem:v3+s23+$0x0] =	vst.idx.add.f32.msk vm0, v1  }
0x592: {  	_ =	swait.ge [sflag:s3], $0xF00  }
0x593: {  	s26 =	simm.s32 $0x0;
	[sflag:s3] =	ssyncset.done $0x0  }
0x594: {  	s28 =	simm.s32 $0x12000;
	s29 =	simm.s32 $0x0;
	[sflag:s3] =	ssyncadd.s32 $0xFFFFF100  }
.LBB2_116:
0x595: {  	s0 =	simm.s32 $0x0  }
0x596: {  	s1 =	sand.u32 $0x1C00, s26;
	s0 =	sand.u32 $0x40, s0  }
0x597: {  	s30 =	sshll.u32 s29, $0x7;
	s0 =	sor.u32 s0, s1  }
0x598: {  	v3 =	vmov s30;
	s1 =	sadd.s32 s0, s30  }
0x599: {  	s1 =	sadd.s32 $0x12000, s1  }
0x59a: {  	v4 =	vld [tilespmem:s1+$0x30];
	_ =	sdelay $0x1  }
0x59b: {  	s19 =	simm.s32 $0x40;
	s2 =	simm.s32 $0x200;
	v6 =	vld [tilespmem:s1+$0x10]  }
0x59c: {  	s20 =	sand.u32 $0x1C00, s2;
	v5 =	vld.idx.msk [tilespmem:v3+s0+$0x12000 ss:$0x1], $0xffff;
	s0 =	sand.u32 $0x40, s19  }
0x59d: {  	v7 =	vld [tilespmem:s1+$0x20];
	s0 =	sor.u32 s0, s20  }
0x59e: {  	s1 =	sadd.s32 s0, s30;
	v4 =	vmul.f32 $3.276800000e+04, v4  }
0x59f: {  	v8 =	vld.idx.msk [tilespmem:v3+s0+$0x12000 ss:$0x1], $0xffff;
	s1 =	sadd.s32 $0x12000, s1  }
0x5a0: {  	v9 =	vld [tilespmem:s1+$0x30];
	v4 =	vtrunc.f32 v4  }
0x5a1: {  	v6 =	vmul.f32 $3.276800000e+04, v6;
	v11 =	vld [tilespmem:s1+$0x20];
	v10 =	vcvt.f32.s32 v4  }
0x5a2: {  	v4 =	vmul.f32 $3.276800000e+04, v5;
	v5 =	vmul.f32 $3.276800000e+04, v7;
	v7 =	vld [tilespmem:s1+$0x10]  }
0x5a3: {  	v6 =	vtrunc.f32 v6  }
0x5a4: {  	s0 =	simm.s32 $0x400;
	s1 =	simm.s32 $0x80;
	v6 =	vcvt.f32.s32 v6;
	v12 =	vmul.f32 $3.276800000e+04, v8  }
0x5a5: {  	s4 =	sand.u32 $0x1C00, s0;
	s31 =	sand.u32 $0x40, s1;
	v4 =	vtrunc.f32 v4;
	v5 =	vtrunc.f32 v5  }
0x5a6: {  	s2 =	sor.u32 s31, s4;
	v9 =	vmul.f32 $3.276800000e+04, v9;
	v11 =	vmul.f32 $3.276800000e+04, v11  }
0x5a7: {  	v5 =	vcvt.f32.s32 v5;
	s4 =	sadd.s32 s2, s30;
	v8 =	vld.idx.msk [tilespmem:v3+s2+$0x12000 ss:$0x1], $0xffff;
	v7 =	vmul.f32 $3.276800000e+04, v7  }
0x5a8: {  	v4 =	vcvt.f32.s32 v4;
	s4 =	sadd.s32 $0x12000, s4;
	[tilespmem:v10+s23+$0x0] =	vst.idx.add.f32.msk $0xffff, v1;
	v10 =	vtrunc.f32 v9  }
0x5a9: {  	v9 =	vld [tilespmem:s4+$0x30];
	v13 =	vtrunc.f32 v7;
	v7 =	vcvt.f32.s32 v10  }
0x5aa: {  	v14 =	vtrunc.f32 v12;
	v15 =	vtrunc.f32 v11;
	v10 =	vld [tilespmem:s4+$0x10]  }
0x5ab: {  	v11 =	vld [tilespmem:s4+$0x20];
	v12 =	vcvt.f32.s32 v13;
	v13 =	vcvt.f32.s32 v15  }
.LBB2_117:
0x5ac: {  	s1 =	sadd.s32 $0x40, s1;
	s0 =	sadd.s32 $0x200, s0;
	v14 =	vcvt.f32.s32 v14;
	[tilespmem:v6+s23+$0x0] =	vst.idx.add.f32.msk $0xffff, v1  }
0x5ad: {  	s2 =	sand.u32 $0x40, s1;
	s4 =	sand.u32 $0x1C00, s0;
	p0 =	slt.u32 s1, $0x240;
	[tilespmem:v5+s23+$0x0] =	vst.idx.add.f32.msk $0xffff, v1;
	v6 =	vmov v12;
	v5 =	vmov v13  }
0x5ae: {  	v12 =	vmul.f32 $3.276800000e+04, v8;
	s2 =	sor.u32 s2, s4;
	v9 =	vmul.f32 $3.276800000e+04, v9;
	[tilespmem:v4+s23+$0x0] =	vst.idx.add.f32.msk $0xffff, v1;
	v4 =	vmov v14  }
.Ltmp57:
0x5af: {  	s4 =	sadd.s32 s2, s30;
	v10 =	vmul.f32 $3.276800000e+04, v10;
	[tilespmem:v7+s23+$0x0] =	vst.idx.add.f32.msk $0xffff, v1;
	(pc) =	sbr.rel @p0 .LBB2_117-.Ltmp57, $4  }
0x5b0: {  	s4 =	sadd.s32 $0x12000, s4;
	v8 =	vld.idx.msk [tilespmem:v3+s2+$0x12000 ss:$0x1], $0xffff;
	v11 =	vmul.f32 $3.276800000e+04, v11;
	v7 =	vtrunc.f32 v9  }
0x5b1: {  	v9 =	vld [tilespmem:s4+$0x30];
	v13 =	vtrunc.f32 v10;
	v7 =	vcvt.f32.s32 v7  }
0x5b2: {  	v14 =	vtrunc.f32 v12;
	v10 =	vld [tilespmem:s4+$0x10];
	v15 =	vtrunc.f32 v11  }
0x5b3: {  	v12 =	vcvt.f32.s32 v13;
	v11 =	vld [tilespmem:s4+$0x20];
	v13 =	vcvt.f32.s32 v15  }
0x5b4: {  	_ =	sdelay $0x1  }
0x5b5: {  	v3 =	vcvt.f32.s32 v14;
	v8 =	vmul.f32 $3.276800000e+04, v8  }
0x5b6: {  	v9 =	vmul.f32 $3.276800000e+04, v9;
	v10 =	vmul.f32 $3.276800000e+04, v10  }
0x5b7: {  	[tilespmem:v6+s23+$0x0] =	vst.idx.add.f32.msk $0xffff, v1;
	v63 =	vtrunc.f32 v8;
	v60 =	vmul.f32 $3.276800000e+04, v11  }
0x5b8: {  	[tilespmem:v5+s23+$0x0] =	vst.idx.add.f32.msk $0xffff, v1;
	v9 =	vtrunc.f32 v9;
	v6 =	vcvt.f32.s32 v63  }
0x5b9: {  	[tilespmem:v4+s23+$0x0] =	vst.idx.add.f32.msk $0xffff, v1;
	v61 =	vtrunc.f32 v10;
	v9 =	vcvt.f32.s32 v9  }
0x5ba: {  	[tilespmem:v7+s23+$0x0] =	vst.idx.add.f32.msk $0xffff, v1;
	v62 =	vtrunc.f32 v60;
	v5 =	vcvt.f32.s32 v61  }
0x5bb: {  	[tilespmem:v12+s23+$0x0] =	vst.idx.add.f32.msk $0xffff, v1;
	v4 =	vcvt.f32.s32 v62  }
0x5bc: {  	[tilespmem:v13+s23+$0x0] =	vst.idx.add.f32.msk $0xffff, v1  }
0x5bd: {  	[tilespmem:v3+s23+$0x0] =	vst.idx.add.f32.msk $0xffff, v1  }
0x5be: {  	[tilespmem:v6+s23+$0x0] =	vst.idx.add.f32.msk $0xffff, v1  }
0x5bf: {  	[tilespmem:v9+s23+$0x0] =	vst.idx.add.f32.msk $0xffff, v1  }
0x5c0: {  	s0 =	sand.u32 $0x3FFFFF80, s30;
	[tilespmem:v5+s23+$0x0] =	vst.idx.add.f32.msk $0xffff, v1  }
0x5c1: {  	s1 =	simm.s32 $0x270;
	s2 =	simm.s32 $0x1400;
	s4 =	smov.u32 s28;
	[tilespmem:v4+s23+$0x0] =	vst.idx.add.f32.msk $0xffff, v1  }
.LBB2_119:
0x5c2: {  	s5 =	sand.u32 $0x3FFFFC00, s2  }
0x5c3: {  	s5 =	sadd.s32 s5, s4  }
0x5c4: {  	v3 =	vld [tilespmem:s5+$0x0];
	_ =	sdelay $0x4  }
0x5c5: {  	v3 =	vmul.f32 $3.276800000e+04, v3;
	_ =	sdelay $0x1  }
0x5c6: {  	v3 =	vtrunc.f32 v3  }
0x5c7: {  	s1 =	sadd.s32 $0x10, s1;
	v3 =	vcvt.f32.s32 v3  }
0x5c8: {  	p0 =	slt.u32 s1, $0x290  }
.Ltmp58:
0x5c9: {  	_ = 	snop;
	(pc) =	sbr.rel @p0 .LBB2_119-.Ltmp58, $2  }
0x5ca: {  	_ =	sdelay $0x2  }
0x5cb: {  	s2 =	sadd.s32 $0x80, s2;
	s4 =	sadd.s32 $0x10, s4;
	[tilespmem:v3+s23+$0x0] =	vst.idx.add.f32.msk $0xffff, v1  }
0x5cc: {  	v3 =	vld [tilespmem:s0+$0x13415];
	_ =	sdelay $0x4  }
0x5cd: {  	v3 =	vmul.f32 $3.276800000e+04, v3;
	_ =	sdelay $0x1  }
0x5ce: {  	v3 =	vtrunc.f32 v3  }
0x5cf: {  	s29 =	sadd.s32 $0x1, s29;
	v3 =	vcvt.f32.s32 v3  }
0x5d0: {  	p0 =	sne.s32 s29, $0x5  }
.Ltmp59:
0x5d1: {  	_ = 	snop;
	(pc) =	sbr.rel @p0 .LBB2_116-.Ltmp59, $3  }
0x5d2: {  	_ =	sdelay $0x1  }
0x5d3: {  	s0 =	simm.s32 $0x13800  }
0x5d4: {  	s28 =	sadd.s32 $0x80, s28;
	[tilespmem:v3+s0+$0x0] =	vst.idx.add.f32.msk vm0, v1  }
0x5d5: {  	v3 =	vld [tilespmem:s0+$0x0];
	s26 =	simm.s32 $0x13810  }
0x5d6: {  	v4 =	vld [tilespmem:s26+$0x0];
	_ =	sdelay $0x3  }
0x5d7: {  	(xrf2) =	vadd.scan.msk.f32 $0xffff, v3  }
0x5d8: {  	(xrf2) =	vadd.scan.msk.f32 $0xffff, v4;
	_ =	sdelay $0x3  }
0x5d9: {  	s1 =	simm.s32 $0x13820  }
0x5da: {  	v3 =	vld [tilespmem:s1+$0x0];
	_ =	sdelay $0x3  }
0x5db: {  	v4, _, _ =	vpop (xrf2)  }
0x5dc: {  	(v2sf) =	vpush v4, $0xF;
	v5, _, _ =	vpop (xrf2);
	(xrf2) =	vadd.scan.msk.f32 $0xffff, v3  }
0x5dd: {  	s2 =	simm.s32 $0x13830  }
0x5de: {  	v6 =	vld [tilespmem:s2+$0x0];
	(v2sf) =	vpush v5, $0xF  }
0x5df: {  	s4 =	simm.f32 $0.0e+00  }
0x5e0: {  	v3 =	vadd.f32 s4, v4;
	_ =	sdelay $0x1  }
0x5e1: {  	vm1 =	vle.f32 v3, $2.291640000e+05  }
0x5e2: {  	(xrf2) =	vadd.scan.msk.f32 $0xffff, v6;
	v3 =	vsel vm1, $0x3F800000, v2;
	_ =	sdelay $0x1  }
0x5e3: {  	(xrf2) =	vadd.scan.msk.f32 $0xffff, v3  }
0x5e4: {  	v3, _, _ =	vpop (xrf2)  }
0x5e5: {  	(v2sf) =	vpush v3, $0xF;
	_ =	sdelay $0x3  }
0x5e6: {  	s1 =	simm.s32 $0x13840;
	s2 =	spop (v2sf)  }
0x5e7: {  	v4 =	vld [tilespmem:s1+$0x0];
	s0 =	sadd.f32 s2, s4  }
0x5e8: {  	s5 =	simm.s32 $0x13850;
	v6, _, _ =	vpop (xrf2);
	s6 =	spop (v2sf)  }
0x5e9: {  	v7 =	vld [tilespmem:s5+$0x0];
	(v2sf) =	vpush v6, $0xF;
	v5 =	vadd.f32 s0, v5;
	s0 =	sadd.f32 s6, s0  }
0x5ea: {  	v8, _, _ =	vpop (xrf2)  }
0x5eb: {  	(v2sf) =	vpush v8, $0xF;
	vm1 =	vle.f32 v5, $2.291640000e+05;
	v3 =	vadd.f32 s0, v3  }
0x5ec: {  	(xrf2) =	vadd.scan.msk.f32 $0xffff, v4;
	v4 =	vsel vm1, $0x3F800000, v2  }
0x5ed: {  	(xrf2) =	vadd.scan.msk.f32 $0xffff, v4;
	vm1 =	vle.f32 v3, $2.291640000e+05  }
0x5ee: {  	(xrf2) =	vadd.scan.msk.f32 $0xffff, v7;
	v3 =	vsel vm1, $0x3F800000, v2  }
0x5ef: {  	(xrf2) =	vadd.scan.msk.f32 $0xffff, v3;
	_ =	sdelay $0x1  }
0x5f0: {  	s19 =	spop (v2sf)  }
0x5f1: {  	s0 =	sadd.f32 s19, s0;
	_ =	sdelay $0x1  }
0x5f2: {  	v3 =	vadd.f32 s0, v6  }
0x5f3: {  	s18 =	simm.s32 $0x13860  }
0x5f4: {  	v4 =	vld [tilespmem:s18+$0x0];
	v5, _, _ =	vpop (xrf2)  }
0x5f5: {  	(v2sf) =	vpush v5, $0xF;
	v6, _, _ =	vpop (xrf2)  }
0x5f6: {  	s4 =	spop (v2sf);
	vm1 =	vle.f32 v3, $2.291640000e+05;
	(v2sf) =	vpush v6, $0xF;
	v3, _, _ =	vpop (xrf2)  }
0x5f7: {  	(v2sf) =	vpush v3, $0xF;
	v6, _, _ =	vpop (xrf2)  }
0x5f8: {  	s20 =	spop (v2sf);
	(v2sf) =	vpush v6, $0xF  }
0x5f9: {  	(xrf2) =	vadd.scan.msk.f32 $0xffff, v4;
	_ =	sdelay $0x1  }
0x5fa: {  	s31 =	simm.s32 $0x30;
	s5 =	simm.s32 $0x13870;
	v4 =	vsel vm1, $0x3F800000, v2  }
0x5fb: {  	s30 =	simm.s32 $0x50;
	s28 =	simm.s32 $0x60;
	s29 =	simm.s32 $0x70;
	(xrf2) =	vadd.scan.msk.f32 $0xffff, v4;
	v4 =	vld [tilespmem:s5+$0x0]  }
0x5fc: {  	s26 =	simm.s32 $0x0;
	s1 =	simm.s32 $0x40;
	s0 =	sadd.f32 s4, s0  }
0x5fd: {  	s2 =	simm.s32 $0x20;
	s18 =	simm.s32 $0x80;
	s19 =	simm.s32 $0x10  }
0x5fe: {  	p0 =	sgt.f32 s20, $0.0e+00;
	s4 =	scvt.f32.s32 s20;
	s20 =	simm.s32 $0x0;
	v5 =	vadd.f32 s0, v5  }
.LBB2_122:
0x5ff: {  	p1 =	sne.s32 s18, $0x7FF0;
	s6 =	smov.u32 s18;
	s18 =	sadd.s32 $0x10, s18  }
0x600: {  	(xrf2) =	vadd.scan.msk.f32 $0xffff, v4;
	vm1 =	vle.f32 v5, $2.291640000e+05;
	s4 =	sadd.s32 s4, s20;
	s20 =	smov.u32 s19;
	s19 =	smov.u32 s2  }
0x601: {  	s2 =	smov.u32 s31;
	s31 =	smov.u32 s1;
	v5 =	vsel vm1, $0x3F800000, v2;
	s26 =	smov.u32 @p0 s4  }
.Ltmp60:
0x602: {  	s5 =	sadd.s32 $0x10, s5;
	s1 =	smov.u32 s30;
	v6, _, _ =	vpop (xrf2);
	(pc) =	sbr.rel @p1 .LBB2_122-.Ltmp60, $4  }
0x603: {  	s30 =	smov.u32 s28;
	s28 =	smov.u32 s29;
	v4 =	vld [tilespmem:s5+$0x0];
	(xrf2) =	vadd.scan.msk.f32 $0xffff, v5;
	s4 =	spop (v2sf)  }
0x604: {  	s29 =	smov.u32 s6;
	(v2sf) =	vpush v6, $0xF;
	s0 =	sadd.f32 s4, s0  }
0x605: {  	v7, _, _ =	vpop (xrf2);
	s4 =	spop (v2sf)  }
0x606: {  	v5 =	vadd.f32 s0, v3;
	(v2sf) =	vpush v7, $0xF;
	p0 =	sgt.f32 s4, $0.0e+00;
	s4 =	scvt.f32.s32 s4;
	v3 =	vmov v6  }
0x607: {  	_ =	sdelay $0x2  }
0x608: {  	v6, _, _ =	vpop (xrf2)  }
0x609: {  	(v2sf) =	vpush v6, $0xF;
	_ =	sdelay $0x6  }
0x60a: {  	(xrf2) =	vadd.scan.msk.f32 $0xffff, v4;
	_ =	sdelay $0x2  }
0x60b: {  	s5 =	spop (v2sf)  }
0x60c: {  	s0 =	sadd.f32 s5, s0  }
0x60d: {  	s5 =	spop (v2sf)  }
0x60e: {  	v3 =	vadd.f32 s0, v3;
	s6 =	spop (v2sf)  }
0x60f: {  	s6 =	sadd.f32 s6, s0;
	s18 =	spop (v2sf)  }
0x610: {  	vm1 =	vle.f32 v5, $2.291640000e+05;
	s0 =	spop (v2sf)  }
0x611: {  	v59 =	vsel vm1, $0x3F800000, v2;
	v60, _, _ =	vpop (xrf2);
	s0 =	sadd.f32 s0, s6  }
0x612: {  	(xrf2) =	vadd.scan.msk.f32 $0xffff, v59;
	vm1 =	vle.f32 v3, $2.291640000e+05;
	v3, _, _ =	vpop (xrf2);
	v61 =	vadd.f32 s6, v6  }
0x613: {  	v62 =	vsel vm1, $0x3F800000, v2;
	v7 =	vadd.f32 s0, v3  }
0x614: {  	(xrf2) =	vadd.scan.msk.f32 $0xffff, v62;
	vm1 =	vle.f32 v61, $2.291640000e+05  }
0x615: {  	v5 =	vsel vm1, $0x3F800000, v2;
	vm1 =	vle.f32 v7, $2.291640000e+05  }
0x616: {  	(xrf2) =	vadd.scan.msk.f32 $0xffff, v5;
	v63 =	vsel vm1, $0x3F800000, v2  }
0x617: {  	(xrf2) =	vadd.scan.msk.f32 $0xffff, v63;
	_ =	sdelay $0x3  }
0x618: {  	(v2sf) =	vpush v60, $0xF  }
0x619: {  	(v2sf) =	vpush v3, $0xF;
	v3, _, _ =	vpop (xrf2)  }
0x61a: {  	(v2sf) =	vpush v3, $0xF  }
0x61b: {  	v3, _, _ =	vpop (xrf2)  }
0x61c: {  	(v2sf) =	vpush v3, $0xF  }
0x61d: {  	v3, _, _ =	vpop (xrf2)  }
0x61e: {  	(v2sf) =	vpush v3, $0xF;
	v3, _, _ =	vpop (xrf2)  }
0x61f: {  	(v2sf) =	vpush v3, $0xF;
	_ =	sdelay $0x5  }
0x620: {  	s4 =	sadd.s32 s4, s20;
	s6 =	scvt.f32.s32 s5  }
0x621: {  	p1 =	sgt.f32 s5, $0.0e+00;
	s26 =	smov.u32 @p0 s4;
	p0 =	sgt.f32 s18, $0.0e+00  }
0x622: {  	s18 =	scvt.f32.s32 s18;
	s20 =	spop (v2sf);
	s0 =	sadd.s32 s6, s19  }
0x623: {  	s26 =	smov.u32 @p1 s0;
	s6 =	spop (v2sf)  }
0x624: {  	s5 =	scvt.f32.s32 s20;
	s0 =	sadd.s32 s18, s2;
	s19 =	spop (v2sf)  }
0x625: {  	p1 =	sgt.f32 s20, $0.0e+00;
	s26 =	smov.u32 @p0 s0;
	s20 =	scvt.f32.s32 s19  }
0x626: {  	s0 =	sadd.s32 s5, s31;
	p0 =	sgt.f32 s19, $0.0e+00;
	s4 =	spop (v2sf)  }
0x627: {  	s26 =	smov.u32 @p1 s0;
	s5 =	scvt.f32.s32 s4;
	s0 =	sadd.s32 s20, s1  }
0x628: {  	s26 =	smov.u32 @p0 s0;
	p0 =	sgt.f32 s4, $0.0e+00;
	s6 =	spop (v2sf)  }
0x629: {  	s18 =	scvt.f32.s32 s6;
	s19 =	spop (v2sf)  }
0x62a: {  	s0 =	sadd.s32 s5, s30;
	p1 =	sgt.f32 s6, $0.0e+00;
	s20 =	scvt.f32.s32 s19  }
0x62b: {  	s26 =	smov.u32 @p0 s0;
	s0 =	sadd.s32 s18, s28;
	p0 =	sgt.f32 s19, $0.0e+00  }
0x62c: {  	s26 =	smov.u32 @p1 s0;
	s0 =	sadd.s32 s20, s29  }
0x62d: {  	s26 =	smov.u32 @p0 s0  }
0x62e: {  	s0 =	scvt.s32.f32 s26;
	_ =	sdelay $0x1  }
0x62f: {  	s0 =	smul.f32 $3.051757810e-05, s0;
	_ =	sdelay $0x1  }
0x630: {  	v3 =	vmov s0  }
0x631: {  	v3 =	vadd.f32 $0.0e+00, v3;
	_ =	sdelay $0x1  }
0x632: {  	v3 =	vbroadcast v3, $0x0  }
0x633: {  	s30 =	simm.s32 $0x3  }
0x634: {  	s28 =	rddreg [dreg:$0x7];
	s29 =	simm.s32 $0x1B800;
	s26 =	simm.s32 $0x0;
	[tilespmem:$0x1B800] =	vst v3  }
0x635: {  	[hbm4b:s28+s26] =	stream.linear.scatter [tilespmem:s29], [sflag:$0x3], $0x80, $0x38;
	[tilespmem:$0x1B880] =	vst v63  }
0x636: {  	_ =	swait.ge [sflag:s30], $0x80  }
0x637: {  	s25 =	sadd.s32 $0x1, s25;
	s31 =	rddreg [dreg:$0x8]  }
0x638: {  	p0 =	sne.s32 s25, s31  }
.Ltmp61:
0x639: {  	_ = 	snop;
	(pc) =	sbr.rel @p0 .LBB2_1-.Ltmp61, $3  }
0x63a: {  	_ =	sdelay $0x1  }
0x63b: {  	[sflag:s30] =	ssyncset.done $0x0  }
0x63c: {  	[sflag:s30] =	ssyncadd.s32 $0xFFFFFF80  }
0x63d: {  	_ =	sfence.sel $0x180000  }
0x63e: {  	[bflag:$0x0] =	sbarrier.arrive $0xFFFF  }
0x63f: {  	_ =	strace $0x90000047  }
0x640: {  	s0 =	stileid.u32;
	[bflag:$0x2] =	sbarrier.arrive $0xFFFF  }
0x641: {  	p0 =	sne.s32 s0, $0x0;
	s0 =	rddreg [dreg:$0x2]  }
0x642: {  	s0 =	sadd.s32 @!p0 $0x100000, s0  }
0x643: {  	[sflag:s0] =	ssyncadd.tile.s32 @!p0 $0x1;
	_ =	shalt  }
.Lfunc_end2:
_tile_overlayer_lowered:
.L_overlay_start_2:
0x644: {  	(tag) =	ssettag $0x2  }
0x645: {  	s0 =	rddreg [dreg:$0x0];
	s2 =	stileid.u32  }
0x646: {  	s1 =	rddreg [dreg:$0x1];
	p0 =	sne.s32 s2, $0x0  }
0x647: {  	s3 =	rddreg [dreg:$0x2];
	[bflag:$0x3] =	sbarrier.arrive $0xFFFF;
	s2 =	simm.s32 @!p0 $0x1C03  }
0x648: {  	[timem:s3], [sflag:s2] =	dma.local @!p0 [hbm:s0], s1  }
0x649: {  	s0 =	simm.s32 @!p0 $0x3  }
0x64a: {  	_ =	swait.ge @!p0 [sflag:s0], s1  }
0x64b: {  	s1 =	ssub.s32 @!p0 $0x0, s1;
	[sflag:s0] =	ssyncset.done @!p0 $0x0  }
0x64c: {  	[sflag:s0] =	ssyncadd.s32 @!p0 s1  }
0x64d: {  	[bflag:$0x3] =	sbarrier.arrive $0xFFFF  }
0x64e: {  	_ =	shalt  }

</sc_bundles>
